<compile_context>
chip_gen: v7x
topology: tpu7x:2x2x1
jax: 0.10.2.dev20260603
libtpu: 0.0.44.dev20260713+nightly
codegen_flags: <defaults>
</compile_context>

<pallas_src>
import functools

import jax
import jax.numpy as jnp
from jax import lax
from jax.experimental import pallas as pl
from jax.experimental.pallas import tpu as pltpu
from jax.experimental.pallas import tpu_sc as plsc

B = 8
C_IN = 3
H = 512
W = 512
P = 16
C = 192
NCLS = 2
TK = 29
Hp = H // P
Wp = W // P
T = Hp * Wp
KPAD = 32
CPAD = 256
L = 16

_HI = lax.Precision.HIGHEST


def _ktc(x_ref, w_ref, be_ref, wd_ref, bd_ref,
         lt_ref, feat_ref, flag_ref, ts_ref):
    w = w_ref[...]
    q = x_ref[0].reshape(C_IN, Hp, P, Wp, P)
    pieces = [q[c, :, pi].reshape(T, P)
              for c in range(C_IN) for pi in range(P)]
    xp = jnp.concatenate(pieces, axis=1)
    feat = jnp.concatenate(
        [lax.dot_general(xp[i * Wp:(i + 1) * Wp], w, (((1,), (0,)), ((), ())))
         for i in range(Hp)], axis=0)
    feat = feat + be_ref[...]
    feat_ref[0, :, :C] = feat
    lt = lax.dot_general(wd_ref[...], feat, (((1,), (1,)), ((), ())))
    lt = lt + bd_ref[...]
    lt_ref[0] = lt
    flag_ref[0] = (lt[1:2] > lt[0:1]).astype(jnp.int32)
    ts_ref[0] = jnp.sum(feat, axis=0, keepdims=True)


def _kmask(lt_ref, mask_ref):
    lt = lt_ref[0]
    col = lax.broadcasted_iota(jnp.int32, (Wp, W), 1) // P
    row = lax.broadcasted_iota(jnp.int32, (Wp, W), 0)
    e = (col == row).astype(jnp.float32)
    for c in range(NCLS):
        for i in range(Hp):
            r = lt[c:c + 1, i * Wp:(i + 1) * Wp]
            ex = lax.dot_general(r, e, (((1,), (0,)), ((), ())),
                                 precision=_HI)
            mask_ref[0, c, i * P:(i + 1) * P, :] = jnp.broadcast_to(ex, (P, W))


def _ksc(flags_hbm, featflat_hbm, ts_hbm, idx_hbm, mrg_hbm,
         fl_v, idx_v, gidx_v, rows_v, ts_v, sem):
    wid = lax.axis_index("s") * 2 + lax.axis_index("c")

    @pl.when(wid < B)
    def _work():
        b = wid
        pltpu.sync_copy(flags_hbm.at[pl.ds(b * T, T)], fl_v)
        pltpu.sync_copy(ts_hbm.at[pl.ds(b * C, C)], ts_v)

        def count_body(i, acc):
            return acc + jnp.sum(fl_v[pl.ds(i * L, L)])
        ns = lax.fori_loop(0, T // L, count_body, jnp.int32(0))

        lane = lax.iota(jnp.int32, L)

        def pos_body(i, c1):
            v = fl_v[pl.ds(i * L, L)]
            cum = c1 + jnp.cumsum(v)
            t = i * L + lane
            pos = jnp.where(v > 0, cum - 1, ns + (t - cum))
            plsc.store_scatter(idx_v, [pos], t, mask=pos < KPAD)
            return c1 + jnp.sum(v)
        lax.fori_loop(0, T // L, pos_body, jnp.int32(0))

        base = b * T
        for h in range(KPAD // L):
            s = pl.ds(h * L, L)
            gidx_v[s] = idx_v[s] + base
        pltpu.async_copy(featflat_hbm.at[gidx_v], rows_v, sem).wait()

        for k in range(C // L):
            s = pl.ds(k * L, L)

            def sum_body(r, acc):
                return acc + rows_v[r, s]
            imp = lax.fori_loop(0, TK, sum_body, jnp.zeros((L,), jnp.float32))
            rows_v[TK, s] = (ts_v[s] - imp) / float(T - TK + 1)

        pltpu.sync_copy(rows_v, mrg_hbm.at[pl.ds(b * KPAD, KPAD)])
        pltpu.sync_copy(idx_v, idx_hbm.at[pl.ds(b * KPAD, KPAD)])


@functools.partial(
    pl.kernel,
    mesh=plsc.VectorSubcoreMesh(core_axis_name="c", subcore_axis_name="s"),
    compiler_params=pltpu.CompilerParams(needs_layout_passes=False),
    out_type=[
        jax.ShapeDtypeStruct((B * KPAD,), jnp.int32),
        jax.ShapeDtypeStruct((B * KPAD, CPAD), jnp.float32),
    ],
    scratch_types=[
        pltpu.VMEM((T,), jnp.int32),
        pltpu.VMEM((KPAD,), jnp.int32),
        pltpu.VMEM((KPAD,), jnp.int32),
        pltpu.VMEM((KPAD, CPAD), jnp.float32),
        pltpu.VMEM((C,), jnp.float32),
        pltpu.SemaphoreType.DMA,
    ],
)
def _ksc_call(flags, featflat, ts, idx_out, mrg_out,
              fl_v, idx_v, gidx_v, rows_v, ts_v, sem):
    _ksc(flags, featflat, ts, idx_out, mrg_out,
         fl_v, idx_v, gidx_v, rows_v, ts_v, sem)


def kernel(image, W_enc, b_enc, W_dec, b_dec):
    w_mat = W_enc.reshape(C, C_IN * P * P).T
    be = b_enc.reshape(1, C)
    bd = b_dec.reshape(NCLS, 1)

    lt, feat, flags, ts = pl.pallas_call(
        _ktc,
        grid=(B,),
        in_specs=[
            pl.BlockSpec((1, C_IN, H, W), lambda b: (b, 0, 0, 0)),
            pl.BlockSpec((C_IN * P * P, C), lambda b: (0, 0)),
            pl.BlockSpec((1, C), lambda b: (0, 0)),
            pl.BlockSpec((NCLS, C), lambda b: (0, 0)),
            pl.BlockSpec((NCLS, 1), lambda b: (0, 0)),
        ],
        out_specs=[
            pl.BlockSpec((1, NCLS, T), lambda b: (b, 0, 0)),
            pl.BlockSpec((1, T, CPAD), lambda b: (b, 0, 0)),
            pl.BlockSpec((1, 1, T), lambda b: (b, 0, 0)),
            pl.BlockSpec((1, 1, C), lambda b: (b, 0, 0)),
        ],
        out_shape=[
            jax.ShapeDtypeStruct((B, NCLS, T), jnp.float32),
            jax.ShapeDtypeStruct((B, T, CPAD), jnp.float32),
            jax.ShapeDtypeStruct((B, 1, T), jnp.int32),
            jax.ShapeDtypeStruct((B, 1, C), jnp.float32),
        ],
    )(image, w_mat, be, W_dec, bd)

    mask = pl.pallas_call(
        _kmask,
        grid=(B,),
        in_specs=[pl.BlockSpec((1, NCLS, T), lambda b: (b, 0, 0))],
        out_specs=pl.BlockSpec((1, NCLS, H, W), lambda b: (b, 0, 0, 0)),
        out_shape=jax.ShapeDtypeStruct((B, NCLS, H, W), jnp.float32),
    )(lt)

    idx_p, merged = _ksc_call(
        flags.reshape(B * T),
        feat.reshape(B * T, CPAD),
        ts.reshape(B * C),
    )
    return (mask, idx_p.reshape(B, KPAD)[:, :TK],
            merged.reshape(B, KPAD, CPAD)[:, :TK + 1, :C])

# --- scband reference (transcript-rebuilt; emitter-appended) ---
"""Pipeline reference for scband-unieye-85048942395743 (READ-ONLY COPY).

The authoritative reference and input builder live on the scoring server;
editing this copy changes nothing except your own understanding.
"""

import jax, jax.numpy as jnp
import numpy as np

B = 8
C_IN = 3
H = 512
W = 512
P = 16
C = 192
NCLS = 2
TOKEN_NUM = 30
DSR = 16
Hp = H // P
Wp = W // P
T = Hp * Wp


def setup_inputs(seed: int = 0):
    key = jax.random.key(seed)
    k1, k2, k3, k4, k5 = jax.random.split(key, 5)
    image = jax.random.normal(k1, (B, C_IN, H, W), dtype=jnp.float32)
    W_enc = jax.random.normal(k2, (C, C_IN, P, P), dtype=jnp.float32) * 0.02
    b_enc = jnp.zeros((C,), dtype=jnp.float32)
    W_dec = jax.random.normal(k3, (NCLS, C), dtype=jnp.float32) * 0.02
    b_dec = jnp.zeros((NCLS,), dtype=jnp.float32)
    return {"image": image, "W_enc": W_enc, "b_enc": b_enc, "W_dec": W_dec, "b_dec": b_dec}


def _encode(image, W_enc, b_enc):
    # Conv2d(3, C, kernel=P, stride=P) implemented as patchify + matmul
    x = image.reshape(B, C_IN, Hp, P, Wp, P)
    x = x.transpose(0, 2, 4, 1, 3, 5).reshape(B, T, C_IN * P * P)
    feat = x @ W_enc.reshape(C, -1).T + b_enc
    return feat.transpose(0, 2, 1).reshape(B, C, Hp, Wp)


def _decode(feat, W_dec, b_dec):
    # 1x1 conv C -> NCLS, then 16x nearest upsample to full image resolution
    logits = jnp.einsum('bchw,oc->bohw', feat, W_dec) + b_dec[None, :, None, None]
    return jax.image.resize(logits, (B, NCLS, H, W), method='nearest')


def reference(image, W_enc, b_enc, W_dec, b_dec):
    # forward(): mask = decoder(encoder(image))
    feat = _encode(image, W_enc, b_enc)
    mask = _decode(feat, W_dec, b_dec)
    # get_important_tokenIdx(token_num=29 after get_notImportant decrement, downsample_ratio=16)
    m = jnp.argmax(mask, axis=1)[:, None, :, :].astype(jnp.int32)
    # conv2d with ones kernel (DSR x DSR), stride DSR == non-overlapping sum pooling
    mf = m.reshape(B, 1, H // DSR, DSR, W // DSR, DSR).sum(axis=(3, 5))
    mf = mf.reshape(B, -1)
    tk = TOKEN_NUM - 1
    _, important_tokenIdx = jax.lax.top_k(mf, tk)
    # get_merged_token(token_num=30, get_notImportant=True)
    feats = feat.reshape(B, C, T).transpose(0, 2, 1)
    imp = jnp.take_along_axis(feats, important_tokenIdx[:, :, None], axis=1)
    token_sum = jnp.sum(feats, axis=1)
    imp_sum = jnp.sum(imp, axis=1)
    not_mean = (token_sum - imp_sum) / (T - tk + 1)
    merged = jnp.concatenate([imp, not_mean[:, None, :]], axis=1)
    return (mask, important_tokenIdx, merged)

if __name__ == "__main__":
    import jax
    _d = setup_inputs()
    print(jax.jit(kernel)(*tuple(_d.values())))

</pallas_src>

<mosaic_0001>
#map = affine_map<(d0, d1) -> (0)>
#map1 = affine_map<(d0, d1) -> (0, 0)>
module attributes {stable_mosaic.version = 14 : i64} {
  func.func @_ksc_call(%arg0: i32, %arg1: i32, %arg2: memref<8192xi32, #tpu.memory_space<hbm>>, %arg3: memref<8192x256xf32, #tpu.memory_space<hbm>>, %arg4: memref<1536xf32, #tpu.memory_space<hbm>>, %arg5: memref<256xi32, #tpu.memory_space<hbm>>, %arg6: memref<256x256xf32, #tpu.memory_space<hbm>>, %arg7: memref<1024xi32, #tpu.memory_space<vmem>>, %arg8: memref<32xi32, #tpu.memory_space<vmem>>, %arg9: memref<32xi32, #tpu.memory_space<vmem>>, %arg10: memref<32x256xf32, #tpu.memory_space<vmem>>, %arg11: memref<192xf32, #tpu.memory_space<vmem>>, %arg12: memref<!tpu.dma_semaphore, #tpu.memory_space<semaphore_mem>>) attributes {dimension_semantics = [#tpu.dimension_semantics<core_parallel>, #tpu.dimension_semantics<subcore_parallel>], iteration_bounds = array<i64: 2, 16>, scalar_prefetch = 0 : i64, scratch_operands = 6 : i64, tpu.core_type = #tpu.core_type<sc_vector_subcore>, window_params = [{transform_indices = #map}, {transform_indices = #map1}, {transform_indices = #map}, {transform_indices = #map}, {transform_indices = #map1}]} {
    %mul3A = arith.constant 2 : i32
    %mul3A_0 = arith.muli %arg1, %mul3A : i32
    %add3A = arith.addi %mul3A_0, %arg0 : i32
    %lt3A = arith.constant 8 : i32
    %lt3A_1 = arith.cmpi slt, %add3A, %lt3A : i32
    %convert_element_type3A = arith.extui %lt3A_1 : i1 to i32
    %cond3A = arith.constant 0 : i32
    %cond3A_2 = arith.cmpi ne, %convert_element_type3A, %cond3A : i32
    scf.if %cond3A_2 {
      %mul3A_3 = arith.constant 1024 : i32
      %mul3A_4 = arith.muli %add3A, %mul3A_3 : i32
      "tpu.region"() ({
        %run_scoped3A = tpu.sem_alloc : memref<!tpu.dma_semaphore, #tpu.memory_space<semaphore_mem>>
        %dma_start3A_253 = tpu.memref_slice %arg2[%mul3A_4] : memref<8192xi32, #tpu.memory_space<hbm>> -> memref<1024xi32, #tpu.memory_space<hbm>>
        %dma_start3A_254 = tpu.memref_slice %arg2[%mul3A_4] : memref<8192xi32, #tpu.memory_space<hbm>> -> memref<1024xi32, #tpu.memory_space<hbm>>
        tpu.enqueue_dma source(%dma_start3A_254 : memref<1024xi32, #tpu.memory_space<hbm>>) target(%arg7 : memref<1024xi32, #tpu.memory_space<vmem>>) target_semaphore(%run_scoped3A : memref<!tpu.dma_semaphore, #tpu.memory_space<semaphore_mem>>)
        %dma_wait3A_255 = tpu.memref_slice %arg2[%mul3A_4] : memref<8192xi32, #tpu.memory_space<hbm>> -> memref<1024xi32, #tpu.memory_space<hbm>>
        %dma_wait3A_256 = tpu.memref_slice %arg2[%mul3A_4] : memref<8192xi32, #tpu.memory_space<hbm>> -> memref<1024xi32, #tpu.memory_space<hbm>>
        tpu.wait_dma2 semaphore(%run_scoped3A : memref<!tpu.dma_semaphore, #tpu.memory_space<semaphore_mem>>) src(%dma_wait3A_256 : memref<1024xi32, #tpu.memory_space<hbm>>) dst(%arg7 : memref<1024xi32, #tpu.memory_space<vmem>>)
        tpu.yield
      }) : () -> ()
      %mul3A_5 = arith.constant 192 : i32
      %mul3A_6 = arith.muli %add3A, %mul3A_5 : i32
      "tpu.region"() ({
        %run_scoped3A = tpu.sem_alloc : memref<!tpu.dma_semaphore, #tpu.memory_space<semaphore_mem>>
        %dma_start3A_253 = tpu.memref_slice %arg4[%mul3A_6] : memref<1536xf32, #tpu.memory_space<hbm>> -> memref<192xf32, #tpu.memory_space<hbm>>
        %dma_start3A_254 = tpu.memref_slice %arg4[%mul3A_6] : memref<1536xf32, #tpu.memory_space<hbm>> -> memref<192xf32, #tpu.memory_space<hbm>>
        tpu.enqueue_dma source(%dma_start3A_254 : memref<192xf32, #tpu.memory_space<hbm>>) target(%arg11 : memref<192xf32, #tpu.memory_space<vmem>>) target_semaphore(%run_scoped3A : memref<!tpu.dma_semaphore, #tpu.memory_space<semaphore_mem>>)
        %dma_wait3A_255 = tpu.memref_slice %arg4[%mul3A_6] : memref<1536xf32, #tpu.memory_space<hbm>> -> memref<192xf32, #tpu.memory_space<hbm>>
        %dma_wait3A_256 = tpu.memref_slice %arg4[%mul3A_6] : memref<1536xf32, #tpu.memory_space<hbm>> -> memref<192xf32, #tpu.memory_space<hbm>>
        tpu.wait_dma2 semaphore(%run_scoped3A : memref<!tpu.dma_semaphore, #tpu.memory_space<semaphore_mem>>) src(%dma_wait3A_256 : memref<192xf32, #tpu.memory_space<hbm>>) dst(%arg11 : memref<192xf32, #tpu.memory_space<vmem>>)
        tpu.yield
      }) : () -> ()
      %scan3A = arith.constant 0 : i32
      %scan3A_7 = arith.constant 0 : i32
      %scan3A_8 = arith.constant 64 : i32
      %scan3A_9 = arith.addi %scan3A_7, %scan3A_8 : i32
      %scan3A_10 = arith.constant 1 : i32
      %scan3A_11 = scf.for %scan3A_253 = %scan3A_7 to %scan3A_9 step %scan3A_10 iter_args(%scan3A_254 = %scan3A) -> (i32)  : i32 {
        %mul3A_255 = arith.constant 16 : i32
        %mul3A_256 = arith.muli %scan3A_253, %mul3A_255 : i32
        %get3A_257 = arith.index_cast %mul3A_256 : i32 to index
        %get3A_258 = tpu.vector_load %arg7[%get3A_257] {strides = array<i32>} : memref<1024xi32, #tpu.memory_space<vmem>>, vector<16xi32>,
        %reduce_sum3A = arith.constant true
        %reduce_sum3A_259 = vector.broadcast %reduce_sum3A : i1 to vector<16xi1>
        %reduce_sum3A_260 = tpu.scan <sum>, %get3A_258 masked %reduce_sum3A_259 : vector<16xi32>, vector<16xi1> -> vector<16xi32>
        %reduce_sum3A_261 = vector.extract %reduce_sum3A_260[15] : i32 from vector<16xi32>
        %add3A_262 = arith.addi %scan3A_254, %reduce_sum3A_261 : i32
        scf.yield %add3A_262 : i32
      }
      %scan3A_12 = arith.constant 64 : i32
      %iota3A = tpu.iota {dimensions = array<i32: 0>} : vector<16xi32>
      %scan3A_13 = arith.constant 0 : i32
      %scan3A_14 = arith.constant 0 : i32
      %scan3A_15 = arith.constant 64 : i32
      %scan3A_16 = arith.addi %scan3A_14, %scan3A_15 : i32
      %scan3A_17 = arith.constant 1 : i32
      %scan3A_18 = scf.for %scan3A_253 = %scan3A_14 to %scan3A_16 step %scan3A_17 iter_args(%scan3A_254 = %scan3A_13) -> (i32)  : i32 {
        %mul3A_255 = arith.constant 16 : i32
        %mul3A_256 = arith.muli %scan3A_253, %mul3A_255 : i32
        %get3A_257 = arith.index_cast %mul3A_256 : i32 to index
        %get3A_258 = tpu.vector_load %arg7[%get3A_257] {strides = array<i32>} : memref<1024xi32, #tpu.memory_space<vmem>>, vector<16xi32>,
        %cumsum3A = arith.constant true
        %cumsum3A_259 = vector.broadcast %cumsum3A : i1 to vector<16xi1>
        %cumsum3A_260 = tpu.scan <sum>, %get3A_258 masked %cumsum3A_259 : vector<16xi32>, vector<16xi1> -> vector<16xi32>
        %add3A_261 = vector.broadcast %scan3A_254 : i32 to vector<16xi32>
        %add3A_262 = arith.addi %add3A_261, %cumsum3A_260 : vector<16xi32>
        %mul3A_263 = arith.constant 16 : i32
        %mul3A_264 = arith.muli %scan3A_253, %mul3A_263 : i32
        %add3A_265 = vector.broadcast %mul3A_264 : i32 to vector<16xi32>
        %add3A_266 = arith.addi %add3A_265, %iota3A : vector<16xi32>
        %gt3A = arith.constant 0 : i32
        %gt3A_267 = vector.broadcast %gt3A : i32 to vector<16xi32>
        %gt3A_268 = arith.cmpi sgt, %get3A_258, %gt3A_267 : vector<16xi32>
        %sub3A_269 = arith.constant 1 : i32
        %sub3A_270 = vector.broadcast %sub3A_269 : i32 to vector<16xi32>
        %sub3A_271 = arith.subi %add3A_262, %sub3A_270 : vector<16xi32>
        %sub3A_272 = arith.subi %add3A_266, %add3A_262 : vector<16xi32>
        %add3A_273 = vector.broadcast %scan3A_11 : i32 to vector<16xi32>
        %add3A_274 = arith.addi %add3A_273, %sub3A_272 : vector<16xi32>
        %select_n3A = arith.select %gt3A_268, %sub3A_271, %add3A_274 : vector<16xi1>, vector<16xi32>
        %lt3A_275 = arith.constant 32 : i32
        %lt3A_276 = vector.broadcast %lt3A_275 : i32 to vector<16xi32>
        %lt3A_277 = arith.cmpi slt, %select_n3A, %lt3A_276 : vector<16xi32>
        tpu.vector_store_idx %arg8[%select_n3A], %add3A_266 masked %lt3A_277 : memref<32xi32, #tpu.memory_space<vmem>>[vector<16xi32>], vector<16xi32>, vector<16xi1>
        %reduce_sum3A = arith.constant true
        %reduce_sum3A_278 = vector.broadcast %reduce_sum3A : i1 to vector<16xi1>
        %reduce_sum3A_279 = tpu.scan <sum>, %get3A_258 masked %reduce_sum3A_278 : vector<16xi32>, vector<16xi1> -> vector<16xi32>
        %reduce_sum3A_280 = vector.extract %reduce_sum3A_279[15] : i32 from vector<16xi32>
        %add3A_281 = arith.addi %scan3A_254, %reduce_sum3A_280 : i32
        scf.yield %add3A_281 : i32
      }
      %scan3A_19 = arith.constant 64 : i32
      %mul3A_20 = arith.constant 1024 : i32
      %mul3A_21 = arith.muli %add3A, %mul3A_20 : i32
      %get3A = arith.constant 0 : index
      %get3A_22 = tpu.vector_load %arg8[%get3A] {strides = array<i32>} : memref<32xi32, #tpu.memory_space<vmem>>, vector<16xi32>,
      %add3A_23 = vector.broadcast %mul3A_21 : i32 to vector<16xi32>
      %add3A_24 = arith.addi %get3A_22, %add3A_23 : vector<16xi32>
      %swap3A = arith.constant 0 : index
      %swap3A_25 = tpu.vector_load %arg9[%swap3A] {strides = array<i32>} : memref<32xi32, #tpu.memory_space<vmem>>, vector<16xi32>,
      tpu.vector_store %arg9[%swap3A], %add3A_24 {strides = array<i32>} : memref<32xi32, #tpu.memory_space<vmem>>, vector<16xi32>,
      %get3A_26 = arith.constant 16 : index
      %get3A_27 = tpu.vector_load %arg8[%get3A_26] {strides = array<i32>} : memref<32xi32, #tpu.memory_space<vmem>>, vector<16xi32>,
      %add3A_28 = vector.broadcast %mul3A_21 : i32 to vector<16xi32>
      %add3A_29 = arith.addi %get3A_27, %add3A_28 : vector<16xi32>
      %swap3A_30 = arith.constant 16 : index
      %swap3A_31 = tpu.vector_load %arg9[%swap3A_30] {strides = array<i32>} : memref<32xi32, #tpu.memory_space<vmem>>, vector<16xi32>,
      tpu.vector_store %arg9[%swap3A_30], %add3A_29 {strides = array<i32>} : memref<32xi32, #tpu.memory_space<vmem>>, vector<16xi32>,
      %dma_start3A = arith.constant 0 : i32
      %dma_start3A_32 = arith.constant 0 : i32
      %dma_start3A_33 = tpu.memref_slice %arg3[%dma_start3A, %dma_start3A_32] : memref<8192x256xf32, #tpu.memory_space<hbm>> -> memref<8192x256xf32, #tpu.memory_space<hbm>>
      tpu.enqueue_indirect_dma source(%dma_start3A_33 : memref<8192x256xf32, #tpu.memory_space<hbm>>) target(%arg10 : memref<32x256xf32, #tpu.memory_space<vmem>>) offsets(%arg9 : memref<32xi32, #tpu.memory_space<vmem>>) semaphore(%arg12 : memref<!tpu.dma_semaphore, #tpu.memory_space<semaphore_mem>>)
      %dma_wait3A = arith.constant 0 : i32
      %dma_wait3A_34 = arith.constant 0 : i32
      %dma_wait3A_35 = tpu.memref_slice %arg3[%dma_wait3A, %dma_wait3A_34] : memref<8192x256xf32, #tpu.memory_space<hbm>> -> memref<8192x256xf32, #tpu.memory_space<hbm>>
      tpu.wait_indirect_dma semaphore(%arg12 : memref<!tpu.dma_semaphore, #tpu.memory_space<semaphore_mem>>) src(%dma_wait3A_35 : memref<8192x256xf32, #tpu.memory_space<hbm>>) dst(%arg10 : memref<32x256xf32, #tpu.memory_space<vmem>>)
      %broadcast_in_dim3A = arith.constant 0.000000e+00 : f32
      %broadcast_in_dim3A_36 = vector.broadcast %broadcast_in_dim3A : f32 to vector<16xf32>
      %scan3A_37 = arith.constant 0 : i32
      %scan3A_38 = arith.constant 29 : i32
      %scan3A_39 = arith.addi %scan3A_37, %scan3A_38 : i32
      %scan3A_40 = arith.constant 1 : i32
      %scan3A_41 = scf.for %scan3A_253 = %scan3A_37 to %scan3A_39 step %scan3A_40 iter_args(%scan3A_254 = %broadcast_in_dim3A_36) -> (vector<16xf32>)  : i32 {
        %get3A_255 = arith.index_cast %scan3A_253 : i32 to index
        %get3A_256 = arith.constant 0 : index
        %get3A_257 = tpu.vector_load %arg10[%get3A_255, %get3A_256] {strides = array<i32>} : memref<32x256xf32, #tpu.memory_space<vmem>>, vector<16xf32>,
        %add3A_258 = arith.addf %scan3A_254, %get3A_257 : vector<16xf32>
        scf.yield %add3A_258 : vector<16xf32>
      }
      %scan3A_42 = arith.constant 29 : i32
      %get3A_43 = arith.constant 0 : index
      %get3A_44 = tpu.vector_load %arg11[%get3A_43] {strides = array<i32>} : memref<192xf32, #tpu.memory_space<vmem>>, vector<16xf32>,
      %sub3A = arith.subf %get3A_44, %scan3A_41 : vector<16xf32>
      %div3A = arith.constant 9.960000e+02 : f32
      %div3A_45 = vector.broadcast %div3A : f32 to vector<16xf32>
      %div3A_46 = arith.divf %sub3A, %div3A_45 : vector<16xf32>
      %swap3A_47 = arith.constant 29 : i32
      %swap3A_48 = arith.index_cast %swap3A_47 : i32 to index
      %swap3A_49 = arith.constant 0 : index
      %swap3A_50 = tpu.vector_load %arg10[%swap3A_48, %swap3A_49] {strides = array<i32>} : memref<32x256xf32, #tpu.memory_space<vmem>>, vector<16xf32>,
      tpu.vector_store %arg10[%swap3A_48, %swap3A_49], %div3A_46 {strides = array<i32>} : memref<32x256xf32, #tpu.memory_space<vmem>>, vector<16xf32>,
      %broadcast_in_dim3A_51 = arith.constant 0.000000e+00 : f32
      %broadcast_in_dim3A_52 = vector.broadcast %broadcast_in_dim3A_51 : f32 to vector<16xf32>
      %scan3A_53 = arith.constant 0 : i32
      %scan3A_54 = arith.constant 29 : i32
      %scan3A_55 = arith.addi %scan3A_53, %scan3A_54 : i32
      %scan3A_56 = arith.constant 1 : i32
      %scan3A_57 = scf.for %scan3A_253 = %scan3A_53 to %scan3A_55 step %scan3A_56 iter_args(%scan3A_254 = %broadcast_in_dim3A_52) -> (vector<16xf32>)  : i32 {
        %get3A_255 = arith.index_cast %scan3A_253 : i32 to index
        %get3A_256 = arith.constant 16 : index
        %get3A_257 = tpu.vector_load %arg10[%get3A_255, %get3A_256] {strides = array<i32>} : memref<32x256xf32, #tpu.memory_space<vmem>>, vector<16xf32>,
        %add3A_258 = arith.addf %scan3A_254, %get3A_257 : vector<16xf32>
        scf.yield %add3A_258 : vector<16xf32>
      }
      %scan3A_58 = arith.constant 29 : i32
      %get3A_59 = arith.constant 16 : index
      %get3A_60 = tpu.vector_load %arg11[%get3A_59] {strides = array<i32>} : memref<192xf32, #tpu.memory_space<vmem>>, vector<16xf32>,
      %sub3A_61 = arith.subf %get3A_60, %scan3A_57 : vector<16xf32>
      %div3A_62 = arith.constant 9.960000e+02 : f32
      %div3A_63 = vector.broadcast %div3A_62 : f32 to vector<16xf32>
      %div3A_64 = arith.divf %sub3A_61, %div3A_63 : vector<16xf32>
      %swap3A_65 = arith.constant 29 : i32
      %swap3A_66 = arith.index_cast %swap3A_65 : i32 to index
      %swap3A_67 = arith.constant 16 : index
      %swap3A_68 = tpu.vector_load %arg10[%swap3A_66, %swap3A_67] {strides = array<i32>} : memref<32x256xf32, #tpu.memory_space<vmem>>, vector<16xf32>,
      tpu.vector_store %arg10[%swap3A_66, %swap3A_67], %div3A_64 {strides = array<i32>} : memref<32x256xf32, #tpu.memory_space<vmem>>, vector<16xf32>,
      %broadcast_in_dim3A_69 = arith.constant 0.000000e+00 : f32
      %broadcast_in_dim3A_70 = vector.broadcast %broadcast_in_dim3A_69 : f32 to vector<16xf32>
      %scan3A_71 = arith.constant 0 : i32
      %scan3A_72 = arith.constant 29 : i32
      %scan3A_73 = arith.addi %scan3A_71, %scan3A_72 : i32
      %scan3A_74 = arith.constant 1 : i32
      %scan3A_75 = scf.for %scan3A_253 = %scan3A_71 to %scan3A_73 step %scan3A_74 iter_args(%scan3A_254 = %broadcast_in_dim3A_70) -> (vector<16xf32>)  : i32 {
        %get3A_255 = arith.index_cast %scan3A_253 : i32 to index
        %get3A_256 = arith.constant 32 : index
        %get3A_257 = tpu.vector_load %arg10[%get3A_255, %get3A_256] {strides = array<i32>} : memref<32x256xf32, #tpu.memory_space<vmem>>, vector<16xf32>,
        %add3A_258 = arith.addf %scan3A_254, %get3A_257 : vector<16xf32>
        scf.yield %add3A_258 : vector<16xf32>
      }
      %scan3A_76 = arith.constant 29 : i32
      %get3A_77 = arith.constant 32 : index
      %get3A_78 = tpu.vector_load %arg11[%get3A_77] {strides = array<i32>} : memref<192xf32, #tpu.memory_space<vmem>>, vector<16xf32>,
      %sub3A_79 = arith.subf %get3A_78, %scan3A_75 : vector<16xf32>
      %div3A_80 = arith.constant 9.960000e+02 : f32
      %div3A_81 = vector.broadcast %div3A_80 : f32 to vector<16xf32>
      %div3A_82 = arith.divf %sub3A_79, %div3A_81 : vector<16xf32>
      %swap3A_83 = arith.constant 29 : i32
      %swap3A_84 = arith.index_cast %swap3A_83 : i32 to index
      %swap3A_85 = arith.constant 32 : index
      %swap3A_86 = tpu.vector_load %arg10[%swap3A_84, %swap3A_85] {strides = array<i32>} : memref<32x256xf32, #tpu.memory_space<vmem>>, vector<16xf32>,
      tpu.vector_store %arg10[%swap3A_84, %swap3A_85], %div3A_82 {strides = array<i32>} : memref<32x256xf32, #tpu.memory_space<vmem>>, vector<16xf32>,
      %broadcast_in_dim3A_87 = arith.constant 0.000000e+00 : f32
      %broadcast_in_dim3A_88 = vector.broadcast %broadcast_in_dim3A_87 : f32 to vector<16xf32>
      %scan3A_89 = arith.constant 0 : i32
      %scan3A_90 = arith.constant 29 : i32
      %scan3A_91 = arith.addi %scan3A_89, %scan3A_90 : i32
      %scan3A_92 = arith.constant 1 : i32
      %scan3A_93 = scf.for %scan3A_253 = %scan3A_89 to %scan3A_91 step %scan3A_92 iter_args(%scan3A_254 = %broadcast_in_dim3A_88) -> (vector<16xf32>)  : i32 {
        %get3A_255 = arith.index_cast %scan3A_253 : i32 to index
        %get3A_256 = arith.constant 48 : index
        %get3A_257 = tpu.vector_load %arg10[%get3A_255, %get3A_256] {strides = array<i32>} : memref<32x256xf32, #tpu.memory_space<vmem>>, vector<16xf32>,
        %add3A_258 = arith.addf %scan3A_254, %get3A_257 : vector<16xf32>
        scf.yield %add3A_258 : vector<16xf32>
      }
      %scan3A_94 = arith.constant 29 : i32
      %get3A_95 = arith.constant 48 : index
      %get3A_96 = tpu.vector_load %arg11[%get3A_95] {strides = array<i32>} : memref<192xf32, #tpu.memory_space<vmem>>, vector<16xf32>,
      %sub3A_97 = arith.subf %get3A_96, %scan3A_93 : vector<16xf32>
      %div3A_98 = arith.constant 9.960000e+02 : f32
      %div3A_99 = vector.broadcast %div3A_98 : f32 to vector<16xf32>
      %div3A_100 = arith.divf %sub3A_97, %div3A_99 : vector<16xf32>
      %swap3A_101 = arith.constant 29 : i32
      %swap3A_102 = arith.index_cast %swap3A_101 : i32 to index
      %swap3A_103 = arith.constant 48 : index
      %swap3A_104 = tpu.vector_load %arg10[%swap3A_102, %swap3A_103] {strides = array<i32>} : memref<32x256xf32, #tpu.memory_space<vmem>>, vector<16xf32>,
      tpu.vector_store %arg10[%swap3A_102, %swap3A_103], %div3A_100 {strides = array<i32>} : memref<32x256xf32, #tpu.memory_space<vmem>>, vector<16xf32>,
      %broadcast_in_dim3A_105 = arith.constant 0.000000e+00 : f32
      %broadcast_in_dim3A_106 = vector.broadcast %broadcast_in_dim3A_105 : f32 to vector<16xf32>
      %scan3A_107 = arith.constant 0 : i32
      %scan3A_108 = arith.constant 29 : i32
      %scan3A_109 = arith.addi %scan3A_107, %scan3A_108 : i32
      %scan3A_110 = arith.constant 1 : i32
      %scan3A_111 = scf.for %scan3A_253 = %scan3A_107 to %scan3A_109 step %scan3A_110 iter_args(%scan3A_254 = %broadcast_in_dim3A_106) -> (vector<16xf32>)  : i32 {
        %get3A_255 = arith.index_cast %scan3A_253 : i32 to index
        %get3A_256 = arith.constant 64 : index
        %get3A_257 = tpu.vector_load %arg10[%get3A_255, %get3A_256] {strides = array<i32>} : memref<32x256xf32, #tpu.memory_space<vmem>>, vector<16xf32>,
        %add3A_258 = arith.addf %scan3A_254, %get3A_257 : vector<16xf32>
        scf.yield %add3A_258 : vector<16xf32>
      }
      %scan3A_112 = arith.constant 29 : i32
      %get3A_113 = arith.constant 64 : index
      %get3A_114 = tpu.vector_load %arg11[%get3A_113] {strides = array<i32>} : memref<192xf32, #tpu.memory_space<vmem>>, vector<16xf32>,
      %sub3A_115 = arith.subf %get3A_114, %scan3A_111 : vector<16xf32>
      %div3A_116 = arith.constant 9.960000e+02 : f32
      %div3A_117 = vector.broadcast %div3A_116 : f32 to vector<16xf32>
      %div3A_118 = arith.divf %sub3A_115, %div3A_117 : vector<16xf32>
      %swap3A_119 = arith.constant 29 : i32
      %swap3A_120 = arith.index_cast %swap3A_119 : i32 to index
      %swap3A_121 = arith.constant 64 : index
      %swap3A_122 = tpu.vector_load %arg10[%swap3A_120, %swap3A_121] {strides = array<i32>} : memref<32x256xf32, #tpu.memory_space<vmem>>, vector<16xf32>,
      tpu.vector_store %arg10[%swap3A_120, %swap3A_121], %div3A_118 {strides = array<i32>} : memref<32x256xf32, #tpu.memory_space<vmem>>, vector<16xf32>,
      %broadcast_in_dim3A_123 = arith.constant 0.000000e+00 : f32
      %broadcast_in_dim3A_124 = vector.broadcast %broadcast_in_dim3A_123 : f32 to vector<16xf32>
      %scan3A_125 = arith.constant 0 : i32
      %scan3A_126 = arith.constant 29 : i32
      %scan3A_127 = arith.addi %scan3A_125, %scan3A_126 : i32
      %scan3A_128 = arith.constant 1 : i32
      %scan3A_129 = scf.for %scan3A_253 = %scan3A_125 to %scan3A_127 step %scan3A_128 iter_args(%scan3A_254 = %broadcast_in_dim3A_124) -> (vector<16xf32>)  : i32 {
        %get3A_255 = arith.index_cast %scan3A_253 : i32 to index
        %get3A_256 = arith.constant 80 : index
        %get3A_257 = tpu.vector_load %arg10[%get3A_255, %get3A_256] {strides = array<i32>} : memref<32x256xf32, #tpu.memory_space<vmem>>, vector<16xf32>,
        %add3A_258 = arith.addf %scan3A_254, %get3A_257 : vector<16xf32>
        scf.yield %add3A_258 : vector<16xf32>
      }
      %scan3A_130 = arith.constant 29 : i32
      %get3A_131 = arith.constant 80 : index
      %get3A_132 = tpu.vector_load %arg11[%get3A_131] {strides = array<i32>} : memref<192xf32, #tpu.memory_space<vmem>>, vector<16xf32>,
      %sub3A_133 = arith.subf %get3A_132, %scan3A_129 : vector<16xf32>
      %div3A_134 = arith.constant 9.960000e+02 : f32
      %div3A_135 = vector.broadcast %div3A_134 : f32 to vector<16xf32>
      %div3A_136 = arith.divf %sub3A_133, %div3A_135 : vector<16xf32>
      %swap3A_137 = arith.constant 29 : i32
      %swap3A_138 = arith.index_cast %swap3A_137 : i32 to index
      %swap3A_139 = arith.constant 80 : index
      %swap3A_140 = tpu.vector_load %arg10[%swap3A_138, %swap3A_139] {strides = array<i32>} : memref<32x256xf32, #tpu.memory_space<vmem>>, vector<16xf32>,
      tpu.vector_store %arg10[%swap3A_138, %swap3A_139], %div3A_136 {strides = array<i32>} : memref<32x256xf32, #tpu.memory_space<vmem>>, vector<16xf32>,
      %broadcast_in_dim3A_141 = arith.constant 0.000000e+00 : f32
      %broadcast_in_dim3A_142 = vector.broadcast %broadcast_in_dim3A_141 : f32 to vector<16xf32>
      %scan3A_143 = arith.constant 0 : i32
      %scan3A_144 = arith.constant 29 : i32
      %scan3A_145 = arith.addi %scan3A_143, %scan3A_144 : i32
      %scan3A_146 = arith.constant 1 : i32
      %scan3A_147 = scf.for %scan3A_253 = %scan3A_143 to %scan3A_145 step %scan3A_146 iter_args(%scan3A_254 = %broadcast_in_dim3A_142) -> (vector<16xf32>)  : i32 {
        %get3A_255 = arith.index_cast %scan3A_253 : i32 to index
        %get3A_256 = arith.constant 96 : index
        %get3A_257 = tpu.vector_load %arg10[%get3A_255, %get3A_256] {strides = array<i32>} : memref<32x256xf32, #tpu.memory_space<vmem>>, vector<16xf32>,
        %add3A_258 = arith.addf %scan3A_254, %get3A_257 : vector<16xf32>
        scf.yield %add3A_258 : vector<16xf32>
      }
      %scan3A_148 = arith.constant 29 : i32
      %get3A_149 = arith.constant 96 : index
      %get3A_150 = tpu.vector_load %arg11[%get3A_149] {strides = array<i32>} : memref<192xf32, #tpu.memory_space<vmem>>, vector<16xf32>,
      %sub3A_151 = arith.subf %get3A_150, %scan3A_147 : vector<16xf32>
      %div3A_152 = arith.constant 9.960000e+02 : f32
      %div3A_153 = vector.broadcast %div3A_152 : f32 to vector<16xf32>
      %div3A_154 = arith.divf %sub3A_151, %div3A_153 : vector<16xf32>
      %swap3A_155 = arith.constant 29 : i32
      %swap3A_156 = arith.index_cast %swap3A_155 : i32 to index
      %swap3A_157 = arith.constant 96 : index
      %swap3A_158 = tpu.vector_load %arg10[%swap3A_156, %swap3A_157] {strides = array<i32>} : memref<32x256xf32, #tpu.memory_space<vmem>>, vector<16xf32>,
      tpu.vector_store %arg10[%swap3A_156, %swap3A_157], %div3A_154 {strides = array<i32>} : memref<32x256xf32, #tpu.memory_space<vmem>>, vector<16xf32>,
      %broadcast_in_dim3A_159 = arith.constant 0.000000e+00 : f32
      %broadcast_in_dim3A_160 = vector.broadcast %broadcast_in_dim3A_159 : f32 to vector<16xf32>
      %scan3A_161 = arith.constant 0 : i32
      %scan3A_162 = arith.constant 29 : i32
      %scan3A_163 = arith.addi %scan3A_161, %scan3A_162 : i32
      %scan3A_164 = arith.constant 1 : i32
      %scan3A_165 = scf.for %scan3A_253 = %scan3A_161 to %scan3A_163 step %scan3A_164 iter_args(%scan3A_254 = %broadcast_in_dim3A_160) -> (vector<16xf32>)  : i32 {
        %get3A_255 = arith.index_cast %scan3A_253 : i32 to index
        %get3A_256 = arith.constant 112 : index
        %get3A_257 = tpu.vector_load %arg10[%get3A_255, %get3A_256] {strides = array<i32>} : memref<32x256xf32, #tpu.memory_space<vmem>>, vector<16xf32>,
        %add3A_258 = arith.addf %scan3A_254, %get3A_257 : vector<16xf32>
        scf.yield %add3A_258 : vector<16xf32>
      }
      %scan3A_166 = arith.constant 29 : i32
      %get3A_167 = arith.constant 112 : index
      %get3A_168 = tpu.vector_load %arg11[%get3A_167] {strides = array<i32>} : memref<192xf32, #tpu.memory_space<vmem>>, vector<16xf32>,
      %sub3A_169 = arith.subf %get3A_168, %scan3A_165 : vector<16xf32>
      %div3A_170 = arith.constant 9.960000e+02 : f32
      %div3A_171 = vector.broadcast %div3A_170 : f32 to vector<16xf32>
      %div3A_172 = arith.divf %sub3A_169, %div3A_171 : vector<16xf32>
      %swap3A_173 = arith.constant 29 : i32
      %swap3A_174 = arith.index_cast %swap3A_173 : i32 to index
      %swap3A_175 = arith.constant 112 : index
      %swap3A_176 = tpu.vector_load %arg10[%swap3A_174, %swap3A_175] {strides = array<i32>} : memref<32x256xf32, #tpu.memory_space<vmem>>, vector<16xf32>,
      tpu.vector_store %arg10[%swap3A_174, %swap3A_175], %div3A_172 {strides = array<i32>} : memref<32x256xf32, #tpu.memory_space<vmem>>, vector<16xf32>,
      %broadcast_in_dim3A_177 = arith.constant 0.000000e+00 : f32
      %broadcast_in_dim3A_178 = vector.broadcast %broadcast_in_dim3A_177 : f32 to vector<16xf32>
      %scan3A_179 = arith.constant 0 : i32
      %scan3A_180 = arith.constant 29 : i32
      %scan3A_181 = arith.addi %scan3A_179, %scan3A_180 : i32
      %scan3A_182 = arith.constant 1 : i32
      %scan3A_183 = scf.for %scan3A_253 = %scan3A_179 to %scan3A_181 step %scan3A_182 iter_args(%scan3A_254 = %broadcast_in_dim3A_178) -> (vector<16xf32>)  : i32 {
        %get3A_255 = arith.index_cast %scan3A_253 : i32 to index
        %get3A_256 = arith.constant 128 : index
        %get3A_257 = tpu.vector_load %arg10[%get3A_255, %get3A_256] {strides = array<i32>} : memref<32x256xf32, #tpu.memory_space<vmem>>, vector<16xf32>,
        %add3A_258 = arith.addf %scan3A_254, %get3A_257 : vector<16xf32>
        scf.yield %add3A_258 : vector<16xf32>
      }
      %scan3A_184 = arith.constant 29 : i32
      %get3A_185 = arith.constant 128 : index
      %get3A_186 = tpu.vector_load %arg11[%get3A_185] {strides = array<i32>} : memref<192xf32, #tpu.memory_space<vmem>>, vector<16xf32>,
      %sub3A_187 = arith.subf %get3A_186, %scan3A_183 : vector<16xf32>
      %div3A_188 = arith.constant 9.960000e+02 : f32
      %div3A_189 = vector.broadcast %div3A_188 : f32 to vector<16xf32>
      %div3A_190 = arith.divf %sub3A_187, %div3A_189 : vector<16xf32>
      %swap3A_191 = arith.constant 29 : i32
      %swap3A_192 = arith.index_cast %swap3A_191 : i32 to index
      %swap3A_193 = arith.constant 128 : index
      %swap3A_194 = tpu.vector_load %arg10[%swap3A_192, %swap3A_193] {strides = array<i32>} : memref<32x256xf32, #tpu.memory_space<vmem>>, vector<16xf32>,
      tpu.vector_store %arg10[%swap3A_192, %swap3A_193], %div3A_190 {strides = array<i32>} : memref<32x256xf32, #tpu.memory_space<vmem>>, vector<16xf32>,
      %broadcast_in_dim3A_195 = arith.constant 0.000000e+00 : f32
      %broadcast_in_dim3A_196 = vector.broadcast %broadcast_in_dim3A_195 : f32 to vector<16xf32>
      %scan3A_197 = arith.constant 0 : i32
      %scan3A_198 = arith.constant 29 : i32
      %scan3A_199 = arith.addi %scan3A_197, %scan3A_198 : i32
      %scan3A_200 = arith.constant 1 : i32
      %scan3A_201 = scf.for %scan3A_253 = %scan3A_197 to %scan3A_199 step %scan3A_200 iter_args(%scan3A_254 = %broadcast_in_dim3A_196) -> (vector<16xf32>)  : i32 {
        %get3A_255 = arith.index_cast %scan3A_253 : i32 to index
        %get3A_256 = arith.constant 144 : index
        %get3A_257 = tpu.vector_load %arg10[%get3A_255, %get3A_256] {strides = array<i32>} : memref<32x256xf32, #tpu.memory_space<vmem>>, vector<16xf32>,
        %add3A_258 = arith.addf %scan3A_254, %get3A_257 : vector<16xf32>
        scf.yield %add3A_258 : vector<16xf32>
      }
      %scan3A_202 = arith.constant 29 : i32
      %get3A_203 = arith.constant 144 : index
      %get3A_204 = tpu.vector_load %arg11[%get3A_203] {strides = array<i32>} : memref<192xf32, #tpu.memory_space<vmem>>, vector<16xf32>,
      %sub3A_205 = arith.subf %get3A_204, %scan3A_201 : vector<16xf32>
      %div3A_206 = arith.constant 9.960000e+02 : f32
      %div3A_207 = vector.broadcast %div3A_206 : f32 to vector<16xf32>
      %div3A_208 = arith.divf %sub3A_205, %div3A_207 : vector<16xf32>
      %swap3A_209 = arith.constant 29 : i32
      %swap3A_210 = arith.index_cast %swap3A_209 : i32 to index
      %swap3A_211 = arith.constant 144 : index
      %swap3A_212 = tpu.vector_load %arg10[%swap3A_210, %swap3A_211] {strides = array<i32>} : memref<32x256xf32, #tpu.memory_space<vmem>>, vector<16xf32>,
      tpu.vector_store %arg10[%swap3A_210, %swap3A_211], %div3A_208 {strides = array<i32>} : memref<32x256xf32, #tpu.memory_space<vmem>>, vector<16xf32>,
      %broadcast_in_dim3A_213 = arith.constant 0.000000e+00 : f32
      %broadcast_in_dim3A_214 = vector.broadcast %broadcast_in_dim3A_213 : f32 to vector<16xf32>
      %scan3A_215 = arith.constant 0 : i32
      %scan3A_216 = arith.constant 29 : i32
      %scan3A_217 = arith.addi %scan3A_215, %scan3A_216 : i32
      %scan3A_218 = arith.constant 1 : i32
      %scan3A_219 = scf.for %scan3A_253 = %scan3A_215 to %scan3A_217 step %scan3A_218 iter_args(%scan3A_254 = %broadcast_in_dim3A_214) -> (vector<16xf32>)  : i32 {
        %get3A_255 = arith.index_cast %scan3A_253 : i32 to index
        %get3A_256 = arith.constant 160 : index
        %get3A_257 = tpu.vector_load %arg10[%get3A_255, %get3A_256] {strides = array<i32>} : memref<32x256xf32, #tpu.memory_space<vmem>>, vector<16xf32>,
        %add3A_258 = arith.addf %scan3A_254, %get3A_257 : vector<16xf32>
        scf.yield %add3A_258 : vector<16xf32>
      }
      %scan3A_220 = arith.constant 29 : i32
      %get3A_221 = arith.constant 160 : index
      %get3A_222 = tpu.vector_load %arg11[%get3A_221] {strides = array<i32>} : memref<192xf32, #tpu.memory_space<vmem>>, vector<16xf32>,
      %sub3A_223 = arith.subf %get3A_222, %scan3A_219 : vector<16xf32>
      %div3A_224 = arith.constant 9.960000e+02 : f32
      %div3A_225 = vector.broadcast %div3A_224 : f32 to vector<16xf32>
      %div3A_226 = arith.divf %sub3A_223, %div3A_225 : vector<16xf32>
      %swap3A_227 = arith.constant 29 : i32
      %swap3A_228 = arith.index_cast %swap3A_227 : i32 to index
      %swap3A_229 = arith.constant 160 : index
      %swap3A_230 = tpu.vector_load %arg10[%swap3A_228, %swap3A_229] {strides = array<i32>} : memref<32x256xf32, #tpu.memory_space<vmem>>, vector<16xf32>,
      tpu.vector_store %arg10[%swap3A_228, %swap3A_229], %div3A_226 {strides = array<i32>} : memref<32x256xf32, #tpu.memory_space<vmem>>, vector<16xf32>,
      %broadcast_in_dim3A_231 = arith.constant 0.000000e+00 : f32
      %broadcast_in_dim3A_232 = vector.broadcast %broadcast_in_dim3A_231 : f32 to vector<16xf32>
      %scan3A_233 = arith.constant 0 : i32
      %scan3A_234 = arith.constant 29 : i32
      %scan3A_235 = arith.addi %scan3A_233, %scan3A_234 : i32
      %scan3A_236 = arith.constant 1 : i32
      %scan3A_237 = scf.for %scan3A_253 = %scan3A_233 to %scan3A_235 step %scan3A_236 iter_args(%scan3A_254 = %broadcast_in_dim3A_232) -> (vector<16xf32>)  : i32 {
        %get3A_255 = arith.index_cast %scan3A_253 : i32 to index
        %get3A_256 = arith.constant 176 : index
        %get3A_257 = tpu.vector_load %arg10[%get3A_255, %get3A_256] {strides = array<i32>} : memref<32x256xf32, #tpu.memory_space<vmem>>, vector<16xf32>,
        %add3A_258 = arith.addf %scan3A_254, %get3A_257 : vector<16xf32>
        scf.yield %add3A_258 : vector<16xf32>
      }
      %scan3A_238 = arith.constant 29 : i32
      %get3A_239 = arith.constant 176 : index
      %get3A_240 = tpu.vector_load %arg11[%get3A_239] {strides = array<i32>} : memref<192xf32, #tpu.memory_space<vmem>>, vector<16xf32>,
      %sub3A_241 = arith.subf %get3A_240, %scan3A_237 : vector<16xf32>
      %div3A_242 = arith.constant 9.960000e+02 : f32
      %div3A_243 = vector.broadcast %div3A_242 : f32 to vector<16xf32>
      %div3A_244 = arith.divf %sub3A_241, %div3A_243 : vector<16xf32>
      %swap3A_245 = arith.constant 29 : i32
      %swap3A_246 = arith.index_cast %swap3A_245 : i32 to index
      %swap3A_247 = arith.constant 176 : index
      %swap3A_248 = tpu.vector_load %arg10[%swap3A_246, %swap3A_247] {strides = array<i32>} : memref<32x256xf32, #tpu.memory_space<vmem>>, vector<16xf32>,
      tpu.vector_store %arg10[%swap3A_246, %swap3A_247], %div3A_244 {strides = array<i32>} : memref<32x256xf32, #tpu.memory_space<vmem>>, vector<16xf32>,
      %mul3A_249 = arith.constant 32 : i32
      %mul3A_250 = arith.muli %add3A, %mul3A_249 : i32
      "tpu.region"() ({
        %run_scoped3A = tpu.sem_alloc : memref<!tpu.dma_semaphore, #tpu.memory_space<semaphore_mem>>
        %dma_start3A_253 = arith.constant 0 : i32
        %dma_start3A_254 = tpu.memref_slice %arg6[%mul3A_250, %dma_start3A_253] : memref<256x256xf32, #tpu.memory_space<hbm>> -> memref<32x256xf32, #tpu.memory_space<hbm>>
        %dma_start3A_255 = arith.constant 0 : i32
        %dma_start3A_256 = tpu.memref_slice %arg6[%mul3A_250, %dma_start3A_255] : memref<256x256xf32, #tpu.memory_space<hbm>> -> memref<32x256xf32, #tpu.memory_space<hbm>>
        tpu.enqueue_dma source(%arg10 : memref<32x256xf32, #tpu.memory_space<vmem>>) target(%dma_start3A_256 : memref<32x256xf32, #tpu.memory_space<hbm>>) target_semaphore(%run_scoped3A : memref<!tpu.dma_semaphore, #tpu.memory_space<semaphore_mem>>)
        %dma_wait3A_257 = arith.constant 0 : i32
        %dma_wait3A_258 = tpu.memref_slice %arg6[%mul3A_250, %dma_wait3A_257] : memref<256x256xf32, #tpu.memory_space<hbm>> -> memref<32x256xf32, #tpu.memory_space<hbm>>
        %dma_wait3A_259 = arith.constant 0 : i32
        %dma_wait3A_260 = tpu.memref_slice %arg6[%mul3A_250, %dma_wait3A_259] : memref<256x256xf32, #tpu.memory_space<hbm>> -> memref<32x256xf32, #tpu.memory_space<hbm>>
        tpu.wait_dma2 semaphore(%run_scoped3A : memref<!tpu.dma_semaphore, #tpu.memory_space<semaphore_mem>>) src(%arg10 : memref<32x256xf32, #tpu.memory_space<vmem>>) dst(%dma_wait3A_260 : memref<32x256xf32, #tpu.memory_space<hbm>>)
        tpu.yield
      }) : () -> ()
      %mul3A_251 = arith.constant 32 : i32
      %mul3A_252 = arith.muli %add3A, %mul3A_251 : i32
      "tpu.region"() ({
        %run_scoped3A = tpu.sem_alloc : memref<!tpu.dma_semaphore, #tpu.memory_space<semaphore_mem>>
        %dma_start3A_253 = tpu.memref_slice %arg5[%mul3A_252] : memref<256xi32, #tpu.memory_space<hbm>> -> memref<32xi32, #tpu.memory_space<hbm>>
        %dma_start3A_254 = tpu.memref_slice %arg5[%mul3A_252] : memref<256xi32, #tpu.memory_space<hbm>> -> memref<32xi32, #tpu.memory_space<hbm>>
        tpu.enqueue_dma source(%arg8 : memref<32xi32, #tpu.memory_space<vmem>>) target(%dma_start3A_254 : memref<32xi32, #tpu.memory_space<hbm>>) target_semaphore(%run_scoped3A : memref<!tpu.dma_semaphore, #tpu.memory_space<semaphore_mem>>)
        %dma_wait3A_255 = tpu.memref_slice %arg5[%mul3A_252] : memref<256xi32, #tpu.memory_space<hbm>> -> memref<32xi32, #tpu.memory_space<hbm>>
        %dma_wait3A_256 = tpu.memref_slice %arg5[%mul3A_252] : memref<256xi32, #tpu.memory_space<hbm>> -> memref<32xi32, #tpu.memory_space<hbm>>
        tpu.wait_dma2 semaphore(%run_scoped3A : memref<!tpu.dma_semaphore, #tpu.memory_space<semaphore_mem>>) src(%arg8 : memref<32xi32, #tpu.memory_space<vmem>>) dst(%dma_wait3A_256 : memref<32xi32, #tpu.memory_space<hbm>>)
        tpu.yield
      }) : () -> ()
    } else {
    }
    return
  }
}

module attributes {stable_mosaic.version = 14 : i64} {
  func.func @_ktc(%arg0: i32, %arg1: memref<1x3x512x512xf32, #tpu.memory_space<vmem>>, %arg2: memref<768x192xf32, #tpu.memory_space<vmem>>, %arg3: memref<1x192xf32, #tpu.memory_space<vmem>>, %arg4: memref<2x192xf32, #tpu.memory_space<vmem>>, %arg5: memref<2x1xf32, #tpu.memory_space<vmem>>, %arg6: memref<1x2x1024xf32, #tpu.memory_space<vmem>>, %arg7: memref<1x1024x256xf32, #tpu.memory_space<vmem>>, %arg8: memref<1x1x1024xi32, #tpu.memory_space<vmem>>, %arg9: memref<1x1x192xf32, #tpu.memory_space<vmem>>) attributes {dimension_semantics = [#tpu.dimension_semantics<arbitrary>], iteration_bounds = array<i64: 8>, scalar_prefetch = 0 : i64, scratch_operands = 0 : i64, tpu.core_type = #tpu.core_type<tc>, window_params = [{transform_indices = @transform_0, window_bounds = array<i64: 1, 3, 512, 512>}, {pipeline_mode = #tpu.pipeline_mode<synchronous>, transform_indices = @transform_1, window_bounds = array<i64: 768, 192>}, {pipeline_mode = #tpu.pipeline_mode<synchronous>, transform_indices = @transform_2, window_bounds = array<i64: 1, 192>}, {pipeline_mode = #tpu.pipeline_mode<synchronous>, transform_indices = @transform_3, window_bounds = array<i64: 2, 192>}, {pipeline_mode = #tpu.pipeline_mode<synchronous>, transform_indices = @transform_4, window_bounds = array<i64: 2, 1>}, {transform_indices = @transform_5, window_bounds = array<i64: 1, 2, 1024>}, {transform_indices = @transform_6, window_bounds = array<i64: 1, 1024, 256>}, {transform_indices = @transform_7, window_bounds = array<i64: 1, 1, 1024>}, {transform_indices = @transform_8, window_bounds = array<i64: 1, 1, 192>}]} {
    %get3A = arith.constant 0 : index
    %get3A_0 = arith.constant 0 : index
    %get3A_1 = vector.load %arg2[%get3A, %get3A_0] : memref<768x192xf32, #tpu.memory_space<vmem>>, vector<768x192xf32>
    %get3A_2 = arith.constant 0 : index
    %get3A_3 = arith.constant 0 : index
    %get3A_4 = arith.constant 0 : index
    %get3A_5 = arith.constant 0 : index
    %get3A_6 = vector.load %arg1[%get3A_2, %get3A_3, %get3A_4, %get3A_5] : memref<1x3x512x512xf32, #tpu.memory_space<vmem>>, vector<1x3x512x512xf32>
    %get3A_7 = vector.shape_cast %get3A_6 : vector<1x3x512x512xf32> to vector<3x512x512xf32>
    %reshape3A = vector.shape_cast %get3A_7 : vector<3x512x512xf32> to vector<3x32x16x32x16xf32>
    %slice3A = vector.extract_strided_slice %reshape3A {offsets = [0, 0, 0, 0, 0], sizes = [1, 32, 1, 32, 16], strides = [1, 1, 1, 1, 1]} : vector<3x32x16x32x16xf32> to vector<1x32x1x32x16xf32>
    %squeeze3A = vector.shape_cast %slice3A : vector<1x32x1x32x16xf32> to vector<32x32x16xf32>
    %reshape3A_8 = vector.shape_cast %squeeze3A : vector<32x32x16xf32> to vector<1024x16xf32>
    %slice3A_9 = vector.extract_strided_slice %reshape3A {offsets = [0, 0, 1, 0, 0], sizes = [1, 32, 1, 32, 16], strides = [1, 1, 1, 1, 1]} : vector<3x32x16x32x16xf32> to vector<1x32x1x32x16xf32>
    %squeeze3A_10 = vector.shape_cast %slice3A_9 : vector<1x32x1x32x16xf32> to vector<32x32x16xf32>
    %reshape3A_11 = vector.shape_cast %squeeze3A_10 : vector<32x32x16xf32> to vector<1024x16xf32>
    %slice3A_12 = vector.extract_strided_slice %reshape3A {offsets = [0, 0, 2, 0, 0], sizes = [1, 32, 1, 32, 16], strides = [1, 1, 1, 1, 1]} : vector<3x32x16x32x16xf32> to vector<1x32x1x32x16xf32>
    %squeeze3A_13 = vector.shape_cast %slice3A_12 : vector<1x32x1x32x16xf32> to vector<32x32x16xf32>
    %reshape3A_14 = vector.shape_cast %squeeze3A_13 : vector<32x32x16xf32> to vector<1024x16xf32>
    %slice3A_15 = vector.extract_strided_slice %reshape3A {offsets = [0, 0, 3, 0, 0], sizes = [1, 32, 1, 32, 16], strides = [1, 1, 1, 1, 1]} : vector<3x32x16x32x16xf32> to vector<1x32x1x32x16xf32>
    %squeeze3A_16 = vector.shape_cast %slice3A_15 : vector<1x32x1x32x16xf32> to vector<32x32x16xf32>
    %reshape3A_17 = vector.shape_cast %squeeze3A_16 : vector<32x32x16xf32> to vector<1024x16xf32>
    %slice3A_18 = vector.extract_strided_slice %reshape3A {offsets = [0, 0, 4, 0, 0], sizes = [1, 32, 1, 32, 16], strides = [1, 1, 1, 1, 1]} : vector<3x32x16x32x16xf32> to vector<1x32x1x32x16xf32>
    %squeeze3A_19 = vector.shape_cast %slice3A_18 : vector<1x32x1x32x16xf32> to vector<32x32x16xf32>
    %reshape3A_20 = vector.shape_cast %squeeze3A_19 : vector<32x32x16xf32> to vector<1024x16xf32>
    %slice3A_21 = vector.extract_strided_slice %reshape3A {offsets = [0, 0, 5, 0, 0], sizes = [1, 32, 1, 32, 16], strides = [1, 1, 1, 1, 1]} : vector<3x32x16x32x16xf32> to vector<1x32x1x32x16xf32>
    %squeeze3A_22 = vector.shape_cast %slice3A_21 : vector<1x32x1x32x16xf32> to vector<32x32x16xf32>
    %reshape3A_23 = vector.shape_cast %squeeze3A_22 : vector<32x32x16xf32> to vector<1024x16xf32>
    %slice3A_24 = vector.extract_strided_slice %reshape3A {offsets = [0, 0, 6, 0, 0], sizes = [1, 32, 1, 32, 16], strides = [1, 1, 1, 1, 1]} : vector<3x32x16x32x16xf32> to vector<1x32x1x32x16xf32>
    %squeeze3A_25 = vector.shape_cast %slice3A_24 : vector<1x32x1x32x16xf32> to vector<32x32x16xf32>
    %reshape3A_26 = vector.shape_cast %squeeze3A_25 : vector<32x32x16xf32> to vector<1024x16xf32>
    %slice3A_27 = vector.extract_strided_slice %reshape3A {offsets = [0, 0, 7, 0, 0], sizes = [1, 32, 1, 32, 16], strides = [1, 1, 1, 1, 1]} : vector<3x32x16x32x16xf32> to vector<1x32x1x32x16xf32>
    %squeeze3A_28 = vector.shape_cast %slice3A_27 : vector<1x32x1x32x16xf32> to vector<32x32x16xf32>
    %reshape3A_29 = vector.shape_cast %squeeze3A_28 : vector<32x32x16xf32> to vector<1024x16xf32>
    %slice3A_30 = vector.extract_strided_slice %reshape3A {offsets = [0, 0, 8, 0, 0], sizes = [1, 32, 1, 32, 16], strides = [1, 1, 1, 1, 1]} : vector<3x32x16x32x16xf32> to vector<1x32x1x32x16xf32>
    %squeeze3A_31 = vector.shape_cast %slice3A_30 : vector<1x32x1x32x16xf32> to vector<32x32x16xf32>
    %reshape3A_32 = vector.shape_cast %squeeze3A_31 : vector<32x32x16xf32> to vector<1024x16xf32>
    %slice3A_33 = vector.extract_strided_slice %reshape3A {offsets = [0, 0, 9, 0, 0], sizes = [1, 32, 1, 32, 16], strides = [1, 1, 1, 1, 1]} : vector<3x32x16x32x16xf32> to vector<1x32x1x32x16xf32>
    %squeeze3A_34 = vector.shape_cast %slice3A_33 : vector<1x32x1x32x16xf32> to vector<32x32x16xf32>
    %reshape3A_35 = vector.shape_cast %squeeze3A_34 : vector<32x32x16xf32> to vector<1024x16xf32>
    %slice3A_36 = vector.extract_strided_slice %reshape3A {offsets = [0, 0, 10, 0, 0], sizes = [1, 32, 1, 32, 16], strides = [1, 1, 1, 1, 1]} : vector<3x32x16x32x16xf32> to vector<1x32x1x32x16xf32>
    %squeeze3A_37 = vector.shape_cast %slice3A_36 : vector<1x32x1x32x16xf32> to vector<32x32x16xf32>
    %reshape3A_38 = vector.shape_cast %squeeze3A_37 : vector<32x32x16xf32> to vector<1024x16xf32>
    %slice3A_39 = vector.extract_strided_slice %reshape3A {offsets = [0, 0, 11, 0, 0], sizes = [1, 32, 1, 32, 16], strides = [1, 1, 1, 1, 1]} : vector<3x32x16x32x16xf32> to vector<1x32x1x32x16xf32>
    %squeeze3A_40 = vector.shape_cast %slice3A_39 : vector<1x32x1x32x16xf32> to vector<32x32x16xf32>
    %reshape3A_41 = vector.shape_cast %squeeze3A_40 : vector<32x32x16xf32> to vector<1024x16xf32>
    %slice3A_42 = vector.extract_strided_slice %reshape3A {offsets = [0, 0, 12, 0, 0], sizes = [1, 32, 1, 32, 16], strides = [1, 1, 1, 1, 1]} : vector<3x32x16x32x16xf32> to vector<1x32x1x32x16xf32>
    %squeeze3A_43 = vector.shape_cast %slice3A_42 : vector<1x32x1x32x16xf32> to vector<32x32x16xf32>
    %reshape3A_44 = vector.shape_cast %squeeze3A_43 : vector<32x32x16xf32> to vector<1024x16xf32>
    %slice3A_45 = vector.extract_strided_slice %reshape3A {offsets = [0, 0, 13, 0, 0], sizes = [1, 32, 1, 32, 16], strides = [1, 1, 1, 1, 1]} : vector<3x32x16x32x16xf32> to vector<1x32x1x32x16xf32>
    %squeeze3A_46 = vector.shape_cast %slice3A_45 : vector<1x32x1x32x16xf32> to vector<32x32x16xf32>
    %reshape3A_47 = vector.shape_cast %squeeze3A_46 : vector<32x32x16xf32> to vector<1024x16xf32>
    %slice3A_48 = vector.extract_strided_slice %reshape3A {offsets = [0, 0, 14, 0, 0], sizes = [1, 32, 1, 32, 16], strides = [1, 1, 1, 1, 1]} : vector<3x32x16x32x16xf32> to vector<1x32x1x32x16xf32>
    %squeeze3A_49 = vector.shape_cast %slice3A_48 : vector<1x32x1x32x16xf32> to vector<32x32x16xf32>
    %reshape3A_50 = vector.shape_cast %squeeze3A_49 : vector<32x32x16xf32> to vector<1024x16xf32>
    %slice3A_51 = vector.extract_strided_slice %reshape3A {offsets = [0, 0, 15, 0, 0], sizes = [1, 32, 1, 32, 16], strides = [1, 1, 1, 1, 1]} : vector<3x32x16x32x16xf32> to vector<1x32x1x32x16xf32>
    %squeeze3A_52 = vector.shape_cast %slice3A_51 : vector<1x32x1x32x16xf32> to vector<32x32x16xf32>
    %reshape3A_53 = vector.shape_cast %squeeze3A_52 : vector<32x32x16xf32> to vector<1024x16xf32>
    %slice3A_54 = vector.extract_strided_slice %reshape3A {offsets = [1, 0, 0, 0, 0], sizes = [1, 32, 1, 32, 16], strides = [1, 1, 1, 1, 1]} : vector<3x32x16x32x16xf32> to vector<1x32x1x32x16xf32>
    %squeeze3A_55 = vector.shape_cast %slice3A_54 : vector<1x32x1x32x16xf32> to vector<32x32x16xf32>
    %reshape3A_56 = vector.shape_cast %squeeze3A_55 : vector<32x32x16xf32> to vector<1024x16xf32>
    %slice3A_57 = vector.extract_strided_slice %reshape3A {offsets = [1, 0, 1, 0, 0], sizes = [1, 32, 1, 32, 16], strides = [1, 1, 1, 1, 1]} : vector<3x32x16x32x16xf32> to vector<1x32x1x32x16xf32>
    %squeeze3A_58 = vector.shape_cast %slice3A_57 : vector<1x32x1x32x16xf32> to vector<32x32x16xf32>
    %reshape3A_59 = vector.shape_cast %squeeze3A_58 : vector<32x32x16xf32> to vector<1024x16xf32>
    %slice3A_60 = vector.extract_strided_slice %reshape3A {offsets = [1, 0, 2, 0, 0], sizes = [1, 32, 1, 32, 16], strides = [1, 1, 1, 1, 1]} : vector<3x32x16x32x16xf32> to vector<1x32x1x32x16xf32>
    %squeeze3A_61 = vector.shape_cast %slice3A_60 : vector<1x32x1x32x16xf32> to vector<32x32x16xf32>
    %reshape3A_62 = vector.shape_cast %squeeze3A_61 : vector<32x32x16xf32> to vector<1024x16xf32>
    %slice3A_63 = vector.extract_strided_slice %reshape3A {offsets = [1, 0, 3, 0, 0], sizes = [1, 32, 1, 32, 16], strides = [1, 1, 1, 1, 1]} : vector<3x32x16x32x16xf32> to vector<1x32x1x32x16xf32>
    %squeeze3A_64 = vector.shape_cast %slice3A_63 : vector<1x32x1x32x16xf32> to vector<32x32x16xf32>
    %reshape3A_65 = vector.shape_cast %squeeze3A_64 : vector<32x32x16xf32> to vector<1024x16xf32>
    %slice3A_66 = vector.extract_strided_slice %reshape3A {offsets = [1, 0, 4, 0, 0], sizes = [1, 32, 1, 32, 16], strides = [1, 1, 1, 1, 1]} : vector<3x32x16x32x16xf32> to vector<1x32x1x32x16xf32>
    %squeeze3A_67 = vector.shape_cast %slice3A_66 : vector<1x32x1x32x16xf32> to vector<32x32x16xf32>
    %reshape3A_68 = vector.shape_cast %squeeze3A_67 : vector<32x32x16xf32> to vector<1024x16xf32>
    %slice3A_69 = vector.extract_strided_slice %reshape3A {offsets = [1, 0, 5, 0, 0], sizes = [1, 32, 1, 32, 16], strides = [1, 1, 1, 1, 1]} : vector<3x32x16x32x16xf32> to vector<1x32x1x32x16xf32>
    %squeeze3A_70 = vector.shape_cast %slice3A_69 : vector<1x32x1x32x16xf32> to vector<32x32x16xf32>
    %reshape3A_71 = vector.shape_cast %squeeze3A_70 : vector<32x32x16xf32> to vector<1024x16xf32>
    %slice3A_72 = vector.extract_strided_slice %reshape3A {offsets = [1, 0, 6, 0, 0], sizes = [1, 32, 1, 32, 16], strides = [1, 1, 1, 1, 1]} : vector<3x32x16x32x16xf32> to vector<1x32x1x32x16xf32>
    %squeeze3A_73 = vector.shape_cast %slice3A_72 : vector<1x32x1x32x16xf32> to vector<32x32x16xf32>
    %reshape3A_74 = vector.shape_cast %squeeze3A_73 : vector<32x32x16xf32> to vector<1024x16xf32>
    %slice3A_75 = vector.extract_strided_slice %reshape3A {offsets = [1, 0, 7, 0, 0], sizes = [1, 32, 1, 32, 16], strides = [1, 1, 1, 1, 1]} : vector<3x32x16x32x16xf32> to vector<1x32x1x32x16xf32>
    %squeeze3A_76 = vector.shape_cast %slice3A_75 : vector<1x32x1x32x16xf32> to vector<32x32x16xf32>
    %reshape3A_77 = vector.shape_cast %squeeze3A_76 : vector<32x32x16xf32> to vector<1024x16xf32>
    %slice3A_78 = vector.extract_strided_slice %reshape3A {offsets = [1, 0, 8, 0, 0], sizes = [1, 32, 1, 32, 16], strides = [1, 1, 1, 1, 1]} : vector<3x32x16x32x16xf32> to vector<1x32x1x32x16xf32>
    %squeeze3A_79 = vector.shape_cast %slice3A_78 : vector<1x32x1x32x16xf32> to vector<32x32x16xf32>
    %reshape3A_80 = vector.shape_cast %squeeze3A_79 : vector<32x32x16xf32> to vector<1024x16xf32>
    %slice3A_81 = vector.extract_strided_slice %reshape3A {offsets = [1, 0, 9, 0, 0], sizes = [1, 32, 1, 32, 16], strides = [1, 1, 1, 1, 1]} : vector<3x32x16x32x16xf32> to vector<1x32x1x32x16xf32>
    %squeeze3A_82 = vector.shape_cast %slice3A_81 : vector<1x32x1x32x16xf32> to vector<32x32x16xf32>
    %reshape3A_83 = vector.shape_cast %squeeze3A_82 : vector<32x32x16xf32> to vector<1024x16xf32>
    %slice3A_84 = vector.extract_strided_slice %reshape3A {offsets = [1, 0, 10, 0, 0], sizes = [1, 32, 1, 32, 16], strides = [1, 1, 1, 1, 1]} : vector<3x32x16x32x16xf32> to vector<1x32x1x32x16xf32>
    %squeeze3A_85 = vector.shape_cast %slice3A_84 : vector<1x32x1x32x16xf32> to vector<32x32x16xf32>
    %reshape3A_86 = vector.shape_cast %squeeze3A_85 : vector<32x32x16xf32> to vector<1024x16xf32>
    %slice3A_87 = vector.extract_strided_slice %reshape3A {offsets = [1, 0, 11, 0, 0], sizes = [1, 32, 1, 32, 16], strides = [1, 1, 1, 1, 1]} : vector<3x32x16x32x16xf32> to vector<1x32x1x32x16xf32>
    %squeeze3A_88 = vector.shape_cast %slice3A_87 : vector<1x32x1x32x16xf32> to vector<32x32x16xf32>
    %reshape3A_89 = vector.shape_cast %squeeze3A_88 : vector<32x32x16xf32> to vector<1024x16xf32>
    %slice3A_90 = vector.extract_strided_slice %reshape3A {offsets = [1, 0, 12, 0, 0], sizes = [1, 32, 1, 32, 16], strides = [1, 1, 1, 1, 1]} : vector<3x32x16x32x16xf32> to vector<1x32x1x32x16xf32>
    %squeeze3A_91 = vector.shape_cast %slice3A_90 : vector<1x32x1x32x16xf32> to vector<32x32x16xf32>
    %reshape3A_92 = vector.shape_cast %squeeze3A_91 : vector<32x32x16xf32> to vector<1024x16xf32>
    %slice3A_93 = vector.extract_strided_slice %reshape3A {offsets = [1, 0, 13, 0, 0], sizes = [1, 32, 1, 32, 16], strides = [1, 1, 1, 1, 1]} : vector<3x32x16x32x16xf32> to vector<1x32x1x32x16xf32>
    %squeeze3A_94 = vector.shape_cast %slice3A_93 : vector<1x32x1x32x16xf32> to vector<32x32x16xf32>
    %reshape3A_95 = vector.shape_cast %squeeze3A_94 : vector<32x32x16xf32> to vector<1024x16xf32>
    %slice3A_96 = vector.extract_strided_slice %reshape3A {offsets = [1, 0, 14, 0, 0], sizes = [1, 32, 1, 32, 16], strides = [1, 1, 1, 1, 1]} : vector<3x32x16x32x16xf32> to vector<1x32x1x32x16xf32>
    %squeeze3A_97 = vector.shape_cast %slice3A_96 : vector<1x32x1x32x16xf32> to vector<32x32x16xf32>
    %reshape3A_98 = vector.shape_cast %squeeze3A_97 : vector<32x32x16xf32> to vector<1024x16xf32>
    %slice3A_99 = vector.extract_strided_slice %reshape3A {offsets = [1, 0, 15, 0, 0], sizes = [1, 32, 1, 32, 16], strides = [1, 1, 1, 1, 1]} : vector<3x32x16x32x16xf32> to vector<1x32x1x32x16xf32>
    %squeeze3A_100 = vector.shape_cast %slice3A_99 : vector<1x32x1x32x16xf32> to vector<32x32x16xf32>
    %reshape3A_101 = vector.shape_cast %squeeze3A_100 : vector<32x32x16xf32> to vector<1024x16xf32>
    %slice3A_102 = vector.extract_strided_slice %reshape3A {offsets = [2, 0, 0, 0, 0], sizes = [1, 32, 1, 32, 16], strides = [1, 1, 1, 1, 1]} : vector<3x32x16x32x16xf32> to vector<1x32x1x32x16xf32>
    %squeeze3A_103 = vector.shape_cast %slice3A_102 : vector<1x32x1x32x16xf32> to vector<32x32x16xf32>
    %reshape3A_104 = vector.shape_cast %squeeze3A_103 : vector<32x32x16xf32> to vector<1024x16xf32>
    %slice3A_105 = vector.extract_strided_slice %reshape3A {offsets = [2, 0, 1, 0, 0], sizes = [1, 32, 1, 32, 16], strides = [1, 1, 1, 1, 1]} : vector<3x32x16x32x16xf32> to vector<1x32x1x32x16xf32>
    %squeeze3A_106 = vector.shape_cast %slice3A_105 : vector<1x32x1x32x16xf32> to vector<32x32x16xf32>
    %reshape3A_107 = vector.shape_cast %squeeze3A_106 : vector<32x32x16xf32> to vector<1024x16xf32>
    %slice3A_108 = vector.extract_strided_slice %reshape3A {offsets = [2, 0, 2, 0, 0], sizes = [1, 32, 1, 32, 16], strides = [1, 1, 1, 1, 1]} : vector<3x32x16x32x16xf32> to vector<1x32x1x32x16xf32>
    %squeeze3A_109 = vector.shape_cast %slice3A_108 : vector<1x32x1x32x16xf32> to vector<32x32x16xf32>
    %reshape3A_110 = vector.shape_cast %squeeze3A_109 : vector<32x32x16xf32> to vector<1024x16xf32>
    %slice3A_111 = vector.extract_strided_slice %reshape3A {offsets = [2, 0, 3, 0, 0], sizes = [1, 32, 1, 32, 16], strides = [1, 1, 1, 1, 1]} : vector<3x32x16x32x16xf32> to vector<1x32x1x32x16xf32>
    %squeeze3A_112 = vector.shape_cast %slice3A_111 : vector<1x32x1x32x16xf32> to vector<32x32x16xf32>
    %reshape3A_113 = vector.shape_cast %squeeze3A_112 : vector<32x32x16xf32> to vector<1024x16xf32>
    %slice3A_114 = vector.extract_strided_slice %reshape3A {offsets = [2, 0, 4, 0, 0], sizes = [1, 32, 1, 32, 16], strides = [1, 1, 1, 1, 1]} : vector<3x32x16x32x16xf32> to vector<1x32x1x32x16xf32>
    %squeeze3A_115 = vector.shape_cast %slice3A_114 : vector<1x32x1x32x16xf32> to vector<32x32x16xf32>
    %reshape3A_116 = vector.shape_cast %squeeze3A_115 : vector<32x32x16xf32> to vector<1024x16xf32>
    %slice3A_117 = vector.extract_strided_slice %reshape3A {offsets = [2, 0, 5, 0, 0], sizes = [1, 32, 1, 32, 16], strides = [1, 1, 1, 1, 1]} : vector<3x32x16x32x16xf32> to vector<1x32x1x32x16xf32>
    %squeeze3A_118 = vector.shape_cast %slice3A_117 : vector<1x32x1x32x16xf32> to vector<32x32x16xf32>
    %reshape3A_119 = vector.shape_cast %squeeze3A_118 : vector<32x32x16xf32> to vector<1024x16xf32>
    %slice3A_120 = vector.extract_strided_slice %reshape3A {offsets = [2, 0, 6, 0, 0], sizes = [1, 32, 1, 32, 16], strides = [1, 1, 1, 1, 1]} : vector<3x32x16x32x16xf32> to vector<1x32x1x32x16xf32>
    %squeeze3A_121 = vector.shape_cast %slice3A_120 : vector<1x32x1x32x16xf32> to vector<32x32x16xf32>
    %reshape3A_122 = vector.shape_cast %squeeze3A_121 : vector<32x32x16xf32> to vector<1024x16xf32>
    %slice3A_123 = vector.extract_strided_slice %reshape3A {offsets = [2, 0, 7, 0, 0], sizes = [1, 32, 1, 32, 16], strides = [1, 1, 1, 1, 1]} : vector<3x32x16x32x16xf32> to vector<1x32x1x32x16xf32>
    %squeeze3A_124 = vector.shape_cast %slice3A_123 : vector<1x32x1x32x16xf32> to vector<32x32x16xf32>
    %reshape3A_125 = vector.shape_cast %squeeze3A_124 : vector<32x32x16xf32> to vector<1024x16xf32>
    %slice3A_126 = vector.extract_strided_slice %reshape3A {offsets = [2, 0, 8, 0, 0], sizes = [1, 32, 1, 32, 16], strides = [1, 1, 1, 1, 1]} : vector<3x32x16x32x16xf32> to vector<1x32x1x32x16xf32>
    %squeeze3A_127 = vector.shape_cast %slice3A_126 : vector<1x32x1x32x16xf32> to vector<32x32x16xf32>
    %reshape3A_128 = vector.shape_cast %squeeze3A_127 : vector<32x32x16xf32> to vector<1024x16xf32>
    %slice3A_129 = vector.extract_strided_slice %reshape3A {offsets = [2, 0, 9, 0, 0], sizes = [1, 32, 1, 32, 16], strides = [1, 1, 1, 1, 1]} : vector<3x32x16x32x16xf32> to vector<1x32x1x32x16xf32>
    %squeeze3A_130 = vector.shape_cast %slice3A_129 : vector<1x32x1x32x16xf32> to vector<32x32x16xf32>
    %reshape3A_131 = vector.shape_cast %squeeze3A_130 : vector<32x32x16xf32> to vector<1024x16xf32>
    %slice3A_132 = vector.extract_strided_slice %reshape3A {offsets = [2, 0, 10, 0, 0], sizes = [1, 32, 1, 32, 16], strides = [1, 1, 1, 1, 1]} : vector<3x32x16x32x16xf32> to vector<1x32x1x32x16xf32>
    %squeeze3A_133 = vector.shape_cast %slice3A_132 : vector<1x32x1x32x16xf32> to vector<32x32x16xf32>
    %reshape3A_134 = vector.shape_cast %squeeze3A_133 : vector<32x32x16xf32> to vector<1024x16xf32>
    %slice3A_135 = vector.extract_strided_slice %reshape3A {offsets = [2, 0, 11, 0, 0], sizes = [1, 32, 1, 32, 16], strides = [1, 1, 1, 1, 1]} : vector<3x32x16x32x16xf32> to vector<1x32x1x32x16xf32>
    %squeeze3A_136 = vector.shape_cast %slice3A_135 : vector<1x32x1x32x16xf32> to vector<32x32x16xf32>
    %reshape3A_137 = vector.shape_cast %squeeze3A_136 : vector<32x32x16xf32> to vector<1024x16xf32>
    %slice3A_138 = vector.extract_strided_slice %reshape3A {offsets = [2, 0, 12, 0, 0], sizes = [1, 32, 1, 32, 16], strides = [1, 1, 1, 1, 1]} : vector<3x32x16x32x16xf32> to vector<1x32x1x32x16xf32>
    %squeeze3A_139 = vector.shape_cast %slice3A_138 : vector<1x32x1x32x16xf32> to vector<32x32x16xf32>
    %reshape3A_140 = vector.shape_cast %squeeze3A_139 : vector<32x32x16xf32> to vector<1024x16xf32>
    %slice3A_141 = vector.extract_strided_slice %reshape3A {offsets = [2, 0, 13, 0, 0], sizes = [1, 32, 1, 32, 16], strides = [1, 1, 1, 1, 1]} : vector<3x32x16x32x16xf32> to vector<1x32x1x32x16xf32>
    %squeeze3A_142 = vector.shape_cast %slice3A_141 : vector<1x32x1x32x16xf32> to vector<32x32x16xf32>
    %reshape3A_143 = vector.shape_cast %squeeze3A_142 : vector<32x32x16xf32> to vector<1024x16xf32>
    %slice3A_144 = vector.extract_strided_slice %reshape3A {offsets = [2, 0, 14, 0, 0], sizes = [1, 32, 1, 32, 16], strides = [1, 1, 1, 1, 1]} : vector<3x32x16x32x16xf32> to vector<1x32x1x32x16xf32>
    %squeeze3A_145 = vector.shape_cast %slice3A_144 : vector<1x32x1x32x16xf32> to vector<32x32x16xf32>
    %reshape3A_146 = vector.shape_cast %squeeze3A_145 : vector<32x32x16xf32> to vector<1024x16xf32>
    %slice3A_147 = vector.extract_strided_slice %reshape3A {offsets = [2, 0, 15, 0, 0], sizes = [1, 32, 1, 32, 16], strides = [1, 1, 1, 1, 1]} : vector<3x32x16x32x16xf32> to vector<1x32x1x32x16xf32>
    %squeeze3A_148 = vector.shape_cast %slice3A_147 : vector<1x32x1x32x16xf32> to vector<32x32x16xf32>
    %reshape3A_149 = vector.shape_cast %squeeze3A_148 : vector<32x32x16xf32> to vector<1024x16xf32>
    %concatenate3A = tpu.concatenate %reshape3A_8, %reshape3A_11, %reshape3A_14, %reshape3A_17, %reshape3A_20, %reshape3A_23, %reshape3A_26, %reshape3A_29, %reshape3A_32, %reshape3A_35, %reshape3A_38, %reshape3A_41, %reshape3A_44, %reshape3A_47, %reshape3A_50, %reshape3A_53, %reshape3A_56, %reshape3A_59, %reshape3A_62, %reshape3A_65, %reshape3A_68, %reshape3A_71, %reshape3A_74, %reshape3A_77, %reshape3A_80, %reshape3A_83, %reshape3A_86, %reshape3A_89, %reshape3A_92, %reshape3A_95, %reshape3A_98, %reshape3A_101, %reshape3A_104, %reshape3A_107, %reshape3A_110, %reshape3A_113, %reshape3A_116, %reshape3A_119, %reshape3A_122, %reshape3A_125, %reshape3A_128, %reshape3A_131, %reshape3A_134, %reshape3A_137, %reshape3A_140, %reshape3A_143, %reshape3A_146, %reshape3A_149 in 1 : vector<1024x16xf32>, vector<1024x16xf32>, vector<1024x16xf32>, vector<1024x16xf32>, vector<1024x16xf32>, vector<1024x16xf32>, vector<1024x16xf32>, vector<1024x16xf32>, vector<1024x16xf32>, vector<1024x16xf32>, vector<1024x16xf32>, vector<1024x16xf32>, vector<1024x16xf32>, vector<1024x16xf32>, vector<1024x16xf32>, vector<1024x16xf32>, vector<1024x16xf32>, vector<1024x16xf32>, vector<1024x16xf32>, vector<1024x16xf32>, vector<1024x16xf32>, vector<1024x16xf32>, vector<1024x16xf32>, vector<1024x16xf32>, vector<1024x16xf32>, vector<1024x16xf32>, vector<1024x16xf32>, vector<1024x16xf32>, vector<1024x16xf32>, vector<1024x16xf32>, vector<1024x16xf32>, vector<1024x16xf32>, vector<1024x16xf32>, vector<1024x16xf32>, vector<1024x16xf32>, vector<1024x16xf32>, vector<1024x16xf32>, vector<1024x16xf32>, vector<1024x16xf32>, vector<1024x16xf32>, vector<1024x16xf32>, vector<1024x16xf32>, vector<1024x16xf32>, vector<1024x16xf32>, vector<1024x16xf32>, vector<1024x16xf32>, vector<1024x16xf32>, vector<1024x16xf32> -> vector<1024x768xf32>
    %slice3A_150 = vector.extract_strided_slice %concatenate3A {offsets = [0, 0], sizes = [32, 768], strides = [1, 1]} : vector<1024x768xf32> to vector<32x768xf32>
    %dot_general3A = arith.constant dense<0.000000e+00> : vector<32x192xf32>
    %dot_general3A_151 = tpu.matmul %slice3A_150, %get3A_1, %dot_general3A {dimension_numbers = #tpu.dot_dimension_numbers<[1], [0], [0], [1], [0, 0, 1, 1], [], []>, transpose_lhs_hint = false} : vector<32x768xf32>, vector<768x192xf32>, vector<32x192xf32> -> vector<32x192xf32>
    %slice3A_152 = vector.extract_strided_slice %concatenate3A {offsets = [32, 0], sizes = [32, 768], strides = [1, 1]} : vector<1024x768xf32> to vector<32x768xf32>
    %dot_general3A_153 = arith.constant dense<0.000000e+00> : vector<32x192xf32>
    %dot_general3A_154 = tpu.matmul %slice3A_152, %get3A_1, %dot_general3A_153 {dimension_numbers = #tpu.dot_dimension_numbers<[1], [0], [0], [1], [0, 0, 1, 1], [], []>, transpose_lhs_hint = false} : vector<32x768xf32>, vector<768x192xf32>, vector<32x192xf32> -> vector<32x192xf32>
    %slice3A_155 = vector.extract_strided_slice %concatenate3A {offsets = [64, 0], sizes = [32, 768], strides = [1, 1]} : vector<1024x768xf32> to vector<32x768xf32>
    %dot_general3A_156 = arith.constant dense<0.000000e+00> : vector<32x192xf32>
    %dot_general3A_157 = tpu.matmul %slice3A_155, %get3A_1, %dot_general3A_156 {dimension_numbers = #tpu.dot_dimension_numbers<[1], [0], [0], [1], [0, 0, 1, 1], [], []>, transpose_lhs_hint = false} : vector<32x768xf32>, vector<768x192xf32>, vector<32x192xf32> -> vector<32x192xf32>
    %slice3A_158 = vector.extract_strided_slice %concatenate3A {offsets = [96, 0], sizes = [32, 768], strides = [1, 1]} : vector<1024x768xf32> to vector<32x768xf32>
    %dot_general3A_159 = arith.constant dense<0.000000e+00> : vector<32x192xf32>
    %dot_general3A_160 = tpu.matmul %slice3A_158, %get3A_1, %dot_general3A_159 {dimension_numbers = #tpu.dot_dimension_numbers<[1], [0], [0], [1], [0, 0, 1, 1], [], []>, transpose_lhs_hint = false} : vector<32x768xf32>, vector<768x192xf32>, vector<32x192xf32> -> vector<32x192xf32>
    %slice3A_161 = vector.extract_strided_slice %concatenate3A {offsets = [128, 0], sizes = [32, 768], strides = [1, 1]} : vector<1024x768xf32> to vector<32x768xf32>
    %dot_general3A_162 = arith.constant dense<0.000000e+00> : vector<32x192xf32>
    %dot_general3A_163 = tpu.matmul %slice3A_161, %get3A_1, %dot_general3A_162 {dimension_numbers = #tpu.dot_dimension_numbers<[1], [0], [0], [1], [0, 0, 1, 1], [], []>, transpose_lhs_hint = false} : vector<32x768xf32>, vector<768x192xf32>, vector<32x192xf32> -> vector<32x192xf32>
    %slice3A_164 = vector.extract_strided_slice %concatenate3A {offsets = [160, 0], sizes = [32, 768], strides = [1, 1]} : vector<1024x768xf32> to vector<32x768xf32>
    %dot_general3A_165 = arith.constant dense<0.000000e+00> : vector<32x192xf32>
    %dot_general3A_166 = tpu.matmul %slice3A_164, %get3A_1, %dot_general3A_165 {dimension_numbers = #tpu.dot_dimension_numbers<[1], [0], [0], [1], [0, 0, 1, 1], [], []>, transpose_lhs_hint = false} : vector<32x768xf32>, vector<768x192xf32>, vector<32x192xf32> -> vector<32x192xf32>
    %slice3A_167 = vector.extract_strided_slice %concatenate3A {offsets = [192, 0], sizes = [32, 768], strides = [1, 1]} : vector<1024x768xf32> to vector<32x768xf32>
    %dot_general3A_168 = arith.constant dense<0.000000e+00> : vector<32x192xf32>
    %dot_general3A_169 = tpu.matmul %slice3A_167, %get3A_1, %dot_general3A_168 {dimension_numbers = #tpu.dot_dimension_numbers<[1], [0], [0], [1], [0, 0, 1, 1], [], []>, transpose_lhs_hint = false} : vector<32x768xf32>, vector<768x192xf32>, vector<32x192xf32> -> vector<32x192xf32>
    %slice3A_170 = vector.extract_strided_slice %concatenate3A {offsets = [224, 0], sizes = [32, 768], strides = [1, 1]} : vector<1024x768xf32> to vector<32x768xf32>
    %dot_general3A_171 = arith.constant dense<0.000000e+00> : vector<32x192xf32>
    %dot_general3A_172 = tpu.matmul %slice3A_170, %get3A_1, %dot_general3A_171 {dimension_numbers = #tpu.dot_dimension_numbers<[1], [0], [0], [1], [0, 0, 1, 1], [], []>, transpose_lhs_hint = false} : vector<32x768xf32>, vector<768x192xf32>, vector<32x192xf32> -> vector<32x192xf32>
    %slice3A_173 = vector.extract_strided_slice %concatenate3A {offsets = [256, 0], sizes = [32, 768], strides = [1, 1]} : vector<1024x768xf32> to vector<32x768xf32>
    %dot_general3A_174 = arith.constant dense<0.000000e+00> : vector<32x192xf32>
    %dot_general3A_175 = tpu.matmul %slice3A_173, %get3A_1, %dot_general3A_174 {dimension_numbers = #tpu.dot_dimension_numbers<[1], [0], [0], [1], [0, 0, 1, 1], [], []>, transpose_lhs_hint = false} : vector<32x768xf32>, vector<768x192xf32>, vector<32x192xf32> -> vector<32x192xf32>
    %slice3A_176 = vector.extract_strided_slice %concatenate3A {offsets = [288, 0], sizes = [32, 768], strides = [1, 1]} : vector<1024x768xf32> to vector<32x768xf32>
    %dot_general3A_177 = arith.constant dense<0.000000e+00> : vector<32x192xf32>
    %dot_general3A_178 = tpu.matmul %slice3A_176, %get3A_1, %dot_general3A_177 {dimension_numbers = #tpu.dot_dimension_numbers<[1], [0], [0], [1], [0, 0, 1, 1], [], []>, transpose_lhs_hint = false} : vector<32x768xf32>, vector<768x192xf32>, vector<32x192xf32> -> vector<32x192xf32>
    %slice3A_179 = vector.extract_strided_slice %concatenate3A {offsets = [320, 0], sizes = [32, 768], strides = [1, 1]} : vector<1024x768xf32> to vector<32x768xf32>
    %dot_general3A_180 = arith.constant dense<0.000000e+00> : vector<32x192xf32>
    %dot_general3A_181 = tpu.matmul %slice3A_179, %get3A_1, %dot_general3A_180 {dimension_numbers = #tpu.dot_dimension_numbers<[1], [0], [0], [1], [0, 0, 1, 1], [], []>, transpose_lhs_hint = false} : vector<32x768xf32>, vector<768x192xf32>, vector<32x192xf32> -> vector<32x192xf32>
    %slice3A_182 = vector.extract_strided_slice %concatenate3A {offsets = [352, 0], sizes = [32, 768], strides = [1, 1]} : vector<1024x768xf32> to vector<32x768xf32>
    %dot_general3A_183 = arith.constant dense<0.000000e+00> : vector<32x192xf32>
    %dot_general3A_184 = tpu.matmul %slice3A_182, %get3A_1, %dot_general3A_183 {dimension_numbers = #tpu.dot_dimension_numbers<[1], [0], [0], [1], [0, 0, 1, 1], [], []>, transpose_lhs_hint = false} : vector<32x768xf32>, vector<768x192xf32>, vector<32x192xf32> -> vector<32x192xf32>
    %slice3A_185 = vector.extract_strided_slice %concatenate3A {offsets = [384, 0], sizes = [32, 768], strides = [1, 1]} : vector<1024x768xf32> to vector<32x768xf32>
    %dot_general3A_186 = arith.constant dense<0.000000e+00> : vector<32x192xf32>
    %dot_general3A_187 = tpu.matmul %slice3A_185, %get3A_1, %dot_general3A_186 {dimension_numbers = #tpu.dot_dimension_numbers<[1], [0], [0], [1], [0, 0, 1, 1], [], []>, transpose_lhs_hint = false} : vector<32x768xf32>, vector<768x192xf32>, vector<32x192xf32> -> vector<32x192xf32>
    %slice3A_188 = vector.extract_strided_slice %concatenate3A {offsets = [416, 0], sizes = [32, 768], strides = [1, 1]} : vector<1024x768xf32> to vector<32x768xf32>
    %dot_general3A_189 = arith.constant dense<0.000000e+00> : vector<32x192xf32>
    %dot_general3A_190 = tpu.matmul %slice3A_188, %get3A_1, %dot_general3A_189 {dimension_numbers = #tpu.dot_dimension_numbers<[1], [0], [0], [1], [0, 0, 1, 1], [], []>, transpose_lhs_hint = false} : vector<32x768xf32>, vector<768x192xf32>, vector<32x192xf32> -> vector<32x192xf32>
    %slice3A_191 = vector.extract_strided_slice %concatenate3A {offsets = [448, 0], sizes = [32, 768], strides = [1, 1]} : vector<1024x768xf32> to vector<32x768xf32>
    %dot_general3A_192 = arith.constant dense<0.000000e+00> : vector<32x192xf32>
    %dot_general3A_193 = tpu.matmul %slice3A_191, %get3A_1, %dot_general3A_192 {dimension_numbers = #tpu.dot_dimension_numbers<[1], [0], [0], [1], [0, 0, 1, 1], [], []>, transpose_lhs_hint = false} : vector<32x768xf32>, vector<768x192xf32>, vector<32x192xf32> -> vector<32x192xf32>
    %slice3A_194 = vector.extract_strided_slice %concatenate3A {offsets = [480, 0], sizes = [32, 768], strides = [1, 1]} : vector<1024x768xf32> to vector<32x768xf32>
    %dot_general3A_195 = arith.constant dense<0.000000e+00> : vector<32x192xf32>
    %dot_general3A_196 = tpu.matmul %slice3A_194, %get3A_1, %dot_general3A_195 {dimension_numbers = #tpu.dot_dimension_numbers<[1], [0], [0], [1], [0, 0, 1, 1], [], []>, transpose_lhs_hint = false} : vector<32x768xf32>, vector<768x192xf32>, vector<32x192xf32> -> vector<32x192xf32>
    %slice3A_197 = vector.extract_strided_slice %concatenate3A {offsets = [512, 0], sizes = [32, 768], strides = [1, 1]} : vector<1024x768xf32> to vector<32x768xf32>
    %dot_general3A_198 = arith.constant dense<0.000000e+00> : vector<32x192xf32>
    %dot_general3A_199 = tpu.matmul %slice3A_197, %get3A_1, %dot_general3A_198 {dimension_numbers = #tpu.dot_dimension_numbers<[1], [0], [0], [1], [0, 0, 1, 1], [], []>, transpose_lhs_hint = false} : vector<32x768xf32>, vector<768x192xf32>, vector<32x192xf32> -> vector<32x192xf32>
    %slice3A_200 = vector.extract_strided_slice %concatenate3A {offsets = [544, 0], sizes = [32, 768], strides = [1, 1]} : vector<1024x768xf32> to vector<32x768xf32>
    %dot_general3A_201 = arith.constant dense<0.000000e+00> : vector<32x192xf32>
    %dot_general3A_202 = tpu.matmul %slice3A_200, %get3A_1, %dot_general3A_201 {dimension_numbers = #tpu.dot_dimension_numbers<[1], [0], [0], [1], [0, 0, 1, 1], [], []>, transpose_lhs_hint = false} : vector<32x768xf32>, vector<768x192xf32>, vector<32x192xf32> -> vector<32x192xf32>
    %slice3A_203 = vector.extract_strided_slice %concatenate3A {offsets = [576, 0], sizes = [32, 768], strides = [1, 1]} : vector<1024x768xf32> to vector<32x768xf32>
    %dot_general3A_204 = arith.constant dense<0.000000e+00> : vector<32x192xf32>
    %dot_general3A_205 = tpu.matmul %slice3A_203, %get3A_1, %dot_general3A_204 {dimension_numbers = #tpu.dot_dimension_numbers<[1], [0], [0], [1], [0, 0, 1, 1], [], []>, transpose_lhs_hint = false} : vector<32x768xf32>, vector<768x192xf32>, vector<32x192xf32> -> vector<32x192xf32>
    %slice3A_206 = vector.extract_strided_slice %concatenate3A {offsets = [608, 0], sizes = [32, 768], strides = [1, 1]} : vector<1024x768xf32> to vector<32x768xf32>
    %dot_general3A_207 = arith.constant dense<0.000000e+00> : vector<32x192xf32>
    %dot_general3A_208 = tpu.matmul %slice3A_206, %get3A_1, %dot_general3A_207 {dimension_numbers = #tpu.dot_dimension_numbers<[1], [0], [0], [1], [0, 0, 1, 1], [], []>, transpose_lhs_hint = false} : vector<32x768xf32>, vector<768x192xf32>, vector<32x192xf32> -> vector<32x192xf32>
    %slice3A_209 = vector.extract_strided_slice %concatenate3A {offsets = [640, 0], sizes = [32, 768], strides = [1, 1]} : vector<1024x768xf32> to vector<32x768xf32>
    %dot_general3A_210 = arith.constant dense<0.000000e+00> : vector<32x192xf32>
    %dot_general3A_211 = tpu.matmul %slice3A_209, %get3A_1, %dot_general3A_210 {dimension_numbers = #tpu.dot_dimension_numbers<[1], [0], [0], [1], [0, 0, 1, 1], [], []>, transpose_lhs_hint = false} : vector<32x768xf32>, vector<768x192xf32>, vector<32x192xf32> -> vector<32x192xf32>
    %slice3A_212 = vector.extract_strided_slice %concatenate3A {offsets = [672, 0], sizes = [32, 768], strides = [1, 1]} : vector<1024x768xf32> to vector<32x768xf32>
    %dot_general3A_213 = arith.constant dense<0.000000e+00> : vector<32x192xf32>
    %dot_general3A_214 = tpu.matmul %slice3A_212, %get3A_1, %dot_general3A_213 {dimension_numbers = #tpu.dot_dimension_numbers<[1], [0], [0], [1], [0, 0, 1, 1], [], []>, transpose_lhs_hint = false} : vector<32x768xf32>, vector<768x192xf32>, vector<32x192xf32> -> vector<32x192xf32>
    %slice3A_215 = vector.extract_strided_slice %concatenate3A {offsets = [704, 0], sizes = [32, 768], strides = [1, 1]} : vector<1024x768xf32> to vector<32x768xf32>
    %dot_general3A_216 = arith.constant dense<0.000000e+00> : vector<32x192xf32>
    %dot_general3A_217 = tpu.matmul %slice3A_215, %get3A_1, %dot_general3A_216 {dimension_numbers = #tpu.dot_dimension_numbers<[1], [0], [0], [1], [0, 0, 1, 1], [], []>, transpose_lhs_hint = false} : vector<32x768xf32>, vector<768x192xf32>, vector<32x192xf32> -> vector<32x192xf32>
    %slice3A_218 = vector.extract_strided_slice %concatenate3A {offsets = [736, 0], sizes = [32, 768], strides = [1, 1]} : vector<1024x768xf32> to vector<32x768xf32>
    %dot_general3A_219 = arith.constant dense<0.000000e+00> : vector<32x192xf32>
    %dot_general3A_220 = tpu.matmul %slice3A_218, %get3A_1, %dot_general3A_219 {dimension_numbers = #tpu.dot_dimension_numbers<[1], [0], [0], [1], [0, 0, 1, 1], [], []>, transpose_lhs_hint = false} : vector<32x768xf32>, vector<768x192xf32>, vector<32x192xf32> -> vector<32x192xf32>
    %slice3A_221 = vector.extract_strided_slice %concatenate3A {offsets = [768, 0], sizes = [32, 768], strides = [1, 1]} : vector<1024x768xf32> to vector<32x768xf32>
    %dot_general3A_222 = arith.constant dense<0.000000e+00> : vector<32x192xf32>
    %dot_general3A_223 = tpu.matmul %slice3A_221, %get3A_1, %dot_general3A_222 {dimension_numbers = #tpu.dot_dimension_numbers<[1], [0], [0], [1], [0, 0, 1, 1], [], []>, transpose_lhs_hint = false} : vector<32x768xf32>, vector<768x192xf32>, vector<32x192xf32> -> vector<32x192xf32>
    %slice3A_224 = vector.extract_strided_slice %concatenate3A {offsets = [800, 0], sizes = [32, 768], strides = [1, 1]} : vector<1024x768xf32> to vector<32x768xf32>
    %dot_general3A_225 = arith.constant dense<0.000000e+00> : vector<32x192xf32>
    %dot_general3A_226 = tpu.matmul %slice3A_224, %get3A_1, %dot_general3A_225 {dimension_numbers = #tpu.dot_dimension_numbers<[1], [0], [0], [1], [0, 0, 1, 1], [], []>, transpose_lhs_hint = false} : vector<32x768xf32>, vector<768x192xf32>, vector<32x192xf32> -> vector<32x192xf32>
    %slice3A_227 = vector.extract_strided_slice %concatenate3A {offsets = [832, 0], sizes = [32, 768], strides = [1, 1]} : vector<1024x768xf32> to vector<32x768xf32>
    %dot_general3A_228 = arith.constant dense<0.000000e+00> : vector<32x192xf32>
    %dot_general3A_229 = tpu.matmul %slice3A_227, %get3A_1, %dot_general3A_228 {dimension_numbers = #tpu.dot_dimension_numbers<[1], [0], [0], [1], [0, 0, 1, 1], [], []>, transpose_lhs_hint = false} : vector<32x768xf32>, vector<768x192xf32>, vector<32x192xf32> -> vector<32x192xf32>
    %slice3A_230 = vector.extract_strided_slice %concatenate3A {offsets = [864, 0], sizes = [32, 768], strides = [1, 1]} : vector<1024x768xf32> to vector<32x768xf32>
    %dot_general3A_231 = arith.constant dense<0.000000e+00> : vector<32x192xf32>
    %dot_general3A_232 = tpu.matmul %slice3A_230, %get3A_1, %dot_general3A_231 {dimension_numbers = #tpu.dot_dimension_numbers<[1], [0], [0], [1], [0, 0, 1, 1], [], []>, transpose_lhs_hint = false} : vector<32x768xf32>, vector<768x192xf32>, vector<32x192xf32> -> vector<32x192xf32>
    %slice3A_233 = vector.extract_strided_slice %concatenate3A {offsets = [896, 0], sizes = [32, 768], strides = [1, 1]} : vector<1024x768xf32> to vector<32x768xf32>
    %dot_general3A_234 = arith.constant dense<0.000000e+00> : vector<32x192xf32>
    %dot_general3A_235 = tpu.matmul %slice3A_233, %get3A_1, %dot_general3A_234 {dimension_numbers = #tpu.dot_dimension_numbers<[1], [0], [0], [1], [0, 0, 1, 1], [], []>, transpose_lhs_hint = false} : vector<32x768xf32>, vector<768x192xf32>, vector<32x192xf32> -> vector<32x192xf32>
    %slice3A_236 = vector.extract_strided_slice %concatenate3A {offsets = [928, 0], sizes = [32, 768], strides = [1, 1]} : vector<1024x768xf32> to vector<32x768xf32>
    %dot_general3A_237 = arith.constant dense<0.000000e+00> : vector<32x192xf32>
    %dot_general3A_238 = tpu.matmul %slice3A_236, %get3A_1, %dot_general3A_237 {dimension_numbers = #tpu.dot_dimension_numbers<[1], [0], [0], [1], [0, 0, 1, 1], [], []>, transpose_lhs_hint = false} : vector<32x768xf32>, vector<768x192xf32>, vector<32x192xf32> -> vector<32x192xf32>
    %slice3A_239 = vector.extract_strided_slice %concatenate3A {offsets = [960, 0], sizes = [32, 768], strides = [1, 1]} : vector<1024x768xf32> to vector<32x768xf32>
    %dot_general3A_240 = arith.constant dense<0.000000e+00> : vector<32x192xf32>
    %dot_general3A_241 = tpu.matmul %slice3A_239, %get3A_1, %dot_general3A_240 {dimension_numbers = #tpu.dot_dimension_numbers<[1], [0], [0], [1], [0, 0, 1, 1], [], []>, transpose_lhs_hint = false} : vector<32x768xf32>, vector<768x192xf32>, vector<32x192xf32> -> vector<32x192xf32>
    %slice3A_242 = vector.extract_strided_slice %concatenate3A {offsets = [992, 0], sizes = [32, 768], strides = [1, 1]} : vector<1024x768xf32> to vector<32x768xf32>
    %dot_general3A_243 = arith.constant dense<0.000000e+00> : vector<32x192xf32>
    %dot_general3A_244 = tpu.matmul %slice3A_242, %get3A_1, %dot_general3A_243 {dimension_numbers = #tpu.dot_dimension_numbers<[1], [0], [0], [1], [0, 0, 1, 1], [], []>, transpose_lhs_hint = false} : vector<32x768xf32>, vector<768x192xf32>, vector<32x192xf32> -> vector<32x192xf32>
    %concatenate3A_245 = tpu.concatenate %dot_general3A_151, %dot_general3A_154, %dot_general3A_157, %dot_general3A_160, %dot_general3A_163, %dot_general3A_166, %dot_general3A_169, %dot_general3A_172, %dot_general3A_175, %dot_general3A_178, %dot_general3A_181, %dot_general3A_184, %dot_general3A_187, %dot_general3A_190, %dot_general3A_193, %dot_general3A_196, %dot_general3A_199, %dot_general3A_202, %dot_general3A_205, %dot_general3A_208, %dot_general3A_211, %dot_general3A_214, %dot_general3A_217, %dot_general3A_220, %dot_general3A_223, %dot_general3A_226, %dot_general3A_229, %dot_general3A_232, %dot_general3A_235, %dot_general3A_238, %dot_general3A_241, %dot_general3A_244 in 0 : vector<32x192xf32>, vector<32x192xf32>, vector<32x192xf32>, vector<32x192xf32>, vector<32x192xf32>, vector<32x192xf32>, vector<32x192xf32>, vector<32x192xf32>, vector<32x192xf32>, vector<32x192xf32>, vector<32x192xf32>, vector<32x192xf32>, vector<32x192xf32>, vector<32x192xf32>, vector<32x192xf32>, vector<32x192xf32>, vector<32x192xf32>, vector<32x192xf32>, vector<32x192xf32>, vector<32x192xf32>, vector<32x192xf32>, vector<32x192xf32>, vector<32x192xf32>, vector<32x192xf32>, vector<32x192xf32>, vector<32x192xf32>, vector<32x192xf32>, vector<32x192xf32>, vector<32x192xf32>, vector<32x192xf32>, vector<32x192xf32>, vector<32x192xf32> -> vector<1024x192xf32>
    %get3A_246 = arith.constant 0 : index
    %get3A_247 = arith.constant 0 : index
    %get3A_248 = vector.load %arg3[%get3A_246, %get3A_247] : memref<1x192xf32, #tpu.memory_space<vmem>>, vector<1x192xf32>
    %add3A = vector.broadcast %get3A_248 : vector<1x192xf32> to vector<1024x192xf32>
    %add3A_249 = arith.addf %concatenate3A_245, %add3A : vector<1024x192xf32>
    %swap3A = arith.constant 0 : index
    %swap3A_250 = arith.constant 0 : index
    %swap3A_251 = arith.constant 0 : index
    %swap3A_252 = vector.load %arg7[%swap3A, %swap3A_250, %swap3A_251] : memref<1x1024x256xf32, #tpu.memory_space<vmem>>, vector<1x1024x192xf32>
    %swap3A_253 = vector.shape_cast %swap3A_252 : vector<1x1024x192xf32> to vector<1024x192xf32>
    %swap3A_254 = vector.shape_cast %add3A_249 : vector<1024x192xf32> to vector<1x1024x192xf32>
    tpu.vector_store %arg7[%swap3A, %swap3A_250, %swap3A_251], %swap3A_254 {strides = array<i32>} : memref<1x1024x256xf32, #tpu.memory_space<vmem>>, vector<1x1024x192xf32>,
    %get3A_255 = arith.constant 0 : index
    %get3A_256 = arith.constant 0 : index
    %get3A_257 = vector.load %arg4[%get3A_255, %get3A_256] : memref<2x192xf32, #tpu.memory_space<vmem>>, vector<2x192xf32>
    %dot_general3A_258 = arith.constant dense<0.000000e+00> : vector<2x1024xf32>
    %dot_general3A_259 = tpu.matmul %get3A_257, %add3A_249, %dot_general3A_258 {dimension_numbers = #tpu.dot_dimension_numbers<[1], [1], [0], [0], [0, 0, 1, 0], [], []>, transpose_lhs_hint = false} : vector<2x192xf32>, vector<1024x192xf32>, vector<2x1024xf32> -> vector<2x1024xf32>
    %get3A_260 = arith.constant 0 : index
    %get3A_261 = arith.constant 0 : index
    %get3A_262 = vector.load %arg5[%get3A_260, %get3A_261] : memref<2x1xf32, #tpu.memory_space<vmem>>, vector<2x1xf32>
    %add3A_263 = vector.broadcast %get3A_262 : vector<2x1xf32> to vector<2x1024xf32>
    %add3A_264 = arith.addf %dot_general3A_259, %add3A_263 : vector<2x1024xf32>
    %swap3A_265 = arith.constant 0 : index
    %swap3A_266 = arith.constant 0 : index
    %swap3A_267 = arith.constant 0 : index
    %swap3A_268 = vector.load %arg6[%swap3A_265, %swap3A_266, %swap3A_267] : memref<1x2x1024xf32, #tpu.memory_space<vmem>>, vector<1x2x1024xf32>
    %swap3A_269 = vector.shape_cast %swap3A_268 : vector<1x2x1024xf32> to vector<2x1024xf32>
    %swap3A_270 = vector.shape_cast %add3A_264 : vector<2x1024xf32> to vector<1x2x1024xf32>
    tpu.vector_store %arg6[%swap3A_265, %swap3A_266, %swap3A_267], %swap3A_270 {strides = array<i32>} : memref<1x2x1024xf32, #tpu.memory_space<vmem>>, vector<1x2x1024xf32>,
    %slice3A_271 = vector.extract_strided_slice %add3A_264 {offsets = [1, 0], sizes = [1, 1024], strides = [1, 1]} : vector<2x1024xf32> to vector<1x1024xf32>
    %slice3A_272 = vector.extract_strided_slice %add3A_264 {offsets = [0, 0], sizes = [1, 1024], strides = [1, 1]} : vector<2x1024xf32> to vector<1x1024xf32>
    %gt3A = arith.cmpf ogt, %slice3A_271, %slice3A_272 : vector<1x1024xf32>
    %convert_element_type3A = arith.extui %gt3A : vector<1x1024xi1> to vector<1x1024xi32>
    %swap3A_273 = arith.constant 0 : index
    %swap3A_274 = arith.constant 0 : index
    %swap3A_275 = arith.constant 0 : index
    %swap3A_276 = vector.load %arg8[%swap3A_273, %swap3A_274, %swap3A_275] : memref<1x1x1024xi32, #tpu.memory_space<vmem>>, vector<1x1x1024xi32>
    %swap3A_277 = vector.shape_cast %swap3A_276 : vector<1x1x1024xi32> to vector<1x1024xi32>
    %swap3A_278 = vector.shape_cast %convert_element_type3A : vector<1x1024xi32> to vector<1x1x1024xi32>
    tpu.vector_store %arg8[%swap3A_273, %swap3A_274, %swap3A_275], %swap3A_278 {strides = array<i32>} : memref<1x1x1024xi32, #tpu.memory_space<vmem>>, vector<1x1x1024xi32>,
    %reduce_sum3A = arith.constant dense<0.000000e+00> : vector<192xf32>
    %reduce_sum3A_279 = vector.multi_reduction <add>, %add3A_249, %reduce_sum3A [0] : vector<1024x192xf32> to vector<192xf32>
    %broadcast_in_dim3A = vector.shape_cast %reduce_sum3A_279 : vector<192xf32> to vector<1x192xf32>
    %swap3A_280 = arith.constant 0 : index
    %swap3A_281 = arith.constant 0 : index
    %swap3A_282 = arith.constant 0 : index
    %swap3A_283 = vector.load %arg9[%swap3A_280, %swap3A_281, %swap3A_282] : memref<1x1x192xf32, #tpu.memory_space<vmem>>, vector<1x1x192xf32>
    %swap3A_284 = vector.shape_cast %swap3A_283 : vector<1x1x192xf32> to vector<1x192xf32>
    %swap3A_285 = vector.shape_cast %broadcast_in_dim3A : vector<1x192xf32> to vector<1x1x192xf32>
    tpu.vector_store %arg9[%swap3A_280, %swap3A_281, %swap3A_282], %swap3A_285 {strides = array<i32>} : memref<1x1x192xf32, #tpu.memory_space<vmem>>, vector<1x1x192xf32>,
    return
  }
  func.func @transform_0(%arg0: i32) -> (i32, i32, i32, i32) {
    %c0_i32 = arith.constant 0 : i32
    %c0_i32_0 = arith.constant 0 : i32
    %c0_i32_1 = arith.constant 0 : i32
    %c0_i32_2 = arith.constant 0 : i32
    return %arg0, %c0_i32, %c0_i32_0, %c0_i32_1 : i32, i32, i32, i32
  }
  func.func @transform_1(%arg0: i32) -> (i32, i32) {
    %c0_i32 = arith.constant 0 : i32
    %c0_i32_0 = arith.constant 0 : i32
    %c0_i32_1 = arith.constant 0 : i32
    return %c0_i32, %c0_i32_0 : i32, i32
  }
  func.func @transform_2(%arg0: i32) -> (i32, i32) {
    %c0_i32 = arith.constant 0 : i32
    %c0_i32_0 = arith.constant 0 : i32
    %c0_i32_1 = arith.constant 0 : i32
    return %c0_i32, %c0_i32_0 : i32, i32
  }
  func.func @transform_3(%arg0: i32) -> (i32, i32) {
    %c0_i32 = arith.constant 0 : i32
    %c0_i32_0 = arith.constant 0 : i32
    %c0_i32_1 = arith.constant 0 : i32
    return %c0_i32, %c0_i32_0 : i32, i32
  }
  func.func @transform_4(%arg0: i32) -> (i32, i32) {
    %c0_i32 = arith.constant 0 : i32
    %c0_i32_0 = arith.constant 0 : i32
    %c0_i32_1 = arith.constant 0 : i32
    return %c0_i32, %c0_i32_0 : i32, i32
  }
  func.func @transform_5(%arg0: i32) -> (i32, i32, i32) {
    %c0_i32 = arith.constant 0 : i32
    %c0_i32_0 = arith.constant 0 : i32
    %c0_i32_1 = arith.constant 0 : i32
    return %arg0, %c0_i32, %c0_i32_0 : i32, i32, i32
  }
  func.func @transform_6(%arg0: i32) -> (i32, i32, i32) {
    %c0_i32 = arith.constant 0 : i32
    %c0_i32_0 = arith.constant 0 : i32
    %c0_i32_1 = arith.constant 0 : i32
    return %arg0, %c0_i32, %c0_i32_0 : i32, i32, i32
  }
  func.func @transform_7(%arg0: i32) -> (i32, i32, i32) {
    %c0_i32 = arith.constant 0 : i32
    %c0_i32_0 = arith.constant 0 : i32
    %c0_i32_1 = arith.constant 0 : i32
    return %arg0, %c0_i32, %c0_i32_0 : i32, i32, i32
  }
  func.func @transform_8(%arg0: i32) -> (i32, i32, i32) {
    %c0_i32 = arith.constant 0 : i32
    %c0_i32_0 = arith.constant 0 : i32
    %c0_i32_1 = arith.constant 0 : i32
    return %arg0, %c0_i32, %c0_i32_0 : i32, i32, i32
  }
}

module attributes {stable_mosaic.version = 14 : i64} {
  func.func @_kmask(%arg0: i32, %arg1: memref<1x2x1024xf32, #tpu.memory_space<vmem>>, %arg2: memref<1x2x512x512xf32, #tpu.memory_space<vmem>>) attributes {dimension_semantics = [#tpu.dimension_semantics<arbitrary>], iteration_bounds = array<i64: 8>, scalar_prefetch = 0 : i64, scratch_operands = 0 : i64, tpu.core_type = #tpu.core_type<tc>, window_params = [{transform_indices = @transform_0, window_bounds = array<i64: 1, 2, 1024>}, {transform_indices = @transform_1, window_bounds = array<i64: 1, 2, 512, 512>}]} {
    %get3A = arith.constant 0 : index
    %get3A_0 = arith.constant 0 : index
    %get3A_1 = arith.constant 0 : index
    %get3A_2 = vector.load %arg1[%get3A, %get3A_0, %get3A_1] : memref<1x2x1024xf32, #tpu.memory_space<vmem>>, vector<1x2x1024xf32>
    %get3A_3 = vector.shape_cast %get3A_2 : vector<1x2x1024xf32> to vector<2x1024xf32>
    %iota3A = tpu.iota {dimensions = array<i32: 1>} : vector<32x512xi32>
    %jit3A = arith.constant 16 : i32
    %div3A = vector.broadcast %jit3A : i32 to vector<32x512xi32>
    %div3A_4 = arith.divsi %iota3A, %div3A : vector<32x512xi32>
    %sign3A = arith.constant 0 : i32
    %sign3A_5 = vector.broadcast %sign3A : i32 to vector<32x512xi32>
    %sign3A_6 = arith.cmpi sgt, %iota3A, %sign3A_5 : vector<32x512xi32>
    %sign3A_7 = arith.extui %sign3A_6 : vector<32x512xi1> to vector<32x512xi32>
    %sign3A_8 = arith.constant 0 : i32
    %sign3A_9 = vector.broadcast %sign3A_8 : i32 to vector<32x512xi32>
    %sign3A_10 = arith.cmpi slt, %iota3A, %sign3A_9 : vector<32x512xi32>
    %sign3A_11 = arith.extui %sign3A_10 : vector<32x512xi1> to vector<32x512xi32>
    %sign3A_12 = arith.subi %sign3A_7, %sign3A_11 : vector<32x512xi32>
    %sign3A_13 = arith.constant 0 : i32
    %sign3A_14 = arith.cmpi sgt, %jit3A, %sign3A_13 : i32
    %sign3A_15 = arith.extui %sign3A_14 : i1 to i32
    %sign3A_16 = arith.constant 0 : i32
    %sign3A_17 = arith.cmpi slt, %jit3A, %sign3A_16 : i32
    %sign3A_18 = arith.extui %sign3A_17 : i1 to i32
    %sign3A_19 = arith.subi %sign3A_15, %sign3A_18 : i32
    %ne3A = vector.broadcast %sign3A_19 : i32 to vector<32x512xi32>
    %ne3A_20 = arith.cmpi ne, %sign3A_12, %ne3A : vector<32x512xi32>
    %rem3A = vector.broadcast %jit3A : i32 to vector<32x512xi32>
    %rem3A_21 = arith.remsi %iota3A, %rem3A : vector<32x512xi32>
    %ne3A_22 = arith.constant 0 : i32
    %ne3A_23 = vector.broadcast %ne3A_22 : i32 to vector<32x512xi32>
    %ne3A_24 = arith.cmpi ne, %rem3A_21, %ne3A_23 : vector<32x512xi32>
    %and3A = arith.andi %ne3A_20, %ne3A_24 : vector<32x512xi1>
    %sub3A = arith.constant 1 : i32
    %sub3A_25 = vector.broadcast %sub3A : i32 to vector<32x512xi32>
    %sub3A_26 = arith.subi %div3A_4, %sub3A_25 : vector<32x512xi32>
    %select_n3A = arith.select %and3A, %sub3A_26, %div3A_4 : vector<32x512xi1>, vector<32x512xi32>
    %iota3A_27 = tpu.iota {dimensions = array<i32: 0>} : vector<32x512xi32>
    %eq3A = arith.cmpi eq, %select_n3A, %iota3A_27 : vector<32x512xi32>
    %convert_element_type3A = arith.extui %eq3A : vector<32x512xi1> to vector<32x512xi32>
    %convert_element_type3A_28 = arith.sitofp %convert_element_type3A : vector<32x512xi32> to vector<32x512xf32>
    %slice3A = vector.extract_strided_slice %get3A_3 {offsets = [0, 0], sizes = [1, 32], strides = [1, 1]} : vector<2x1024xf32> to vector<1x32xf32>
    %dot_general3A = arith.constant dense<0.000000e+00> : vector<1x512xf32>
    %dot_general3A_29 = tpu.matmul %slice3A, %convert_element_type3A_28, %dot_general3A {dimension_numbers = #tpu.dot_dimension_numbers<[1], [0], [0], [1], [0, 0, 1, 1], [], []>, precision = #tpu.contract_precision<fp32>, transpose_lhs_hint = false} : vector<1x32xf32>, vector<32x512xf32>, vector<1x512xf32> -> vector<1x512xf32>
    %broadcast_in_dim3A = vector.shape_cast %dot_general3A_29 : vector<1x512xf32> to vector<1x512xf32>
    %broadcast_in_dim3A_30 = vector.broadcast %broadcast_in_dim3A : vector<1x512xf32> to vector<16x512xf32>
    %swap3A = arith.constant 0 : index
    %swap3A_31 = arith.constant 0 : index
    %swap3A_32 = arith.constant 0 : index
    %swap3A_33 = arith.constant 0 : index
    %swap3A_34 = vector.load %arg2[%swap3A, %swap3A_31, %swap3A_32, %swap3A_33] : memref<1x2x512x512xf32, #tpu.memory_space<vmem>>, vector<1x1x16x512xf32>
    %swap3A_35 = vector.shape_cast %swap3A_34 : vector<1x1x16x512xf32> to vector<16x512xf32>
    %swap3A_36 = vector.shape_cast %broadcast_in_dim3A_30 : vector<16x512xf32> to vector<1x1x16x512xf32>
    tpu.vector_store %arg2[%swap3A, %swap3A_31, %swap3A_32, %swap3A_33], %swap3A_36 {strides = array<i32>} : memref<1x2x512x512xf32, #tpu.memory_space<vmem>>, vector<1x1x16x512xf32>,
    %slice3A_37 = vector.extract_strided_slice %get3A_3 {offsets = [0, 32], sizes = [1, 32], strides = [1, 1]} : vector<2x1024xf32> to vector<1x32xf32>
    %dot_general3A_38 = arith.constant dense<0.000000e+00> : vector<1x512xf32>
    %dot_general3A_39 = tpu.matmul %slice3A_37, %convert_element_type3A_28, %dot_general3A_38 {dimension_numbers = #tpu.dot_dimension_numbers<[1], [0], [0], [1], [0, 0, 1, 1], [], []>, precision = #tpu.contract_precision<fp32>, transpose_lhs_hint = false} : vector<1x32xf32>, vector<32x512xf32>, vector<1x512xf32> -> vector<1x512xf32>
    %broadcast_in_dim3A_40 = vector.shape_cast %dot_general3A_39 : vector<1x512xf32> to vector<1x512xf32>
    %broadcast_in_dim3A_41 = vector.broadcast %broadcast_in_dim3A_40 : vector<1x512xf32> to vector<16x512xf32>
    %swap3A_42 = arith.constant 0 : index
    %swap3A_43 = arith.constant 0 : index
    %swap3A_44 = arith.constant 16 : index
    %swap3A_45 = arith.constant 0 : index
    %swap3A_46 = vector.load %arg2[%swap3A_42, %swap3A_43, %swap3A_44, %swap3A_45] : memref<1x2x512x512xf32, #tpu.memory_space<vmem>>, vector<1x1x16x512xf32>
    %swap3A_47 = vector.shape_cast %swap3A_46 : vector<1x1x16x512xf32> to vector<16x512xf32>
    %swap3A_48 = vector.shape_cast %broadcast_in_dim3A_41 : vector<16x512xf32> to vector<1x1x16x512xf32>
    tpu.vector_store %arg2[%swap3A_42, %swap3A_43, %swap3A_44, %swap3A_45], %swap3A_48 {strides = array<i32>} : memref<1x2x512x512xf32, #tpu.memory_space<vmem>>, vector<1x1x16x512xf32>,
    %slice3A_49 = vector.extract_strided_slice %get3A_3 {offsets = [0, 64], sizes = [1, 32], strides = [1, 1]} : vector<2x1024xf32> to vector<1x32xf32>
    %dot_general3A_50 = arith.constant dense<0.000000e+00> : vector<1x512xf32>
    %dot_general3A_51 = tpu.matmul %slice3A_49, %convert_element_type3A_28, %dot_general3A_50 {dimension_numbers = #tpu.dot_dimension_numbers<[1], [0], [0], [1], [0, 0, 1, 1], [], []>, precision = #tpu.contract_precision<fp32>, transpose_lhs_hint = false} : vector<1x32xf32>, vector<32x512xf32>, vector<1x512xf32> -> vector<1x512xf32>
    %broadcast_in_dim3A_52 = vector.shape_cast %dot_general3A_51 : vector<1x512xf32> to vector<1x512xf32>
    %broadcast_in_dim3A_53 = vector.broadcast %broadcast_in_dim3A_52 : vector<1x512xf32> to vector<16x512xf32>
    %swap3A_54 = arith.constant 0 : index
    %swap3A_55 = arith.constant 0 : index
    %swap3A_56 = arith.constant 32 : index
    %swap3A_57 = arith.constant 0 : index
    %swap3A_58 = vector.load %arg2[%swap3A_54, %swap3A_55, %swap3A_56, %swap3A_57] : memref<1x2x512x512xf32, #tpu.memory_space<vmem>>, vector<1x1x16x512xf32>
    %swap3A_59 = vector.shape_cast %swap3A_58 : vector<1x1x16x512xf32> to vector<16x512xf32>
    %swap3A_60 = vector.shape_cast %broadcast_in_dim3A_53 : vector<16x512xf32> to vector<1x1x16x512xf32>
    tpu.vector_store %arg2[%swap3A_54, %swap3A_55, %swap3A_56, %swap3A_57], %swap3A_60 {strides = array<i32>} : memref<1x2x512x512xf32, #tpu.memory_space<vmem>>, vector<1x1x16x512xf32>,
    %slice3A_61 = vector.extract_strided_slice %get3A_3 {offsets = [0, 96], sizes = [1, 32], strides = [1, 1]} : vector<2x1024xf32> to vector<1x32xf32>
    %dot_general3A_62 = arith.constant dense<0.000000e+00> : vector<1x512xf32>
    %dot_general3A_63 = tpu.matmul %slice3A_61, %convert_element_type3A_28, %dot_general3A_62 {dimension_numbers = #tpu.dot_dimension_numbers<[1], [0], [0], [1], [0, 0, 1, 1], [], []>, precision = #tpu.contract_precision<fp32>, transpose_lhs_hint = false} : vector<1x32xf32>, vector<32x512xf32>, vector<1x512xf32> -> vector<1x512xf32>
    %broadcast_in_dim3A_64 = vector.shape_cast %dot_general3A_63 : vector<1x512xf32> to vector<1x512xf32>
    %broadcast_in_dim3A_65 = vector.broadcast %broadcast_in_dim3A_64 : vector<1x512xf32> to vector<16x512xf32>
    %swap3A_66 = arith.constant 0 : index
    %swap3A_67 = arith.constant 0 : index
    %swap3A_68 = arith.constant 48 : index
    %swap3A_69 = arith.constant 0 : index
    %swap3A_70 = vector.load %arg2[%swap3A_66, %swap3A_67, %swap3A_68, %swap3A_69] : memref<1x2x512x512xf32, #tpu.memory_space<vmem>>, vector<1x1x16x512xf32>
    %swap3A_71 = vector.shape_cast %swap3A_70 : vector<1x1x16x512xf32> to vector<16x512xf32>
    %swap3A_72 = vector.shape_cast %broadcast_in_dim3A_65 : vector<16x512xf32> to vector<1x1x16x512xf32>
    tpu.vector_store %arg2[%swap3A_66, %swap3A_67, %swap3A_68, %swap3A_69], %swap3A_72 {strides = array<i32>} : memref<1x2x512x512xf32, #tpu.memory_space<vmem>>, vector<1x1x16x512xf32>,
    %slice3A_73 = vector.extract_strided_slice %get3A_3 {offsets = [0, 128], sizes = [1, 32], strides = [1, 1]} : vector<2x1024xf32> to vector<1x32xf32>
    %dot_general3A_74 = arith.constant dense<0.000000e+00> : vector<1x512xf32>
    %dot_general3A_75 = tpu.matmul %slice3A_73, %convert_element_type3A_28, %dot_general3A_74 {dimension_numbers = #tpu.dot_dimension_numbers<[1], [0], [0], [1], [0, 0, 1, 1], [], []>, precision = #tpu.contract_precision<fp32>, transpose_lhs_hint = false} : vector<1x32xf32>, vector<32x512xf32>, vector<1x512xf32> -> vector<1x512xf32>
    %broadcast_in_dim3A_76 = vector.shape_cast %dot_general3A_75 : vector<1x512xf32> to vector<1x512xf32>
    %broadcast_in_dim3A_77 = vector.broadcast %broadcast_in_dim3A_76 : vector<1x512xf32> to vector<16x512xf32>
    %swap3A_78 = arith.constant 0 : index
    %swap3A_79 = arith.constant 0 : index
    %swap3A_80 = arith.constant 64 : index
    %swap3A_81 = arith.constant 0 : index
    %swap3A_82 = vector.load %arg2[%swap3A_78, %swap3A_79, %swap3A_80, %swap3A_81] : memref<1x2x512x512xf32, #tpu.memory_space<vmem>>, vector<1x1x16x512xf32>
    %swap3A_83 = vector.shape_cast %swap3A_82 : vector<1x1x16x512xf32> to vector<16x512xf32>
    %swap3A_84 = vector.shape_cast %broadcast_in_dim3A_77 : vector<16x512xf32> to vector<1x1x16x512xf32>
    tpu.vector_store %arg2[%swap3A_78, %swap3A_79, %swap3A_80, %swap3A_81], %swap3A_84 {strides = array<i32>} : memref<1x2x512x512xf32, #tpu.memory_space<vmem>>, vector<1x1x16x512xf32>,
    %slice3A_85 = vector.extract_strided_slice %get3A_3 {offsets = [0, 160], sizes = [1, 32], strides = [1, 1]} : vector<2x1024xf32> to vector<1x32xf32>
    %dot_general3A_86 = arith.constant dense<0.000000e+00> : vector<1x512xf32>
    %dot_general3A_87 = tpu.matmul %slice3A_85, %convert_element_type3A_28, %dot_general3A_86 {dimension_numbers = #tpu.dot_dimension_numbers<[1], [0], [0], [1], [0, 0, 1, 1], [], []>, precision = #tpu.contract_precision<fp32>, transpose_lhs_hint = false} : vector<1x32xf32>, vector<32x512xf32>, vector<1x512xf32> -> vector<1x512xf32>
    %broadcast_in_dim3A_88 = vector.shape_cast %dot_general3A_87 : vector<1x512xf32> to vector<1x512xf32>
    %broadcast_in_dim3A_89 = vector.broadcast %broadcast_in_dim3A_88 : vector<1x512xf32> to vector<16x512xf32>
    %swap3A_90 = arith.constant 0 : index
    %swap3A_91 = arith.constant 0 : index
    %swap3A_92 = arith.constant 80 : index
    %swap3A_93 = arith.constant 0 : index
    %swap3A_94 = vector.load %arg2[%swap3A_90, %swap3A_91, %swap3A_92, %swap3A_93] : memref<1x2x512x512xf32, #tpu.memory_space<vmem>>, vector<1x1x16x512xf32>
    %swap3A_95 = vector.shape_cast %swap3A_94 : vector<1x1x16x512xf32> to vector<16x512xf32>
    %swap3A_96 = vector.shape_cast %broadcast_in_dim3A_89 : vector<16x512xf32> to vector<1x1x16x512xf32>
    tpu.vector_store %arg2[%swap3A_90, %swap3A_91, %swap3A_92, %swap3A_93], %swap3A_96 {strides = array<i32>} : memref<1x2x512x512xf32, #tpu.memory_space<vmem>>, vector<1x1x16x512xf32>,
    %slice3A_97 = vector.extract_strided_slice %get3A_3 {offsets = [0, 192], sizes = [1, 32], strides = [1, 1]} : vector<2x1024xf32> to vector<1x32xf32>
    %dot_general3A_98 = arith.constant dense<0.000000e+00> : vector<1x512xf32>
    %dot_general3A_99 = tpu.matmul %slice3A_97, %convert_element_type3A_28, %dot_general3A_98 {dimension_numbers = #tpu.dot_dimension_numbers<[1], [0], [0], [1], [0, 0, 1, 1], [], []>, precision = #tpu.contract_precision<fp32>, transpose_lhs_hint = false} : vector<1x32xf32>, vector<32x512xf32>, vector<1x512xf32> -> vector<1x512xf32>
    %broadcast_in_dim3A_100 = vector.shape_cast %dot_general3A_99 : vector<1x512xf32> to vector<1x512xf32>
    %broadcast_in_dim3A_101 = vector.broadcast %broadcast_in_dim3A_100 : vector<1x512xf32> to vector<16x512xf32>
    %swap3A_102 = arith.constant 0 : index
    %swap3A_103 = arith.constant 0 : index
    %swap3A_104 = arith.constant 96 : index
    %swap3A_105 = arith.constant 0 : index
    %swap3A_106 = vector.load %arg2[%swap3A_102, %swap3A_103, %swap3A_104, %swap3A_105] : memref<1x2x512x512xf32, #tpu.memory_space<vmem>>, vector<1x1x16x512xf32>
    %swap3A_107 = vector.shape_cast %swap3A_106 : vector<1x1x16x512xf32> to vector<16x512xf32>
    %swap3A_108 = vector.shape_cast %broadcast_in_dim3A_101 : vector<16x512xf32> to vector<1x1x16x512xf32>
    tpu.vector_store %arg2[%swap3A_102, %swap3A_103, %swap3A_104, %swap3A_105], %swap3A_108 {strides = array<i32>} : memref<1x2x512x512xf32, #tpu.memory_space<vmem>>, vector<1x1x16x512xf32>,
    %slice3A_109 = vector.extract_strided_slice %get3A_3 {offsets = [0, 224], sizes = [1, 32], strides = [1, 1]} : vector<2x1024xf32> to vector<1x32xf32>
    %dot_general3A_110 = arith.constant dense<0.000000e+00> : vector<1x512xf32>
    %dot_general3A_111 = tpu.matmul %slice3A_109, %convert_element_type3A_28, %dot_general3A_110 {dimension_numbers = #tpu.dot_dimension_numbers<[1], [0], [0], [1], [0, 0, 1, 1], [], []>, precision = #tpu.contract_precision<fp32>, transpose_lhs_hint = false} : vector<1x32xf32>, vector<32x512xf32>, vector<1x512xf32> -> vector<1x512xf32>
    %broadcast_in_dim3A_112 = vector.shape_cast %dot_general3A_111 : vector<1x512xf32> to vector<1x512xf32>
    %broadcast_in_dim3A_113 = vector.broadcast %broadcast_in_dim3A_112 : vector<1x512xf32> to vector<16x512xf32>
    %swap3A_114 = arith.constant 0 : index
    %swap3A_115 = arith.constant 0 : index
    %swap3A_116 = arith.constant 112 : index
    %swap3A_117 = arith.constant 0 : index
    %swap3A_118 = vector.load %arg2[%swap3A_114, %swap3A_115, %swap3A_116, %swap3A_117] : memref<1x2x512x512xf32, #tpu.memory_space<vmem>>, vector<1x1x16x512xf32>
    %swap3A_119 = vector.shape_cast %swap3A_118 : vector<1x1x16x512xf32> to vector<16x512xf32>
    %swap3A_120 = vector.shape_cast %broadcast_in_dim3A_113 : vector<16x512xf32> to vector<1x1x16x512xf32>
    tpu.vector_store %arg2[%swap3A_114, %swap3A_115, %swap3A_116, %swap3A_117], %swap3A_120 {strides = array<i32>} : memref<1x2x512x512xf32, #tpu.memory_space<vmem>>, vector<1x1x16x512xf32>,
    %slice3A_121 = vector.extract_strided_slice %get3A_3 {offsets = [0, 256], sizes = [1, 32], strides = [1, 1]} : vector<2x1024xf32> to vector<1x32xf32>
    %dot_general3A_122 = arith.constant dense<0.000000e+00> : vector<1x512xf32>
    %dot_general3A_123 = tpu.matmul %slice3A_121, %convert_element_type3A_28, %dot_general3A_122 {dimension_numbers = #tpu.dot_dimension_numbers<[1], [0], [0], [1], [0, 0, 1, 1], [], []>, precision = #tpu.contract_precision<fp32>, transpose_lhs_hint = false} : vector<1x32xf32>, vector<32x512xf32>, vector<1x512xf32> -> vector<1x512xf32>
    %broadcast_in_dim3A_124 = vector.shape_cast %dot_general3A_123 : vector<1x512xf32> to vector<1x512xf32>
    %broadcast_in_dim3A_125 = vector.broadcast %broadcast_in_dim3A_124 : vector<1x512xf32> to vector<16x512xf32>
    %swap3A_126 = arith.constant 0 : index
    %swap3A_127 = arith.constant 0 : index
    %swap3A_128 = arith.constant 128 : index
    %swap3A_129 = arith.constant 0 : index
    %swap3A_130 = vector.load %arg2[%swap3A_126, %swap3A_127, %swap3A_128, %swap3A_129] : memref<1x2x512x512xf32, #tpu.memory_space<vmem>>, vector<1x1x16x512xf32>
    %swap3A_131 = vector.shape_cast %swap3A_130 : vector<1x1x16x512xf32> to vector<16x512xf32>
    %swap3A_132 = vector.shape_cast %broadcast_in_dim3A_125 : vector<16x512xf32> to vector<1x1x16x512xf32>
    tpu.vector_store %arg2[%swap3A_126, %swap3A_127, %swap3A_128, %swap3A_129], %swap3A_132 {strides = array<i32>} : memref<1x2x512x512xf32, #tpu.memory_space<vmem>>, vector<1x1x16x512xf32>,
    %slice3A_133 = vector.extract_strided_slice %get3A_3 {offsets = [0, 288], sizes = [1, 32], strides = [1, 1]} : vector<2x1024xf32> to vector<1x32xf32>
    %dot_general3A_134 = arith.constant dense<0.000000e+00> : vector<1x512xf32>
    %dot_general3A_135 = tpu.matmul %slice3A_133, %convert_element_type3A_28, %dot_general3A_134 {dimension_numbers = #tpu.dot_dimension_numbers<[1], [0], [0], [1], [0, 0, 1, 1], [], []>, precision = #tpu.contract_precision<fp32>, transpose_lhs_hint = false} : vector<1x32xf32>, vector<32x512xf32>, vector<1x512xf32> -> vector<1x512xf32>
    %broadcast_in_dim3A_136 = vector.shape_cast %dot_general3A_135 : vector<1x512xf32> to vector<1x512xf32>
    %broadcast_in_dim3A_137 = vector.broadcast %broadcast_in_dim3A_136 : vector<1x512xf32> to vector<16x512xf32>
    %swap3A_138 = arith.constant 0 : index
    %swap3A_139 = arith.constant 0 : index
    %swap3A_140 = arith.constant 144 : index
    %swap3A_141 = arith.constant 0 : index
    %swap3A_142 = vector.load %arg2[%swap3A_138, %swap3A_139, %swap3A_140, %swap3A_141] : memref<1x2x512x512xf32, #tpu.memory_space<vmem>>, vector<1x1x16x512xf32>
    %swap3A_143 = vector.shape_cast %swap3A_142 : vector<1x1x16x512xf32> to vector<16x512xf32>
    %swap3A_144 = vector.shape_cast %broadcast_in_dim3A_137 : vector<16x512xf32> to vector<1x1x16x512xf32>
    tpu.vector_store %arg2[%swap3A_138, %swap3A_139, %swap3A_140, %swap3A_141], %swap3A_144 {strides = array<i32>} : memref<1x2x512x512xf32, #tpu.memory_space<vmem>>, vector<1x1x16x512xf32>,
    %slice3A_145 = vector.extract_strided_slice %get3A_3 {offsets = [0, 320], sizes = [1, 32], strides = [1, 1]} : vector<2x1024xf32> to vector<1x32xf32>
    %dot_general3A_146 = arith.constant dense<0.000000e+00> : vector<1x512xf32>
    %dot_general3A_147 = tpu.matmul %slice3A_145, %convert_element_type3A_28, %dot_general3A_146 {dimension_numbers = #tpu.dot_dimension_numbers<[1], [0], [0], [1], [0, 0, 1, 1], [], []>, precision = #tpu.contract_precision<fp32>, transpose_lhs_hint = false} : vector<1x32xf32>, vector<32x512xf32>, vector<1x512xf32> -> vector<1x512xf32>
    %broadcast_in_dim3A_148 = vector.shape_cast %dot_general3A_147 : vector<1x512xf32> to vector<1x512xf32>
    %broadcast_in_dim3A_149 = vector.broadcast %broadcast_in_dim3A_148 : vector<1x512xf32> to vector<16x512xf32>
    %swap3A_150 = arith.constant 0 : index
    %swap3A_151 = arith.constant 0 : index
    %swap3A_152 = arith.constant 160 : index
    %swap3A_153 = arith.constant 0 : index
    %swap3A_154 = vector.load %arg2[%swap3A_150, %swap3A_151, %swap3A_152, %swap3A_153] : memref<1x2x512x512xf32, #tpu.memory_space<vmem>>, vector<1x1x16x512xf32>
    %swap3A_155 = vector.shape_cast %swap3A_154 : vector<1x1x16x512xf32> to vector<16x512xf32>
    %swap3A_156 = vector.shape_cast %broadcast_in_dim3A_149 : vector<16x512xf32> to vector<1x1x16x512xf32>
    tpu.vector_store %arg2[%swap3A_150, %swap3A_151, %swap3A_152, %swap3A_153], %swap3A_156 {strides = array<i32>} : memref<1x2x512x512xf32, #tpu.memory_space<vmem>>, vector<1x1x16x512xf32>,
    %slice3A_157 = vector.extract_strided_slice %get3A_3 {offsets = [0, 352], sizes = [1, 32], strides = [1, 1]} : vector<2x1024xf32> to vector<1x32xf32>
    %dot_general3A_158 = arith.constant dense<0.000000e+00> : vector<1x512xf32>
    %dot_general3A_159 = tpu.matmul %slice3A_157, %convert_element_type3A_28, %dot_general3A_158 {dimension_numbers = #tpu.dot_dimension_numbers<[1], [0], [0], [1], [0, 0, 1, 1], [], []>, precision = #tpu.contract_precision<fp32>, transpose_lhs_hint = false} : vector<1x32xf32>, vector<32x512xf32>, vector<1x512xf32> -> vector<1x512xf32>
    %broadcast_in_dim3A_160 = vector.shape_cast %dot_general3A_159 : vector<1x512xf32> to vector<1x512xf32>
    %broadcast_in_dim3A_161 = vector.broadcast %broadcast_in_dim3A_160 : vector<1x512xf32> to vector<16x512xf32>
    %swap3A_162 = arith.constant 0 : index
    %swap3A_163 = arith.constant 0 : index
    %swap3A_164 = arith.constant 176 : index
    %swap3A_165 = arith.constant 0 : index
    %swap3A_166 = vector.load %arg2[%swap3A_162, %swap3A_163, %swap3A_164, %swap3A_165] : memref<1x2x512x512xf32, #tpu.memory_space<vmem>>, vector<1x1x16x512xf32>
    %swap3A_167 = vector.shape_cast %swap3A_166 : vector<1x1x16x512xf32> to vector<16x512xf32>
    %swap3A_168 = vector.shape_cast %broadcast_in_dim3A_161 : vector<16x512xf32> to vector<1x1x16x512xf32>
    tpu.vector_store %arg2[%swap3A_162, %swap3A_163, %swap3A_164, %swap3A_165], %swap3A_168 {strides = array<i32>} : memref<1x2x512x512xf32, #tpu.memory_space<vmem>>, vector<1x1x16x512xf32>,
    %slice3A_169 = vector.extract_strided_slice %get3A_3 {offsets = [0, 384], sizes = [1, 32], strides = [1, 1]} : vector<2x1024xf32> to vector<1x32xf32>
    %dot_general3A_170 = arith.constant dense<0.000000e+00> : vector<1x512xf32>
    %dot_general3A_171 = tpu.matmul %slice3A_169, %convert_element_type3A_28, %dot_general3A_170 {dimension_numbers = #tpu.dot_dimension_numbers<[1], [0], [0], [1], [0, 0, 1, 1], [], []>, precision = #tpu.contract_precision<fp32>, transpose_lhs_hint = false} : vector<1x32xf32>, vector<32x512xf32>, vector<1x512xf32> -> vector<1x512xf32>
    %broadcast_in_dim3A_172 = vector.shape_cast %dot_general3A_171 : vector<1x512xf32> to vector<1x512xf32>
    %broadcast_in_dim3A_173 = vector.broadcast %broadcast_in_dim3A_172 : vector<1x512xf32> to vector<16x512xf32>
    %swap3A_174 = arith.constant 0 : index
    %swap3A_175 = arith.constant 0 : index
    %swap3A_176 = arith.constant 192 : index
    %swap3A_177 = arith.constant 0 : index
    %swap3A_178 = vector.load %arg2[%swap3A_174, %swap3A_175, %swap3A_176, %swap3A_177] : memref<1x2x512x512xf32, #tpu.memory_space<vmem>>, vector<1x1x16x512xf32>
    %swap3A_179 = vector.shape_cast %swap3A_178 : vector<1x1x16x512xf32> to vector<16x512xf32>
    %swap3A_180 = vector.shape_cast %broadcast_in_dim3A_173 : vector<16x512xf32> to vector<1x1x16x512xf32>
    tpu.vector_store %arg2[%swap3A_174, %swap3A_175, %swap3A_176, %swap3A_177], %swap3A_180 {strides = array<i32>} : memref<1x2x512x512xf32, #tpu.memory_space<vmem>>, vector<1x1x16x512xf32>,
    %slice3A_181 = vector.extract_strided_slice %get3A_3 {offsets = [0, 416], sizes = [1, 32], strides = [1, 1]} : vector<2x1024xf32> to vector<1x32xf32>
    %dot_general3A_182 = arith.constant dense<0.000000e+00> : vector<1x512xf32>
    %dot_general3A_183 = tpu.matmul %slice3A_181, %convert_element_type3A_28, %dot_general3A_182 {dimension_numbers = #tpu.dot_dimension_numbers<[1], [0], [0], [1], [0, 0, 1, 1], [], []>, precision = #tpu.contract_precision<fp32>, transpose_lhs_hint = false} : vector<1x32xf32>, vector<32x512xf32>, vector<1x512xf32> -> vector<1x512xf32>
    %broadcast_in_dim3A_184 = vector.shape_cast %dot_general3A_183 : vector<1x512xf32> to vector<1x512xf32>
    %broadcast_in_dim3A_185 = vector.broadcast %broadcast_in_dim3A_184 : vector<1x512xf32> to vector<16x512xf32>
    %swap3A_186 = arith.constant 0 : index
    %swap3A_187 = arith.constant 0 : index
    %swap3A_188 = arith.constant 208 : index
    %swap3A_189 = arith.constant 0 : index
    %swap3A_190 = vector.load %arg2[%swap3A_186, %swap3A_187, %swap3A_188, %swap3A_189] : memref<1x2x512x512xf32, #tpu.memory_space<vmem>>, vector<1x1x16x512xf32>
    %swap3A_191 = vector.shape_cast %swap3A_190 : vector<1x1x16x512xf32> to vector<16x512xf32>
    %swap3A_192 = vector.shape_cast %broadcast_in_dim3A_185 : vector<16x512xf32> to vector<1x1x16x512xf32>
    tpu.vector_store %arg2[%swap3A_186, %swap3A_187, %swap3A_188, %swap3A_189], %swap3A_192 {strides = array<i32>} : memref<1x2x512x512xf32, #tpu.memory_space<vmem>>, vector<1x1x16x512xf32>,
    %slice3A_193 = vector.extract_strided_slice %get3A_3 {offsets = [0, 448], sizes = [1, 32], strides = [1, 1]} : vector<2x1024xf32> to vector<1x32xf32>
    %dot_general3A_194 = arith.constant dense<0.000000e+00> : vector<1x512xf32>
    %dot_general3A_195 = tpu.matmul %slice3A_193, %convert_element_type3A_28, %dot_general3A_194 {dimension_numbers = #tpu.dot_dimension_numbers<[1], [0], [0], [1], [0, 0, 1, 1], [], []>, precision = #tpu.contract_precision<fp32>, transpose_lhs_hint = false} : vector<1x32xf32>, vector<32x512xf32>, vector<1x512xf32> -> vector<1x512xf32>
    %broadcast_in_dim3A_196 = vector.shape_cast %dot_general3A_195 : vector<1x512xf32> to vector<1x512xf32>
    %broadcast_in_dim3A_197 = vector.broadcast %broadcast_in_dim3A_196 : vector<1x512xf32> to vector<16x512xf32>
    %swap3A_198 = arith.constant 0 : index
    %swap3A_199 = arith.constant 0 : index
    %swap3A_200 = arith.constant 224 : index
    %swap3A_201 = arith.constant 0 : index
    %swap3A_202 = vector.load %arg2[%swap3A_198, %swap3A_199, %swap3A_200, %swap3A_201] : memref<1x2x512x512xf32, #tpu.memory_space<vmem>>, vector<1x1x16x512xf32>
    %swap3A_203 = vector.shape_cast %swap3A_202 : vector<1x1x16x512xf32> to vector<16x512xf32>
    %swap3A_204 = vector.shape_cast %broadcast_in_dim3A_197 : vector<16x512xf32> to vector<1x1x16x512xf32>
    tpu.vector_store %arg2[%swap3A_198, %swap3A_199, %swap3A_200, %swap3A_201], %swap3A_204 {strides = array<i32>} : memref<1x2x512x512xf32, #tpu.memory_space<vmem>>, vector<1x1x16x512xf32>,
    %slice3A_205 = vector.extract_strided_slice %get3A_3 {offsets = [0, 480], sizes = [1, 32], strides = [1, 1]} : vector<2x1024xf32> to vector<1x32xf32>
    %dot_general3A_206 = arith.constant dense<0.000000e+00> : vector<1x512xf32>
    %dot_general3A_207 = tpu.matmul %slice3A_205, %convert_element_type3A_28, %dot_general3A_206 {dimension_numbers = #tpu.dot_dimension_numbers<[1], [0], [0], [1], [0, 0, 1, 1], [], []>, precision = #tpu.contract_precision<fp32>, transpose_lhs_hint = false} : vector<1x32xf32>, vector<32x512xf32>, vector<1x512xf32> -> vector<1x512xf32>
    %broadcast_in_dim3A_208 = vector.shape_cast %dot_general3A_207 : vector<1x512xf32> to vector<1x512xf32>
    %broadcast_in_dim3A_209 = vector.broadcast %broadcast_in_dim3A_208 : vector<1x512xf32> to vector<16x512xf32>
    %swap3A_210 = arith.constant 0 : index
    %swap3A_211 = arith.constant 0 : index
    %swap3A_212 = arith.constant 240 : index
    %swap3A_213 = arith.constant 0 : index
    %swap3A_214 = vector.load %arg2[%swap3A_210, %swap3A_211, %swap3A_212, %swap3A_213] : memref<1x2x512x512xf32, #tpu.memory_space<vmem>>, vector<1x1x16x512xf32>
    %swap3A_215 = vector.shape_cast %swap3A_214 : vector<1x1x16x512xf32> to vector<16x512xf32>
    %swap3A_216 = vector.shape_cast %broadcast_in_dim3A_209 : vector<16x512xf32> to vector<1x1x16x512xf32>
    tpu.vector_store %arg2[%swap3A_210, %swap3A_211, %swap3A_212, %swap3A_213], %swap3A_216 {strides = array<i32>} : memref<1x2x512x512xf32, #tpu.memory_space<vmem>>, vector<1x1x16x512xf32>,
    %slice3A_217 = vector.extract_strided_slice %get3A_3 {offsets = [0, 512], sizes = [1, 32], strides = [1, 1]} : vector<2x1024xf32> to vector<1x32xf32>
    %dot_general3A_218 = arith.constant dense<0.000000e+00> : vector<1x512xf32>
    %dot_general3A_219 = tpu.matmul %slice3A_217, %convert_element_type3A_28, %dot_general3A_218 {dimension_numbers = #tpu.dot_dimension_numbers<[1], [0], [0], [1], [0, 0, 1, 1], [], []>, precision = #tpu.contract_precision<fp32>, transpose_lhs_hint = false} : vector<1x32xf32>, vector<32x512xf32>, vector<1x512xf32> -> vector<1x512xf32>
    %broadcast_in_dim3A_220 = vector.shape_cast %dot_general3A_219 : vector<1x512xf32> to vector<1x512xf32>
    %broadcast_in_dim3A_221 = vector.broadcast %broadcast_in_dim3A_220 : vector<1x512xf32> to vector<16x512xf32>
    %swap3A_222 = arith.constant 0 : index
    %swap3A_223 = arith.constant 0 : index
    %swap3A_224 = arith.constant 256 : index
    %swap3A_225 = arith.constant 0 : index
    %swap3A_226 = vector.load %arg2[%swap3A_222, %swap3A_223, %swap3A_224, %swap3A_225] : memref<1x2x512x512xf32, #tpu.memory_space<vmem>>, vector<1x1x16x512xf32>
    %swap3A_227 = vector.shape_cast %swap3A_226 : vector<1x1x16x512xf32> to vector<16x512xf32>
    %swap3A_228 = vector.shape_cast %broadcast_in_dim3A_221 : vector<16x512xf32> to vector<1x1x16x512xf32>
    tpu.vector_store %arg2[%swap3A_222, %swap3A_223, %swap3A_224, %swap3A_225], %swap3A_228 {strides = array<i32>} : memref<1x2x512x512xf32, #tpu.memory_space<vmem>>, vector<1x1x16x512xf32>,
    %slice3A_229 = vector.extract_strided_slice %get3A_3 {offsets = [0, 544], sizes = [1, 32], strides = [1, 1]} : vector<2x1024xf32> to vector<1x32xf32>
    %dot_general3A_230 = arith.constant dense<0.000000e+00> : vector<1x512xf32>
    %dot_general3A_231 = tpu.matmul %slice3A_229, %convert_element_type3A_28, %dot_general3A_230 {dimension_numbers = #tpu.dot_dimension_numbers<[1], [0], [0], [1], [0, 0, 1, 1], [], []>, precision = #tpu.contract_precision<fp32>, transpose_lhs_hint = false} : vector<1x32xf32>, vector<32x512xf32>, vector<1x512xf32> -> vector<1x512xf32>
    %broadcast_in_dim3A_232 = vector.shape_cast %dot_general3A_231 : vector<1x512xf32> to vector<1x512xf32>
    %broadcast_in_dim3A_233 = vector.broadcast %broadcast_in_dim3A_232 : vector<1x512xf32> to vector<16x512xf32>
    %swap3A_234 = arith.constant 0 : index
    %swap3A_235 = arith.constant 0 : index
    %swap3A_236 = arith.constant 272 : index
    %swap3A_237 = arith.constant 0 : index
    %swap3A_238 = vector.load %arg2[%swap3A_234, %swap3A_235, %swap3A_236, %swap3A_237] : memref<1x2x512x512xf32, #tpu.memory_space<vmem>>, vector<1x1x16x512xf32>
    %swap3A_239 = vector.shape_cast %swap3A_238 : vector<1x1x16x512xf32> to vector<16x512xf32>
    %swap3A_240 = vector.shape_cast %broadcast_in_dim3A_233 : vector<16x512xf32> to vector<1x1x16x512xf32>
    tpu.vector_store %arg2[%swap3A_234, %swap3A_235, %swap3A_236, %swap3A_237], %swap3A_240 {strides = array<i32>} : memref<1x2x512x512xf32, #tpu.memory_space<vmem>>, vector<1x1x16x512xf32>,
    %slice3A_241 = vector.extract_strided_slice %get3A_3 {offsets = [0, 576], sizes = [1, 32], strides = [1, 1]} : vector<2x1024xf32> to vector<1x32xf32>
    %dot_general3A_242 = arith.constant dense<0.000000e+00> : vector<1x512xf32>
    %dot_general3A_243 = tpu.matmul %slice3A_241, %convert_element_type3A_28, %dot_general3A_242 {dimension_numbers = #tpu.dot_dimension_numbers<[1], [0], [0], [1], [0, 0, 1, 1], [], []>, precision = #tpu.contract_precision<fp32>, transpose_lhs_hint = false} : vector<1x32xf32>, vector<32x512xf32>, vector<1x512xf32> -> vector<1x512xf32>
    %broadcast_in_dim3A_244 = vector.shape_cast %dot_general3A_243 : vector<1x512xf32> to vector<1x512xf32>
    %broadcast_in_dim3A_245 = vector.broadcast %broadcast_in_dim3A_244 : vector<1x512xf32> to vector<16x512xf32>
    %swap3A_246 = arith.constant 0 : index
    %swap3A_247 = arith.constant 0 : index
    %swap3A_248 = arith.constant 288 : index
    %swap3A_249 = arith.constant 0 : index
    %swap3A_250 = vector.load %arg2[%swap3A_246, %swap3A_247, %swap3A_248, %swap3A_249] : memref<1x2x512x512xf32, #tpu.memory_space<vmem>>, vector<1x1x16x512xf32>
    %swap3A_251 = vector.shape_cast %swap3A_250 : vector<1x1x16x512xf32> to vector<16x512xf32>
    %swap3A_252 = vector.shape_cast %broadcast_in_dim3A_245 : vector<16x512xf32> to vector<1x1x16x512xf32>
    tpu.vector_store %arg2[%swap3A_246, %swap3A_247, %swap3A_248, %swap3A_249], %swap3A_252 {strides = array<i32>} : memref<1x2x512x512xf32, #tpu.memory_space<vmem>>, vector<1x1x16x512xf32>,
    %slice3A_253 = vector.extract_strided_slice %get3A_3 {offsets = [0, 608], sizes = [1, 32], strides = [1, 1]} : vector<2x1024xf32> to vector<1x32xf32>
    %dot_general3A_254 = arith.constant dense<0.000000e+00> : vector<1x512xf32>
    %dot_general3A_255 = tpu.matmul %slice3A_253, %convert_element_type3A_28, %dot_general3A_254 {dimension_numbers = #tpu.dot_dimension_numbers<[1], [0], [0], [1], [0, 0, 1, 1], [], []>, precision = #tpu.contract_precision<fp32>, transpose_lhs_hint = false} : vector<1x32xf32>, vector<32x512xf32>, vector<1x512xf32> -> vector<1x512xf32>
    %broadcast_in_dim3A_256 = vector.shape_cast %dot_general3A_255 : vector<1x512xf32> to vector<1x512xf32>
    %broadcast_in_dim3A_257 = vector.broadcast %broadcast_in_dim3A_256 : vector<1x512xf32> to vector<16x512xf32>
    %swap3A_258 = arith.constant 0 : index
    %swap3A_259 = arith.constant 0 : index
    %swap3A_260 = arith.constant 304 : index
    %swap3A_261 = arith.constant 0 : index
    %swap3A_262 = vector.load %arg2[%swap3A_258, %swap3A_259, %swap3A_260, %swap3A_261] : memref<1x2x512x512xf32, #tpu.memory_space<vmem>>, vector<1x1x16x512xf32>
    %swap3A_263 = vector.shape_cast %swap3A_262 : vector<1x1x16x512xf32> to vector<16x512xf32>
    %swap3A_264 = vector.shape_cast %broadcast_in_dim3A_257 : vector<16x512xf32> to vector<1x1x16x512xf32>
    tpu.vector_store %arg2[%swap3A_258, %swap3A_259, %swap3A_260, %swap3A_261], %swap3A_264 {strides = array<i32>} : memref<1x2x512x512xf32, #tpu.memory_space<vmem>>, vector<1x1x16x512xf32>,
    %slice3A_265 = vector.extract_strided_slice %get3A_3 {offsets = [0, 640], sizes = [1, 32], strides = [1, 1]} : vector<2x1024xf32> to vector<1x32xf32>
    %dot_general3A_266 = arith.constant dense<0.000000e+00> : vector<1x512xf32>
    %dot_general3A_267 = tpu.matmul %slice3A_265, %convert_element_type3A_28, %dot_general3A_266 {dimension_numbers = #tpu.dot_dimension_numbers<[1], [0], [0], [1], [0, 0, 1, 1], [], []>, precision = #tpu.contract_precision<fp32>, transpose_lhs_hint = false} : vector<1x32xf32>, vector<32x512xf32>, vector<1x512xf32> -> vector<1x512xf32>
    %broadcast_in_dim3A_268 = vector.shape_cast %dot_general3A_267 : vector<1x512xf32> to vector<1x512xf32>
    %broadcast_in_dim3A_269 = vector.broadcast %broadcast_in_dim3A_268 : vector<1x512xf32> to vector<16x512xf32>
    %swap3A_270 = arith.constant 0 : index
    %swap3A_271 = arith.constant 0 : index
    %swap3A_272 = arith.constant 320 : index
    %swap3A_273 = arith.constant 0 : index
    %swap3A_274 = vector.load %arg2[%swap3A_270, %swap3A_271, %swap3A_272, %swap3A_273] : memref<1x2x512x512xf32, #tpu.memory_space<vmem>>, vector<1x1x16x512xf32>
    %swap3A_275 = vector.shape_cast %swap3A_274 : vector<1x1x16x512xf32> to vector<16x512xf32>
    %swap3A_276 = vector.shape_cast %broadcast_in_dim3A_269 : vector<16x512xf32> to vector<1x1x16x512xf32>
    tpu.vector_store %arg2[%swap3A_270, %swap3A_271, %swap3A_272, %swap3A_273], %swap3A_276 {strides = array<i32>} : memref<1x2x512x512xf32, #tpu.memory_space<vmem>>, vector<1x1x16x512xf32>,
    %slice3A_277 = vector.extract_strided_slice %get3A_3 {offsets = [0, 672], sizes = [1, 32], strides = [1, 1]} : vector<2x1024xf32> to vector<1x32xf32>
    %dot_general3A_278 = arith.constant dense<0.000000e+00> : vector<1x512xf32>
    %dot_general3A_279 = tpu.matmul %slice3A_277, %convert_element_type3A_28, %dot_general3A_278 {dimension_numbers = #tpu.dot_dimension_numbers<[1], [0], [0], [1], [0, 0, 1, 1], [], []>, precision = #tpu.contract_precision<fp32>, transpose_lhs_hint = false} : vector<1x32xf32>, vector<32x512xf32>, vector<1x512xf32> -> vector<1x512xf32>
    %broadcast_in_dim3A_280 = vector.shape_cast %dot_general3A_279 : vector<1x512xf32> to vector<1x512xf32>
    %broadcast_in_dim3A_281 = vector.broadcast %broadcast_in_dim3A_280 : vector<1x512xf32> to vector<16x512xf32>
    %swap3A_282 = arith.constant 0 : index
    %swap3A_283 = arith.constant 0 : index
    %swap3A_284 = arith.constant 336 : index
    %swap3A_285 = arith.constant 0 : index
    %swap3A_286 = vector.load %arg2[%swap3A_282, %swap3A_283, %swap3A_284, %swap3A_285] : memref<1x2x512x512xf32, #tpu.memory_space<vmem>>, vector<1x1x16x512xf32>
    %swap3A_287 = vector.shape_cast %swap3A_286 : vector<1x1x16x512xf32> to vector<16x512xf32>
    %swap3A_288 = vector.shape_cast %broadcast_in_dim3A_281 : vector<16x512xf32> to vector<1x1x16x512xf32>
    tpu.vector_store %arg2[%swap3A_282, %swap3A_283, %swap3A_284, %swap3A_285], %swap3A_288 {strides = array<i32>} : memref<1x2x512x512xf32, #tpu.memory_space<vmem>>, vector<1x1x16x512xf32>,
    %slice3A_289 = vector.extract_strided_slice %get3A_3 {offsets = [0, 704], sizes = [1, 32], strides = [1, 1]} : vector<2x1024xf32> to vector<1x32xf32>
    %dot_general3A_290 = arith.constant dense<0.000000e+00> : vector<1x512xf32>
    %dot_general3A_291 = tpu.matmul %slice3A_289, %convert_element_type3A_28, %dot_general3A_290 {dimension_numbers = #tpu.dot_dimension_numbers<[1], [0], [0], [1], [0, 0, 1, 1], [], []>, precision = #tpu.contract_precision<fp32>, transpose_lhs_hint = false} : vector<1x32xf32>, vector<32x512xf32>, vector<1x512xf32> -> vector<1x512xf32>
    %broadcast_in_dim3A_292 = vector.shape_cast %dot_general3A_291 : vector<1x512xf32> to vector<1x512xf32>
    %broadcast_in_dim3A_293 = vector.broadcast %broadcast_in_dim3A_292 : vector<1x512xf32> to vector<16x512xf32>
    %swap3A_294 = arith.constant 0 : index
    %swap3A_295 = arith.constant 0 : index
    %swap3A_296 = arith.constant 352 : index
    %swap3A_297 = arith.constant 0 : index
    %swap3A_298 = vector.load %arg2[%swap3A_294, %swap3A_295, %swap3A_296, %swap3A_297] : memref<1x2x512x512xf32, #tpu.memory_space<vmem>>, vector<1x1x16x512xf32>
    %swap3A_299 = vector.shape_cast %swap3A_298 : vector<1x1x16x512xf32> to vector<16x512xf32>
    %swap3A_300 = vector.shape_cast %broadcast_in_dim3A_293 : vector<16x512xf32> to vector<1x1x16x512xf32>
    tpu.vector_store %arg2[%swap3A_294, %swap3A_295, %swap3A_296, %swap3A_297], %swap3A_300 {strides = array<i32>} : memref<1x2x512x512xf32, #tpu.memory_space<vmem>>, vector<1x1x16x512xf32>,
    %slice3A_301 = vector.extract_strided_slice %get3A_3 {offsets = [0, 736], sizes = [1, 32], strides = [1, 1]} : vector<2x1024xf32> to vector<1x32xf32>
    %dot_general3A_302 = arith.constant dense<0.000000e+00> : vector<1x512xf32>
    %dot_general3A_303 = tpu.matmul %slice3A_301, %convert_element_type3A_28, %dot_general3A_302 {dimension_numbers = #tpu.dot_dimension_numbers<[1], [0], [0], [1], [0, 0, 1, 1], [], []>, precision = #tpu.contract_precision<fp32>, transpose_lhs_hint = false} : vector<1x32xf32>, vector<32x512xf32>, vector<1x512xf32> -> vector<1x512xf32>
    %broadcast_in_dim3A_304 = vector.shape_cast %dot_general3A_303 : vector<1x512xf32> to vector<1x512xf32>
    %broadcast_in_dim3A_305 = vector.broadcast %broadcast_in_dim3A_304 : vector<1x512xf32> to vector<16x512xf32>
    %swap3A_306 = arith.constant 0 : index
    %swap3A_307 = arith.constant 0 : index
    %swap3A_308 = arith.constant 368 : index
    %swap3A_309 = arith.constant 0 : index
    %swap3A_310 = vector.load %arg2[%swap3A_306, %swap3A_307, %swap3A_308, %swap3A_309] : memref<1x2x512x512xf32, #tpu.memory_space<vmem>>, vector<1x1x16x512xf32>
    %swap3A_311 = vector.shape_cast %swap3A_310 : vector<1x1x16x512xf32> to vector<16x512xf32>
    %swap3A_312 = vector.shape_cast %broadcast_in_dim3A_305 : vector<16x512xf32> to vector<1x1x16x512xf32>
    tpu.vector_store %arg2[%swap3A_306, %swap3A_307, %swap3A_308, %swap3A_309], %swap3A_312 {strides = array<i32>} : memref<1x2x512x512xf32, #tpu.memory_space<vmem>>, vector<1x1x16x512xf32>,
    %slice3A_313 = vector.extract_strided_slice %get3A_3 {offsets = [0, 768], sizes = [1, 32], strides = [1, 1]} : vector<2x1024xf32> to vector<1x32xf32>
    %dot_general3A_314 = arith.constant dense<0.000000e+00> : vector<1x512xf32>
    %dot_general3A_315 = tpu.matmul %slice3A_313, %convert_element_type3A_28, %dot_general3A_314 {dimension_numbers = #tpu.dot_dimension_numbers<[1], [0], [0], [1], [0, 0, 1, 1], [], []>, precision = #tpu.contract_precision<fp32>, transpose_lhs_hint = false} : vector<1x32xf32>, vector<32x512xf32>, vector<1x512xf32> -> vector<1x512xf32>
    %broadcast_in_dim3A_316 = vector.shape_cast %dot_general3A_315 : vector<1x512xf32> to vector<1x512xf32>
    %broadcast_in_dim3A_317 = vector.broadcast %broadcast_in_dim3A_316 : vector<1x512xf32> to vector<16x512xf32>
    %swap3A_318 = arith.constant 0 : index
    %swap3A_319 = arith.constant 0 : index
    %swap3A_320 = arith.constant 384 : index
    %swap3A_321 = arith.constant 0 : index
    %swap3A_322 = vector.load %arg2[%swap3A_318, %swap3A_319, %swap3A_320, %swap3A_321] : memref<1x2x512x512xf32, #tpu.memory_space<vmem>>, vector<1x1x16x512xf32>
    %swap3A_323 = vector.shape_cast %swap3A_322 : vector<1x1x16x512xf32> to vector<16x512xf32>
    %swap3A_324 = vector.shape_cast %broadcast_in_dim3A_317 : vector<16x512xf32> to vector<1x1x16x512xf32>
    tpu.vector_store %arg2[%swap3A_318, %swap3A_319, %swap3A_320, %swap3A_321], %swap3A_324 {strides = array<i32>} : memref<1x2x512x512xf32, #tpu.memory_space<vmem>>, vector<1x1x16x512xf32>,
    %slice3A_325 = vector.extract_strided_slice %get3A_3 {offsets = [0, 800], sizes = [1, 32], strides = [1, 1]} : vector<2x1024xf32> to vector<1x32xf32>
    %dot_general3A_326 = arith.constant dense<0.000000e+00> : vector<1x512xf32>
    %dot_general3A_327 = tpu.matmul %slice3A_325, %convert_element_type3A_28, %dot_general3A_326 {dimension_numbers = #tpu.dot_dimension_numbers<[1], [0], [0], [1], [0, 0, 1, 1], [], []>, precision = #tpu.contract_precision<fp32>, transpose_lhs_hint = false} : vector<1x32xf32>, vector<32x512xf32>, vector<1x512xf32> -> vector<1x512xf32>
    %broadcast_in_dim3A_328 = vector.shape_cast %dot_general3A_327 : vector<1x512xf32> to vector<1x512xf32>
    %broadcast_in_dim3A_329 = vector.broadcast %broadcast_in_dim3A_328 : vector<1x512xf32> to vector<16x512xf32>
    %swap3A_330 = arith.constant 0 : index
    %swap3A_331 = arith.constant 0 : index
    %swap3A_332 = arith.constant 400 : index
    %swap3A_333 = arith.constant 0 : index
    %swap3A_334 = vector.load %arg2[%swap3A_330, %swap3A_331, %swap3A_332, %swap3A_333] : memref<1x2x512x512xf32, #tpu.memory_space<vmem>>, vector<1x1x16x512xf32>
    %swap3A_335 = vector.shape_cast %swap3A_334 : vector<1x1x16x512xf32> to vector<16x512xf32>
    %swap3A_336 = vector.shape_cast %broadcast_in_dim3A_329 : vector<16x512xf32> to vector<1x1x16x512xf32>
    tpu.vector_store %arg2[%swap3A_330, %swap3A_331, %swap3A_332, %swap3A_333], %swap3A_336 {strides = array<i32>} : memref<1x2x512x512xf32, #tpu.memory_space<vmem>>, vector<1x1x16x512xf32>,
    %slice3A_337 = vector.extract_strided_slice %get3A_3 {offsets = [0, 832], sizes = [1, 32], strides = [1, 1]} : vector<2x1024xf32> to vector<1x32xf32>
    %dot_general3A_338 = arith.constant dense<0.000000e+00> : vector<1x512xf32>
    %dot_general3A_339 = tpu.matmul %slice3A_337, %convert_element_type3A_28, %dot_general3A_338 {dimension_numbers = #tpu.dot_dimension_numbers<[1], [0], [0], [1], [0, 0, 1, 1], [], []>, precision = #tpu.contract_precision<fp32>, transpose_lhs_hint = false} : vector<1x32xf32>, vector<32x512xf32>, vector<1x512xf32> -> vector<1x512xf32>
    %broadcast_in_dim3A_340 = vector.shape_cast %dot_general3A_339 : vector<1x512xf32> to vector<1x512xf32>
    %broadcast_in_dim3A_341 = vector.broadcast %broadcast_in_dim3A_340 : vector<1x512xf32> to vector<16x512xf32>
    %swap3A_342 = arith.constant 0 : index
    %swap3A_343 = arith.constant 0 : index
    %swap3A_344 = arith.constant 416 : index
    %swap3A_345 = arith.constant 0 : index
    %swap3A_346 = vector.load %arg2[%swap3A_342, %swap3A_343, %swap3A_344, %swap3A_345] : memref<1x2x512x512xf32, #tpu.memory_space<vmem>>, vector<1x1x16x512xf32>
    %swap3A_347 = vector.shape_cast %swap3A_346 : vector<1x1x16x512xf32> to vector<16x512xf32>
    %swap3A_348 = vector.shape_cast %broadcast_in_dim3A_341 : vector<16x512xf32> to vector<1x1x16x512xf32>
    tpu.vector_store %arg2[%swap3A_342, %swap3A_343, %swap3A_344, %swap3A_345], %swap3A_348 {strides = array<i32>} : memref<1x2x512x512xf32, #tpu.memory_space<vmem>>, vector<1x1x16x512xf32>,
    %slice3A_349 = vector.extract_strided_slice %get3A_3 {offsets = [0, 864], sizes = [1, 32], strides = [1, 1]} : vector<2x1024xf32> to vector<1x32xf32>
    %dot_general3A_350 = arith.constant dense<0.000000e+00> : vector<1x512xf32>
    %dot_general3A_351 = tpu.matmul %slice3A_349, %convert_element_type3A_28, %dot_general3A_350 {dimension_numbers = #tpu.dot_dimension_numbers<[1], [0], [0], [1], [0, 0, 1, 1], [], []>, precision = #tpu.contract_precision<fp32>, transpose_lhs_hint = false} : vector<1x32xf32>, vector<32x512xf32>, vector<1x512xf32> -> vector<1x512xf32>
    %broadcast_in_dim3A_352 = vector.shape_cast %dot_general3A_351 : vector<1x512xf32> to vector<1x512xf32>
    %broadcast_in_dim3A_353 = vector.broadcast %broadcast_in_dim3A_352 : vector<1x512xf32> to vector<16x512xf32>
    %swap3A_354 = arith.constant 0 : index
    %swap3A_355 = arith.constant 0 : index
    %swap3A_356 = arith.constant 432 : index
    %swap3A_357 = arith.constant 0 : index
    %swap3A_358 = vector.load %arg2[%swap3A_354, %swap3A_355, %swap3A_356, %swap3A_357] : memref<1x2x512x512xf32, #tpu.memory_space<vmem>>, vector<1x1x16x512xf32>
    %swap3A_359 = vector.shape_cast %swap3A_358 : vector<1x1x16x512xf32> to vector<16x512xf32>
    %swap3A_360 = vector.shape_cast %broadcast_in_dim3A_353 : vector<16x512xf32> to vector<1x1x16x512xf32>
    tpu.vector_store %arg2[%swap3A_354, %swap3A_355, %swap3A_356, %swap3A_357], %swap3A_360 {strides = array<i32>} : memref<1x2x512x512xf32, #tpu.memory_space<vmem>>, vector<1x1x16x512xf32>,
    %slice3A_361 = vector.extract_strided_slice %get3A_3 {offsets = [0, 896], sizes = [1, 32], strides = [1, 1]} : vector<2x1024xf32> to vector<1x32xf32>
    %dot_general3A_362 = arith.constant dense<0.000000e+00> : vector<1x512xf32>
    %dot_general3A_363 = tpu.matmul %slice3A_361, %convert_element_type3A_28, %dot_general3A_362 {dimension_numbers = #tpu.dot_dimension_numbers<[1], [0], [0], [1], [0, 0, 1, 1], [], []>, precision = #tpu.contract_precision<fp32>, transpose_lhs_hint = false} : vector<1x32xf32>, vector<32x512xf32>, vector<1x512xf32> -> vector<1x512xf32>
    %broadcast_in_dim3A_364 = vector.shape_cast %dot_general3A_363 : vector<1x512xf32> to vector<1x512xf32>
    %broadcast_in_dim3A_365 = vector.broadcast %broadcast_in_dim3A_364 : vector<1x512xf32> to vector<16x512xf32>
    %swap3A_366 = arith.constant 0 : index
    %swap3A_367 = arith.constant 0 : index
    %swap3A_368 = arith.constant 448 : index
    %swap3A_369 = arith.constant 0 : index
    %swap3A_370 = vector.load %arg2[%swap3A_366, %swap3A_367, %swap3A_368, %swap3A_369] : memref<1x2x512x512xf32, #tpu.memory_space<vmem>>, vector<1x1x16x512xf32>
    %swap3A_371 = vector.shape_cast %swap3A_370 : vector<1x1x16x512xf32> to vector<16x512xf32>
    %swap3A_372 = vector.shape_cast %broadcast_in_dim3A_365 : vector<16x512xf32> to vector<1x1x16x512xf32>
    tpu.vector_store %arg2[%swap3A_366, %swap3A_367, %swap3A_368, %swap3A_369], %swap3A_372 {strides = array<i32>} : memref<1x2x512x512xf32, #tpu.memory_space<vmem>>, vector<1x1x16x512xf32>,
    %slice3A_373 = vector.extract_strided_slice %get3A_3 {offsets = [0, 928], sizes = [1, 32], strides = [1, 1]} : vector<2x1024xf32> to vector<1x32xf32>
    %dot_general3A_374 = arith.constant dense<0.000000e+00> : vector<1x512xf32>
    %dot_general3A_375 = tpu.matmul %slice3A_373, %convert_element_type3A_28, %dot_general3A_374 {dimension_numbers = #tpu.dot_dimension_numbers<[1], [0], [0], [1], [0, 0, 1, 1], [], []>, precision = #tpu.contract_precision<fp32>, transpose_lhs_hint = false} : vector<1x32xf32>, vector<32x512xf32>, vector<1x512xf32> -> vector<1x512xf32>
    %broadcast_in_dim3A_376 = vector.shape_cast %dot_general3A_375 : vector<1x512xf32> to vector<1x512xf32>
    %broadcast_in_dim3A_377 = vector.broadcast %broadcast_in_dim3A_376 : vector<1x512xf32> to vector<16x512xf32>
    %swap3A_378 = arith.constant 0 : index
    %swap3A_379 = arith.constant 0 : index
    %swap3A_380 = arith.constant 464 : index
    %swap3A_381 = arith.constant 0 : index
    %swap3A_382 = vector.load %arg2[%swap3A_378, %swap3A_379, %swap3A_380, %swap3A_381] : memref<1x2x512x512xf32, #tpu.memory_space<vmem>>, vector<1x1x16x512xf32>
    %swap3A_383 = vector.shape_cast %swap3A_382 : vector<1x1x16x512xf32> to vector<16x512xf32>
    %swap3A_384 = vector.shape_cast %broadcast_in_dim3A_377 : vector<16x512xf32> to vector<1x1x16x512xf32>
    tpu.vector_store %arg2[%swap3A_378, %swap3A_379, %swap3A_380, %swap3A_381], %swap3A_384 {strides = array<i32>} : memref<1x2x512x512xf32, #tpu.memory_space<vmem>>, vector<1x1x16x512xf32>,
    %slice3A_385 = vector.extract_strided_slice %get3A_3 {offsets = [0, 960], sizes = [1, 32], strides = [1, 1]} : vector<2x1024xf32> to vector<1x32xf32>
    %dot_general3A_386 = arith.constant dense<0.000000e+00> : vector<1x512xf32>
    %dot_general3A_387 = tpu.matmul %slice3A_385, %convert_element_type3A_28, %dot_general3A_386 {dimension_numbers = #tpu.dot_dimension_numbers<[1], [0], [0], [1], [0, 0, 1, 1], [], []>, precision = #tpu.contract_precision<fp32>, transpose_lhs_hint = false} : vector<1x32xf32>, vector<32x512xf32>, vector<1x512xf32> -> vector<1x512xf32>
    %broadcast_in_dim3A_388 = vector.shape_cast %dot_general3A_387 : vector<1x512xf32> to vector<1x512xf32>
    %broadcast_in_dim3A_389 = vector.broadcast %broadcast_in_dim3A_388 : vector<1x512xf32> to vector<16x512xf32>
    %swap3A_390 = arith.constant 0 : index
    %swap3A_391 = arith.constant 0 : index
    %swap3A_392 = arith.constant 480 : index
    %swap3A_393 = arith.constant 0 : index
    %swap3A_394 = vector.load %arg2[%swap3A_390, %swap3A_391, %swap3A_392, %swap3A_393] : memref<1x2x512x512xf32, #tpu.memory_space<vmem>>, vector<1x1x16x512xf32>
    %swap3A_395 = vector.shape_cast %swap3A_394 : vector<1x1x16x512xf32> to vector<16x512xf32>
    %swap3A_396 = vector.shape_cast %broadcast_in_dim3A_389 : vector<16x512xf32> to vector<1x1x16x512xf32>
    tpu.vector_store %arg2[%swap3A_390, %swap3A_391, %swap3A_392, %swap3A_393], %swap3A_396 {strides = array<i32>} : memref<1x2x512x512xf32, #tpu.memory_space<vmem>>, vector<1x1x16x512xf32>,
    %slice3A_397 = vector.extract_strided_slice %get3A_3 {offsets = [0, 992], sizes = [1, 32], strides = [1, 1]} : vector<2x1024xf32> to vector<1x32xf32>
    %dot_general3A_398 = arith.constant dense<0.000000e+00> : vector<1x512xf32>
    %dot_general3A_399 = tpu.matmul %slice3A_397, %convert_element_type3A_28, %dot_general3A_398 {dimension_numbers = #tpu.dot_dimension_numbers<[1], [0], [0], [1], [0, 0, 1, 1], [], []>, precision = #tpu.contract_precision<fp32>, transpose_lhs_hint = false} : vector<1x32xf32>, vector<32x512xf32>, vector<1x512xf32> -> vector<1x512xf32>
    %broadcast_in_dim3A_400 = vector.shape_cast %dot_general3A_399 : vector<1x512xf32> to vector<1x512xf32>
    %broadcast_in_dim3A_401 = vector.broadcast %broadcast_in_dim3A_400 : vector<1x512xf32> to vector<16x512xf32>
    %swap3A_402 = arith.constant 0 : index
    %swap3A_403 = arith.constant 0 : index
    %swap3A_404 = arith.constant 496 : index
    %swap3A_405 = arith.constant 0 : index
    %swap3A_406 = vector.load %arg2[%swap3A_402, %swap3A_403, %swap3A_404, %swap3A_405] : memref<1x2x512x512xf32, #tpu.memory_space<vmem>>, vector<1x1x16x512xf32>
    %swap3A_407 = vector.shape_cast %swap3A_406 : vector<1x1x16x512xf32> to vector<16x512xf32>
    %swap3A_408 = vector.shape_cast %broadcast_in_dim3A_401 : vector<16x512xf32> to vector<1x1x16x512xf32>
    tpu.vector_store %arg2[%swap3A_402, %swap3A_403, %swap3A_404, %swap3A_405], %swap3A_408 {strides = array<i32>} : memref<1x2x512x512xf32, #tpu.memory_space<vmem>>, vector<1x1x16x512xf32>,
    %slice3A_409 = vector.extract_strided_slice %get3A_3 {offsets = [1, 0], sizes = [1, 32], strides = [1, 1]} : vector<2x1024xf32> to vector<1x32xf32>
    %dot_general3A_410 = arith.constant dense<0.000000e+00> : vector<1x512xf32>
    %dot_general3A_411 = tpu.matmul %slice3A_409, %convert_element_type3A_28, %dot_general3A_410 {dimension_numbers = #tpu.dot_dimension_numbers<[1], [0], [0], [1], [0, 0, 1, 1], [], []>, precision = #tpu.contract_precision<fp32>, transpose_lhs_hint = false} : vector<1x32xf32>, vector<32x512xf32>, vector<1x512xf32> -> vector<1x512xf32>
    %broadcast_in_dim3A_412 = vector.shape_cast %dot_general3A_411 : vector<1x512xf32> to vector<1x512xf32>
    %broadcast_in_dim3A_413 = vector.broadcast %broadcast_in_dim3A_412 : vector<1x512xf32> to vector<16x512xf32>
    %swap3A_414 = arith.constant 0 : index
    %swap3A_415 = arith.constant 1 : index
    %swap3A_416 = arith.constant 0 : index
    %swap3A_417 = arith.constant 0 : index
    %swap3A_418 = vector.load %arg2[%swap3A_414, %swap3A_415, %swap3A_416, %swap3A_417] : memref<1x2x512x512xf32, #tpu.memory_space<vmem>>, vector<1x1x16x512xf32>
    %swap3A_419 = vector.shape_cast %swap3A_418 : vector<1x1x16x512xf32> to vector<16x512xf32>
    %swap3A_420 = vector.shape_cast %broadcast_in_dim3A_413 : vector<16x512xf32> to vector<1x1x16x512xf32>
    tpu.vector_store %arg2[%swap3A_414, %swap3A_415, %swap3A_416, %swap3A_417], %swap3A_420 {strides = array<i32>} : memref<1x2x512x512xf32, #tpu.memory_space<vmem>>, vector<1x1x16x512xf32>,
    %slice3A_421 = vector.extract_strided_slice %get3A_3 {offsets = [1, 32], sizes = [1, 32], strides = [1, 1]} : vector<2x1024xf32> to vector<1x32xf32>
    %dot_general3A_422 = arith.constant dense<0.000000e+00> : vector<1x512xf32>
    %dot_general3A_423 = tpu.matmul %slice3A_421, %convert_element_type3A_28, %dot_general3A_422 {dimension_numbers = #tpu.dot_dimension_numbers<[1], [0], [0], [1], [0, 0, 1, 1], [], []>, precision = #tpu.contract_precision<fp32>, transpose_lhs_hint = false} : vector<1x32xf32>, vector<32x512xf32>, vector<1x512xf32> -> vector<1x512xf32>
    %broadcast_in_dim3A_424 = vector.shape_cast %dot_general3A_423 : vector<1x512xf32> to vector<1x512xf32>
    %broadcast_in_dim3A_425 = vector.broadcast %broadcast_in_dim3A_424 : vector<1x512xf32> to vector<16x512xf32>
    %swap3A_426 = arith.constant 0 : index
    %swap3A_427 = arith.constant 1 : index
    %swap3A_428 = arith.constant 16 : index
    %swap3A_429 = arith.constant 0 : index
    %swap3A_430 = vector.load %arg2[%swap3A_426, %swap3A_427, %swap3A_428, %swap3A_429] : memref<1x2x512x512xf32, #tpu.memory_space<vmem>>, vector<1x1x16x512xf32>
    %swap3A_431 = vector.shape_cast %swap3A_430 : vector<1x1x16x512xf32> to vector<16x512xf32>
    %swap3A_432 = vector.shape_cast %broadcast_in_dim3A_425 : vector<16x512xf32> to vector<1x1x16x512xf32>
    tpu.vector_store %arg2[%swap3A_426, %swap3A_427, %swap3A_428, %swap3A_429], %swap3A_432 {strides = array<i32>} : memref<1x2x512x512xf32, #tpu.memory_space<vmem>>, vector<1x1x16x512xf32>,
    %slice3A_433 = vector.extract_strided_slice %get3A_3 {offsets = [1, 64], sizes = [1, 32], strides = [1, 1]} : vector<2x1024xf32> to vector<1x32xf32>
    %dot_general3A_434 = arith.constant dense<0.000000e+00> : vector<1x512xf32>
    %dot_general3A_435 = tpu.matmul %slice3A_433, %convert_element_type3A_28, %dot_general3A_434 {dimension_numbers = #tpu.dot_dimension_numbers<[1], [0], [0], [1], [0, 0, 1, 1], [], []>, precision = #tpu.contract_precision<fp32>, transpose_lhs_hint = false} : vector<1x32xf32>, vector<32x512xf32>, vector<1x512xf32> -> vector<1x512xf32>
    %broadcast_in_dim3A_436 = vector.shape_cast %dot_general3A_435 : vector<1x512xf32> to vector<1x512xf32>
    %broadcast_in_dim3A_437 = vector.broadcast %broadcast_in_dim3A_436 : vector<1x512xf32> to vector<16x512xf32>
    %swap3A_438 = arith.constant 0 : index
    %swap3A_439 = arith.constant 1 : index
    %swap3A_440 = arith.constant 32 : index
    %swap3A_441 = arith.constant 0 : index
    %swap3A_442 = vector.load %arg2[%swap3A_438, %swap3A_439, %swap3A_440, %swap3A_441] : memref<1x2x512x512xf32, #tpu.memory_space<vmem>>, vector<1x1x16x512xf32>
    %swap3A_443 = vector.shape_cast %swap3A_442 : vector<1x1x16x512xf32> to vector<16x512xf32>
    %swap3A_444 = vector.shape_cast %broadcast_in_dim3A_437 : vector<16x512xf32> to vector<1x1x16x512xf32>
    tpu.vector_store %arg2[%swap3A_438, %swap3A_439, %swap3A_440, %swap3A_441], %swap3A_444 {strides = array<i32>} : memref<1x2x512x512xf32, #tpu.memory_space<vmem>>, vector<1x1x16x512xf32>,
    %slice3A_445 = vector.extract_strided_slice %get3A_3 {offsets = [1, 96], sizes = [1, 32], strides = [1, 1]} : vector<2x1024xf32> to vector<1x32xf32>
    %dot_general3A_446 = arith.constant dense<0.000000e+00> : vector<1x512xf32>
    %dot_general3A_447 = tpu.matmul %slice3A_445, %convert_element_type3A_28, %dot_general3A_446 {dimension_numbers = #tpu.dot_dimension_numbers<[1], [0], [0], [1], [0, 0, 1, 1], [], []>, precision = #tpu.contract_precision<fp32>, transpose_lhs_hint = false} : vector<1x32xf32>, vector<32x512xf32>, vector<1x512xf32> -> vector<1x512xf32>
    %broadcast_in_dim3A_448 = vector.shape_cast %dot_general3A_447 : vector<1x512xf32> to vector<1x512xf32>
    %broadcast_in_dim3A_449 = vector.broadcast %broadcast_in_dim3A_448 : vector<1x512xf32> to vector<16x512xf32>
    %swap3A_450 = arith.constant 0 : index
    %swap3A_451 = arith.constant 1 : index
    %swap3A_452 = arith.constant 48 : index
    %swap3A_453 = arith.constant 0 : index
    %swap3A_454 = vector.load %arg2[%swap3A_450, %swap3A_451, %swap3A_452, %swap3A_453] : memref<1x2x512x512xf32, #tpu.memory_space<vmem>>, vector<1x1x16x512xf32>
    %swap3A_455 = vector.shape_cast %swap3A_454 : vector<1x1x16x512xf32> to vector<16x512xf32>
    %swap3A_456 = vector.shape_cast %broadcast_in_dim3A_449 : vector<16x512xf32> to vector<1x1x16x512xf32>
    tpu.vector_store %arg2[%swap3A_450, %swap3A_451, %swap3A_452, %swap3A_453], %swap3A_456 {strides = array<i32>} : memref<1x2x512x512xf32, #tpu.memory_space<vmem>>, vector<1x1x16x512xf32>,
    %slice3A_457 = vector.extract_strided_slice %get3A_3 {offsets = [1, 128], sizes = [1, 32], strides = [1, 1]} : vector<2x1024xf32> to vector<1x32xf32>
    %dot_general3A_458 = arith.constant dense<0.000000e+00> : vector<1x512xf32>
    %dot_general3A_459 = tpu.matmul %slice3A_457, %convert_element_type3A_28, %dot_general3A_458 {dimension_numbers = #tpu.dot_dimension_numbers<[1], [0], [0], [1], [0, 0, 1, 1], [], []>, precision = #tpu.contract_precision<fp32>, transpose_lhs_hint = false} : vector<1x32xf32>, vector<32x512xf32>, vector<1x512xf32> -> vector<1x512xf32>
    %broadcast_in_dim3A_460 = vector.shape_cast %dot_general3A_459 : vector<1x512xf32> to vector<1x512xf32>
    %broadcast_in_dim3A_461 = vector.broadcast %broadcast_in_dim3A_460 : vector<1x512xf32> to vector<16x512xf32>
    %swap3A_462 = arith.constant 0 : index
    %swap3A_463 = arith.constant 1 : index
    %swap3A_464 = arith.constant 64 : index
    %swap3A_465 = arith.constant 0 : index
    %swap3A_466 = vector.load %arg2[%swap3A_462, %swap3A_463, %swap3A_464, %swap3A_465] : memref<1x2x512x512xf32, #tpu.memory_space<vmem>>, vector<1x1x16x512xf32>
    %swap3A_467 = vector.shape_cast %swap3A_466 : vector<1x1x16x512xf32> to vector<16x512xf32>
    %swap3A_468 = vector.shape_cast %broadcast_in_dim3A_461 : vector<16x512xf32> to vector<1x1x16x512xf32>
    tpu.vector_store %arg2[%swap3A_462, %swap3A_463, %swap3A_464, %swap3A_465], %swap3A_468 {strides = array<i32>} : memref<1x2x512x512xf32, #tpu.memory_space<vmem>>, vector<1x1x16x512xf32>,
    %slice3A_469 = vector.extract_strided_slice %get3A_3 {offsets = [1, 160], sizes = [1, 32], strides = [1, 1]} : vector<2x1024xf32> to vector<1x32xf32>
    %dot_general3A_470 = arith.constant dense<0.000000e+00> : vector<1x512xf32>
    %dot_general3A_471 = tpu.matmul %slice3A_469, %convert_element_type3A_28, %dot_general3A_470 {dimension_numbers = #tpu.dot_dimension_numbers<[1], [0], [0], [1], [0, 0, 1, 1], [], []>, precision = #tpu.contract_precision<fp32>, transpose_lhs_hint = false} : vector<1x32xf32>, vector<32x512xf32>, vector<1x512xf32> -> vector<1x512xf32>
    %broadcast_in_dim3A_472 = vector.shape_cast %dot_general3A_471 : vector<1x512xf32> to vector<1x512xf32>
    %broadcast_in_dim3A_473 = vector.broadcast %broadcast_in_dim3A_472 : vector<1x512xf32> to vector<16x512xf32>
    %swap3A_474 = arith.constant 0 : index
    %swap3A_475 = arith.constant 1 : index
    %swap3A_476 = arith.constant 80 : index
    %swap3A_477 = arith.constant 0 : index
    %swap3A_478 = vector.load %arg2[%swap3A_474, %swap3A_475, %swap3A_476, %swap3A_477] : memref<1x2x512x512xf32, #tpu.memory_space<vmem>>, vector<1x1x16x512xf32>
    %swap3A_479 = vector.shape_cast %swap3A_478 : vector<1x1x16x512xf32> to vector<16x512xf32>
    %swap3A_480 = vector.shape_cast %broadcast_in_dim3A_473 : vector<16x512xf32> to vector<1x1x16x512xf32>
    tpu.vector_store %arg2[%swap3A_474, %swap3A_475, %swap3A_476, %swap3A_477], %swap3A_480 {strides = array<i32>} : memref<1x2x512x512xf32, #tpu.memory_space<vmem>>, vector<1x1x16x512xf32>,
    %slice3A_481 = vector.extract_strided_slice %get3A_3 {offsets = [1, 192], sizes = [1, 32], strides = [1, 1]} : vector<2x1024xf32> to vector<1x32xf32>
    %dot_general3A_482 = arith.constant dense<0.000000e+00> : vector<1x512xf32>
    %dot_general3A_483 = tpu.matmul %slice3A_481, %convert_element_type3A_28, %dot_general3A_482 {dimension_numbers = #tpu.dot_dimension_numbers<[1], [0], [0], [1], [0, 0, 1, 1], [], []>, precision = #tpu.contract_precision<fp32>, transpose_lhs_hint = false} : vector<1x32xf32>, vector<32x512xf32>, vector<1x512xf32> -> vector<1x512xf32>
    %broadcast_in_dim3A_484 = vector.shape_cast %dot_general3A_483 : vector<1x512xf32> to vector<1x512xf32>
    %broadcast_in_dim3A_485 = vector.broadcast %broadcast_in_dim3A_484 : vector<1x512xf32> to vector<16x512xf32>
    %swap3A_486 = arith.constant 0 : index
    %swap3A_487 = arith.constant 1 : index
    %swap3A_488 = arith.constant 96 : index
    %swap3A_489 = arith.constant 0 : index
    %swap3A_490 = vector.load %arg2[%swap3A_486, %swap3A_487, %swap3A_488, %swap3A_489] : memref<1x2x512x512xf32, #tpu.memory_space<vmem>>, vector<1x1x16x512xf32>
    %swap3A_491 = vector.shape_cast %swap3A_490 : vector<1x1x16x512xf32> to vector<16x512xf32>
    %swap3A_492 = vector.shape_cast %broadcast_in_dim3A_485 : vector<16x512xf32> to vector<1x1x16x512xf32>
    tpu.vector_store %arg2[%swap3A_486, %swap3A_487, %swap3A_488, %swap3A_489], %swap3A_492 {strides = array<i32>} : memref<1x2x512x512xf32, #tpu.memory_space<vmem>>, vector<1x1x16x512xf32>,
    %slice3A_493 = vector.extract_strided_slice %get3A_3 {offsets = [1, 224], sizes = [1, 32], strides = [1, 1]} : vector<2x1024xf32> to vector<1x32xf32>
    %dot_general3A_494 = arith.constant dense<0.000000e+00> : vector<1x512xf32>
    %dot_general3A_495 = tpu.matmul %slice3A_493, %convert_element_type3A_28, %dot_general3A_494 {dimension_numbers = #tpu.dot_dimension_numbers<[1], [0], [0], [1], [0, 0, 1, 1], [], []>, precision = #tpu.contract_precision<fp32>, transpose_lhs_hint = false} : vector<1x32xf32>, vector<32x512xf32>, vector<1x512xf32> -> vector<1x512xf32>
    %broadcast_in_dim3A_496 = vector.shape_cast %dot_general3A_495 : vector<1x512xf32> to vector<1x512xf32>
    %broadcast_in_dim3A_497 = vector.broadcast %broadcast_in_dim3A_496 : vector<1x512xf32> to vector<16x512xf32>
    %swap3A_498 = arith.constant 0 : index
    %swap3A_499 = arith.constant 1 : index
    %swap3A_500 = arith.constant 112 : index
    %swap3A_501 = arith.constant 0 : index
    %swap3A_502 = vector.load %arg2[%swap3A_498, %swap3A_499, %swap3A_500, %swap3A_501] : memref<1x2x512x512xf32, #tpu.memory_space<vmem>>, vector<1x1x16x512xf32>
    %swap3A_503 = vector.shape_cast %swap3A_502 : vector<1x1x16x512xf32> to vector<16x512xf32>
    %swap3A_504 = vector.shape_cast %broadcast_in_dim3A_497 : vector<16x512xf32> to vector<1x1x16x512xf32>
    tpu.vector_store %arg2[%swap3A_498, %swap3A_499, %swap3A_500, %swap3A_501], %swap3A_504 {strides = array<i32>} : memref<1x2x512x512xf32, #tpu.memory_space<vmem>>, vector<1x1x16x512xf32>,
    %slice3A_505 = vector.extract_strided_slice %get3A_3 {offsets = [1, 256], sizes = [1, 32], strides = [1, 1]} : vector<2x1024xf32> to vector<1x32xf32>
    %dot_general3A_506 = arith.constant dense<0.000000e+00> : vector<1x512xf32>
    %dot_general3A_507 = tpu.matmul %slice3A_505, %convert_element_type3A_28, %dot_general3A_506 {dimension_numbers = #tpu.dot_dimension_numbers<[1], [0], [0], [1], [0, 0, 1, 1], [], []>, precision = #tpu.contract_precision<fp32>, transpose_lhs_hint = false} : vector<1x32xf32>, vector<32x512xf32>, vector<1x512xf32> -> vector<1x512xf32>
    %broadcast_in_dim3A_508 = vector.shape_cast %dot_general3A_507 : vector<1x512xf32> to vector<1x512xf32>
    %broadcast_in_dim3A_509 = vector.broadcast %broadcast_in_dim3A_508 : vector<1x512xf32> to vector<16x512xf32>
    %swap3A_510 = arith.constant 0 : index
    %swap3A_511 = arith.constant 1 : index
    %swap3A_512 = arith.constant 128 : index
    %swap3A_513 = arith.constant 0 : index
    %swap3A_514 = vector.load %arg2[%swap3A_510, %swap3A_511, %swap3A_512, %swap3A_513] : memref<1x2x512x512xf32, #tpu.memory_space<vmem>>, vector<1x1x16x512xf32>
    %swap3A_515 = vector.shape_cast %swap3A_514 : vector<1x1x16x512xf32> to vector<16x512xf32>
    %swap3A_516 = vector.shape_cast %broadcast_in_dim3A_509 : vector<16x512xf32> to vector<1x1x16x512xf32>
    tpu.vector_store %arg2[%swap3A_510, %swap3A_511, %swap3A_512, %swap3A_513], %swap3A_516 {strides = array<i32>} : memref<1x2x512x512xf32, #tpu.memory_space<vmem>>, vector<1x1x16x512xf32>,
    %slice3A_517 = vector.extract_strided_slice %get3A_3 {offsets = [1, 288], sizes = [1, 32], strides = [1, 1]} : vector<2x1024xf32> to vector<1x32xf32>
    %dot_general3A_518 = arith.constant dense<0.000000e+00> : vector<1x512xf32>
    %dot_general3A_519 = tpu.matmul %slice3A_517, %convert_element_type3A_28, %dot_general3A_518 {dimension_numbers = #tpu.dot_dimension_numbers<[1], [0], [0], [1], [0, 0, 1, 1], [], []>, precision = #tpu.contract_precision<fp32>, transpose_lhs_hint = false} : vector<1x32xf32>, vector<32x512xf32>, vector<1x512xf32> -> vector<1x512xf32>
    %broadcast_in_dim3A_520 = vector.shape_cast %dot_general3A_519 : vector<1x512xf32> to vector<1x512xf32>
    %broadcast_in_dim3A_521 = vector.broadcast %broadcast_in_dim3A_520 : vector<1x512xf32> to vector<16x512xf32>
    %swap3A_522 = arith.constant 0 : index
    %swap3A_523 = arith.constant 1 : index
    %swap3A_524 = arith.constant 144 : index
    %swap3A_525 = arith.constant 0 : index
    %swap3A_526 = vector.load %arg2[%swap3A_522, %swap3A_523, %swap3A_524, %swap3A_525] : memref<1x2x512x512xf32, #tpu.memory_space<vmem>>, vector<1x1x16x512xf32>
    %swap3A_527 = vector.shape_cast %swap3A_526 : vector<1x1x16x512xf32> to vector<16x512xf32>
    %swap3A_528 = vector.shape_cast %broadcast_in_dim3A_521 : vector<16x512xf32> to vector<1x1x16x512xf32>
    tpu.vector_store %arg2[%swap3A_522, %swap3A_523, %swap3A_524, %swap3A_525], %swap3A_528 {strides = array<i32>} : memref<1x2x512x512xf32, #tpu.memory_space<vmem>>, vector<1x1x16x512xf32>,
    %slice3A_529 = vector.extract_strided_slice %get3A_3 {offsets = [1, 320], sizes = [1, 32], strides = [1, 1]} : vector<2x1024xf32> to vector<1x32xf32>
    %dot_general3A_530 = arith.constant dense<0.000000e+00> : vector<1x512xf32>
    %dot_general3A_531 = tpu.matmul %slice3A_529, %convert_element_type3A_28, %dot_general3A_530 {dimension_numbers = #tpu.dot_dimension_numbers<[1], [0], [0], [1], [0, 0, 1, 1], [], []>, precision = #tpu.contract_precision<fp32>, transpose_lhs_hint = false} : vector<1x32xf32>, vector<32x512xf32>, vector<1x512xf32> -> vector<1x512xf32>
    %broadcast_in_dim3A_532 = vector.shape_cast %dot_general3A_531 : vector<1x512xf32> to vector<1x512xf32>
    %broadcast_in_dim3A_533 = vector.broadcast %broadcast_in_dim3A_532 : vector<1x512xf32> to vector<16x512xf32>
    %swap3A_534 = arith.constant 0 : index
    %swap3A_535 = arith.constant 1 : index
    %swap3A_536 = arith.constant 160 : index
    %swap3A_537 = arith.constant 0 : index
    %swap3A_538 = vector.load %arg2[%swap3A_534, %swap3A_535, %swap3A_536, %swap3A_537] : memref<1x2x512x512xf32, #tpu.memory_space<vmem>>, vector<1x1x16x512xf32>
    %swap3A_539 = vector.shape_cast %swap3A_538 : vector<1x1x16x512xf32> to vector<16x512xf32>
    %swap3A_540 = vector.shape_cast %broadcast_in_dim3A_533 : vector<16x512xf32> to vector<1x1x16x512xf32>
    tpu.vector_store %arg2[%swap3A_534, %swap3A_535, %swap3A_536, %swap3A_537], %swap3A_540 {strides = array<i32>} : memref<1x2x512x512xf32, #tpu.memory_space<vmem>>, vector<1x1x16x512xf32>,
    %slice3A_541 = vector.extract_strided_slice %get3A_3 {offsets = [1, 352], sizes = [1, 32], strides = [1, 1]} : vector<2x1024xf32> to vector<1x32xf32>
    %dot_general3A_542 = arith.constant dense<0.000000e+00> : vector<1x512xf32>
    %dot_general3A_543 = tpu.matmul %slice3A_541, %convert_element_type3A_28, %dot_general3A_542 {dimension_numbers = #tpu.dot_dimension_numbers<[1], [0], [0], [1], [0, 0, 1, 1], [], []>, precision = #tpu.contract_precision<fp32>, transpose_lhs_hint = false} : vector<1x32xf32>, vector<32x512xf32>, vector<1x512xf32> -> vector<1x512xf32>
    %broadcast_in_dim3A_544 = vector.shape_cast %dot_general3A_543 : vector<1x512xf32> to vector<1x512xf32>
    %broadcast_in_dim3A_545 = vector.broadcast %broadcast_in_dim3A_544 : vector<1x512xf32> to vector<16x512xf32>
    %swap3A_546 = arith.constant 0 : index
    %swap3A_547 = arith.constant 1 : index
    %swap3A_548 = arith.constant 176 : index
    %swap3A_549 = arith.constant 0 : index
    %swap3A_550 = vector.load %arg2[%swap3A_546, %swap3A_547, %swap3A_548, %swap3A_549] : memref<1x2x512x512xf32, #tpu.memory_space<vmem>>, vector<1x1x16x512xf32>
    %swap3A_551 = vector.shape_cast %swap3A_550 : vector<1x1x16x512xf32> to vector<16x512xf32>
    %swap3A_552 = vector.shape_cast %broadcast_in_dim3A_545 : vector<16x512xf32> to vector<1x1x16x512xf32>
    tpu.vector_store %arg2[%swap3A_546, %swap3A_547, %swap3A_548, %swap3A_549], %swap3A_552 {strides = array<i32>} : memref<1x2x512x512xf32, #tpu.memory_space<vmem>>, vector<1x1x16x512xf32>,
    %slice3A_553 = vector.extract_strided_slice %get3A_3 {offsets = [1, 384], sizes = [1, 32], strides = [1, 1]} : vector<2x1024xf32> to vector<1x32xf32>
    %dot_general3A_554 = arith.constant dense<0.000000e+00> : vector<1x512xf32>
    %dot_general3A_555 = tpu.matmul %slice3A_553, %convert_element_type3A_28, %dot_general3A_554 {dimension_numbers = #tpu.dot_dimension_numbers<[1], [0], [0], [1], [0, 0, 1, 1], [], []>, precision = #tpu.contract_precision<fp32>, transpose_lhs_hint = false} : vector<1x32xf32>, vector<32x512xf32>, vector<1x512xf32> -> vector<1x512xf32>
    %broadcast_in_dim3A_556 = vector.shape_cast %dot_general3A_555 : vector<1x512xf32> to vector<1x512xf32>
    %broadcast_in_dim3A_557 = vector.broadcast %broadcast_in_dim3A_556 : vector<1x512xf32> to vector<16x512xf32>
    %swap3A_558 = arith.constant 0 : index
    %swap3A_559 = arith.constant 1 : index
    %swap3A_560 = arith.constant 192 : index
    %swap3A_561 = arith.constant 0 : index
    %swap3A_562 = vector.load %arg2[%swap3A_558, %swap3A_559, %swap3A_560, %swap3A_561] : memref<1x2x512x512xf32, #tpu.memory_space<vmem>>, vector<1x1x16x512xf32>
    %swap3A_563 = vector.shape_cast %swap3A_562 : vector<1x1x16x512xf32> to vector<16x512xf32>
    %swap3A_564 = vector.shape_cast %broadcast_in_dim3A_557 : vector<16x512xf32> to vector<1x1x16x512xf32>
    tpu.vector_store %arg2[%swap3A_558, %swap3A_559, %swap3A_560, %swap3A_561], %swap3A_564 {strides = array<i32>} : memref<1x2x512x512xf32, #tpu.memory_space<vmem>>, vector<1x1x16x512xf32>,
    %slice3A_565 = vector.extract_strided_slice %get3A_3 {offsets = [1, 416], sizes = [1, 32], strides = [1, 1]} : vector<2x1024xf32> to vector<1x32xf32>
    %dot_general3A_566 = arith.constant dense<0.000000e+00> : vector<1x512xf32>
    %dot_general3A_567 = tpu.matmul %slice3A_565, %convert_element_type3A_28, %dot_general3A_566 {dimension_numbers = #tpu.dot_dimension_numbers<[1], [0], [0], [1], [0, 0, 1, 1], [], []>, precision = #tpu.contract_precision<fp32>, transpose_lhs_hint = false} : vector<1x32xf32>, vector<32x512xf32>, vector<1x512xf32> -> vector<1x512xf32>
    %broadcast_in_dim3A_568 = vector.shape_cast %dot_general3A_567 : vector<1x512xf32> to vector<1x512xf32>
    %broadcast_in_dim3A_569 = vector.broadcast %broadcast_in_dim3A_568 : vector<1x512xf32> to vector<16x512xf32>
    %swap3A_570 = arith.constant 0 : index
    %swap3A_571 = arith.constant 1 : index
    %swap3A_572 = arith.constant 208 : index
    %swap3A_573 = arith.constant 0 : index
    %swap3A_574 = vector.load %arg2[%swap3A_570, %swap3A_571, %swap3A_572, %swap3A_573] : memref<1x2x512x512xf32, #tpu.memory_space<vmem>>, vector<1x1x16x512xf32>
    %swap3A_575 = vector.shape_cast %swap3A_574 : vector<1x1x16x512xf32> to vector<16x512xf32>
    %swap3A_576 = vector.shape_cast %broadcast_in_dim3A_569 : vector<16x512xf32> to vector<1x1x16x512xf32>
    tpu.vector_store %arg2[%swap3A_570, %swap3A_571, %swap3A_572, %swap3A_573], %swap3A_576 {strides = array<i32>} : memref<1x2x512x512xf32, #tpu.memory_space<vmem>>, vector<1x1x16x512xf32>,
    %slice3A_577 = vector.extract_strided_slice %get3A_3 {offsets = [1, 448], sizes = [1, 32], strides = [1, 1]} : vector<2x1024xf32> to vector<1x32xf32>
    %dot_general3A_578 = arith.constant dense<0.000000e+00> : vector<1x512xf32>
    %dot_general3A_579 = tpu.matmul %slice3A_577, %convert_element_type3A_28, %dot_general3A_578 {dimension_numbers = #tpu.dot_dimension_numbers<[1], [0], [0], [1], [0, 0, 1, 1], [], []>, precision = #tpu.contract_precision<fp32>, transpose_lhs_hint = false} : vector<1x32xf32>, vector<32x512xf32>, vector<1x512xf32> -> vector<1x512xf32>
    %broadcast_in_dim3A_580 = vector.shape_cast %dot_general3A_579 : vector<1x512xf32> to vector<1x512xf32>
    %broadcast_in_dim3A_581 = vector.broadcast %broadcast_in_dim3A_580 : vector<1x512xf32> to vector<16x512xf32>
    %swap3A_582 = arith.constant 0 : index
    %swap3A_583 = arith.constant 1 : index
    %swap3A_584 = arith.constant 224 : index
    %swap3A_585 = arith.constant 0 : index
    %swap3A_586 = vector.load %arg2[%swap3A_582, %swap3A_583, %swap3A_584, %swap3A_585] : memref<1x2x512x512xf32, #tpu.memory_space<vmem>>, vector<1x1x16x512xf32>
    %swap3A_587 = vector.shape_cast %swap3A_586 : vector<1x1x16x512xf32> to vector<16x512xf32>
    %swap3A_588 = vector.shape_cast %broadcast_in_dim3A_581 : vector<16x512xf32> to vector<1x1x16x512xf32>
    tpu.vector_store %arg2[%swap3A_582, %swap3A_583, %swap3A_584, %swap3A_585], %swap3A_588 {strides = array<i32>} : memref<1x2x512x512xf32, #tpu.memory_space<vmem>>, vector<1x1x16x512xf32>,
    %slice3A_589 = vector.extract_strided_slice %get3A_3 {offsets = [1, 480], sizes = [1, 32], strides = [1, 1]} : vector<2x1024xf32> to vector<1x32xf32>
    %dot_general3A_590 = arith.constant dense<0.000000e+00> : vector<1x512xf32>
    %dot_general3A_591 = tpu.matmul %slice3A_589, %convert_element_type3A_28, %dot_general3A_590 {dimension_numbers = #tpu.dot_dimension_numbers<[1], [0], [0], [1], [0, 0, 1, 1], [], []>, precision = #tpu.contract_precision<fp32>, transpose_lhs_hint = false} : vector<1x32xf32>, vector<32x512xf32>, vector<1x512xf32> -> vector<1x512xf32>
    %broadcast_in_dim3A_592 = vector.shape_cast %dot_general3A_591 : vector<1x512xf32> to vector<1x512xf32>
    %broadcast_in_dim3A_593 = vector.broadcast %broadcast_in_dim3A_592 : vector<1x512xf32> to vector<16x512xf32>
    %swap3A_594 = arith.constant 0 : index
    %swap3A_595 = arith.constant 1 : index
    %swap3A_596 = arith.constant 240 : index
    %swap3A_597 = arith.constant 0 : index
    %swap3A_598 = vector.load %arg2[%swap3A_594, %swap3A_595, %swap3A_596, %swap3A_597] : memref<1x2x512x512xf32, #tpu.memory_space<vmem>>, vector<1x1x16x512xf32>
    %swap3A_599 = vector.shape_cast %swap3A_598 : vector<1x1x16x512xf32> to vector<16x512xf32>
    %swap3A_600 = vector.shape_cast %broadcast_in_dim3A_593 : vector<16x512xf32> to vector<1x1x16x512xf32>
    tpu.vector_store %arg2[%swap3A_594, %swap3A_595, %swap3A_596, %swap3A_597], %swap3A_600 {strides = array<i32>} : memref<1x2x512x512xf32, #tpu.memory_space<vmem>>, vector<1x1x16x512xf32>,
    %slice3A_601 = vector.extract_strided_slice %get3A_3 {offsets = [1, 512], sizes = [1, 32], strides = [1, 1]} : vector<2x1024xf32> to vector<1x32xf32>
    %dot_general3A_602 = arith.constant dense<0.000000e+00> : vector<1x512xf32>
    %dot_general3A_603 = tpu.matmul %slice3A_601, %convert_element_type3A_28, %dot_general3A_602 {dimension_numbers = #tpu.dot_dimension_numbers<[1], [0], [0], [1], [0, 0, 1, 1], [], []>, precision = #tpu.contract_precision<fp32>, transpose_lhs_hint = false} : vector<1x32xf32>, vector<32x512xf32>, vector<1x512xf32> -> vector<1x512xf32>
    %broadcast_in_dim3A_604 = vector.shape_cast %dot_general3A_603 : vector<1x512xf32> to vector<1x512xf32>
    %broadcast_in_dim3A_605 = vector.broadcast %broadcast_in_dim3A_604 : vector<1x512xf32> to vector<16x512xf32>
    %swap3A_606 = arith.constant 0 : index
    %swap3A_607 = arith.constant 1 : index
    %swap3A_608 = arith.constant 256 : index
    %swap3A_609 = arith.constant 0 : index
    %swap3A_610 = vector.load %arg2[%swap3A_606, %swap3A_607, %swap3A_608, %swap3A_609] : memref<1x2x512x512xf32, #tpu.memory_space<vmem>>, vector<1x1x16x512xf32>
    %swap3A_611 = vector.shape_cast %swap3A_610 : vector<1x1x16x512xf32> to vector<16x512xf32>
    %swap3A_612 = vector.shape_cast %broadcast_in_dim3A_605 : vector<16x512xf32> to vector<1x1x16x512xf32>
    tpu.vector_store %arg2[%swap3A_606, %swap3A_607, %swap3A_608, %swap3A_609], %swap3A_612 {strides = array<i32>} : memref<1x2x512x512xf32, #tpu.memory_space<vmem>>, vector<1x1x16x512xf32>,
    %slice3A_613 = vector.extract_strided_slice %get3A_3 {offsets = [1, 544], sizes = [1, 32], strides = [1, 1]} : vector<2x1024xf32> to vector<1x32xf32>
    %dot_general3A_614 = arith.constant dense<0.000000e+00> : vector<1x512xf32>
    %dot_general3A_615 = tpu.matmul %slice3A_613, %convert_element_type3A_28, %dot_general3A_614 {dimension_numbers = #tpu.dot_dimension_numbers<[1], [0], [0], [1], [0, 0, 1, 1], [], []>, precision = #tpu.contract_precision<fp32>, transpose_lhs_hint = false} : vector<1x32xf32>, vector<32x512xf32>, vector<1x512xf32> -> vector<1x512xf32>
    %broadcast_in_dim3A_616 = vector.shape_cast %dot_general3A_615 : vector<1x512xf32> to vector<1x512xf32>
    %broadcast_in_dim3A_617 = vector.broadcast %broadcast_in_dim3A_616 : vector<1x512xf32> to vector<16x512xf32>
    %swap3A_618 = arith.constant 0 : index
    %swap3A_619 = arith.constant 1 : index
    %swap3A_620 = arith.constant 272 : index
    %swap3A_621 = arith.constant 0 : index
    %swap3A_622 = vector.load %arg2[%swap3A_618, %swap3A_619, %swap3A_620, %swap3A_621] : memref<1x2x512x512xf32, #tpu.memory_space<vmem>>, vector<1x1x16x512xf32>
    %swap3A_623 = vector.shape_cast %swap3A_622 : vector<1x1x16x512xf32> to vector<16x512xf32>
    %swap3A_624 = vector.shape_cast %broadcast_in_dim3A_617 : vector<16x512xf32> to vector<1x1x16x512xf32>
    tpu.vector_store %arg2[%swap3A_618, %swap3A_619, %swap3A_620, %swap3A_621], %swap3A_624 {strides = array<i32>} : memref<1x2x512x512xf32, #tpu.memory_space<vmem>>, vector<1x1x16x512xf32>,
    %slice3A_625 = vector.extract_strided_slice %get3A_3 {offsets = [1, 576], sizes = [1, 32], strides = [1, 1]} : vector<2x1024xf32> to vector<1x32xf32>
    %dot_general3A_626 = arith.constant dense<0.000000e+00> : vector<1x512xf32>
    %dot_general3A_627 = tpu.matmul %slice3A_625, %convert_element_type3A_28, %dot_general3A_626 {dimension_numbers = #tpu.dot_dimension_numbers<[1], [0], [0], [1], [0, 0, 1, 1], [], []>, precision = #tpu.contract_precision<fp32>, transpose_lhs_hint = false} : vector<1x32xf32>, vector<32x512xf32>, vector<1x512xf32> -> vector<1x512xf32>
    %broadcast_in_dim3A_628 = vector.shape_cast %dot_general3A_627 : vector<1x512xf32> to vector<1x512xf32>
    %broadcast_in_dim3A_629 = vector.broadcast %broadcast_in_dim3A_628 : vector<1x512xf32> to vector<16x512xf32>
    %swap3A_630 = arith.constant 0 : index
    %swap3A_631 = arith.constant 1 : index
    %swap3A_632 = arith.constant 288 : index
    %swap3A_633 = arith.constant 0 : index
    %swap3A_634 = vector.load %arg2[%swap3A_630, %swap3A_631, %swap3A_632, %swap3A_633] : memref<1x2x512x512xf32, #tpu.memory_space<vmem>>, vector<1x1x16x512xf32>
    %swap3A_635 = vector.shape_cast %swap3A_634 : vector<1x1x16x512xf32> to vector<16x512xf32>
    %swap3A_636 = vector.shape_cast %broadcast_in_dim3A_629 : vector<16x512xf32> to vector<1x1x16x512xf32>
    tpu.vector_store %arg2[%swap3A_630, %swap3A_631, %swap3A_632, %swap3A_633], %swap3A_636 {strides = array<i32>} : memref<1x2x512x512xf32, #tpu.memory_space<vmem>>, vector<1x1x16x512xf32>,
    %slice3A_637 = vector.extract_strided_slice %get3A_3 {offsets = [1, 608], sizes = [1, 32], strides = [1, 1]} : vector<2x1024xf32> to vector<1x32xf32>
    %dot_general3A_638 = arith.constant dense<0.000000e+00> : vector<1x512xf32>
    %dot_general3A_639 = tpu.matmul %slice3A_637, %convert_element_type3A_28, %dot_general3A_638 {dimension_numbers = #tpu.dot_dimension_numbers<[1], [0], [0], [1], [0, 0, 1, 1], [], []>, precision = #tpu.contract_precision<fp32>, transpose_lhs_hint = false} : vector<1x32xf32>, vector<32x512xf32>, vector<1x512xf32> -> vector<1x512xf32>
    %broadcast_in_dim3A_640 = vector.shape_cast %dot_general3A_639 : vector<1x512xf32> to vector<1x512xf32>
    %broadcast_in_dim3A_641 = vector.broadcast %broadcast_in_dim3A_640 : vector<1x512xf32> to vector<16x512xf32>
    %swap3A_642 = arith.constant 0 : index
    %swap3A_643 = arith.constant 1 : index
    %swap3A_644 = arith.constant 304 : index
    %swap3A_645 = arith.constant 0 : index
    %swap3A_646 = vector.load %arg2[%swap3A_642, %swap3A_643, %swap3A_644, %swap3A_645] : memref<1x2x512x512xf32, #tpu.memory_space<vmem>>, vector<1x1x16x512xf32>
    %swap3A_647 = vector.shape_cast %swap3A_646 : vector<1x1x16x512xf32> to vector<16x512xf32>
    %swap3A_648 = vector.shape_cast %broadcast_in_dim3A_641 : vector<16x512xf32> to vector<1x1x16x512xf32>
    tpu.vector_store %arg2[%swap3A_642, %swap3A_643, %swap3A_644, %swap3A_645], %swap3A_648 {strides = array<i32>} : memref<1x2x512x512xf32, #tpu.memory_space<vmem>>, vector<1x1x16x512xf32>,
    %slice3A_649 = vector.extract_strided_slice %get3A_3 {offsets = [1, 640], sizes = [1, 32], strides = [1, 1]} : vector<2x1024xf32> to vector<1x32xf32>
    %dot_general3A_650 = arith.constant dense<0.000000e+00> : vector<1x512xf32>
    %dot_general3A_651 = tpu.matmul %slice3A_649, %convert_element_type3A_28, %dot_general3A_650 {dimension_numbers = #tpu.dot_dimension_numbers<[1], [0], [0], [1], [0, 0, 1, 1], [], []>, precision = #tpu.contract_precision<fp32>, transpose_lhs_hint = false} : vector<1x32xf32>, vector<32x512xf32>, vector<1x512xf32> -> vector<1x512xf32>
    %broadcast_in_dim3A_652 = vector.shape_cast %dot_general3A_651 : vector<1x512xf32> to vector<1x512xf32>
    %broadcast_in_dim3A_653 = vector.broadcast %broadcast_in_dim3A_652 : vector<1x512xf32> to vector<16x512xf32>
    %swap3A_654 = arith.constant 0 : index
    %swap3A_655 = arith.constant 1 : index
    %swap3A_656 = arith.constant 320 : index
    %swap3A_657 = arith.constant 0 : index
    %swap3A_658 = vector.load %arg2[%swap3A_654, %swap3A_655, %swap3A_656, %swap3A_657] : memref<1x2x512x512xf32, #tpu.memory_space<vmem>>, vector<1x1x16x512xf32>
    %swap3A_659 = vector.shape_cast %swap3A_658 : vector<1x1x16x512xf32> to vector<16x512xf32>
    %swap3A_660 = vector.shape_cast %broadcast_in_dim3A_653 : vector<16x512xf32> to vector<1x1x16x512xf32>
    tpu.vector_store %arg2[%swap3A_654, %swap3A_655, %swap3A_656, %swap3A_657], %swap3A_660 {strides = array<i32>} : memref<1x2x512x512xf32, #tpu.memory_space<vmem>>, vector<1x1x16x512xf32>,
    %slice3A_661 = vector.extract_strided_slice %get3A_3 {offsets = [1, 672], sizes = [1, 32], strides = [1, 1]} : vector<2x1024xf32> to vector<1x32xf32>
    %dot_general3A_662 = arith.constant dense<0.000000e+00> : vector<1x512xf32>
    %dot_general3A_663 = tpu.matmul %slice3A_661, %convert_element_type3A_28, %dot_general3A_662 {dimension_numbers = #tpu.dot_dimension_numbers<[1], [0], [0], [1], [0, 0, 1, 1], [], []>, precision = #tpu.contract_precision<fp32>, transpose_lhs_hint = false} : vector<1x32xf32>, vector<32x512xf32>, vector<1x512xf32> -> vector<1x512xf32>
    %broadcast_in_dim3A_664 = vector.shape_cast %dot_general3A_663 : vector<1x512xf32> to vector<1x512xf32>
    %broadcast_in_dim3A_665 = vector.broadcast %broadcast_in_dim3A_664 : vector<1x512xf32> to vector<16x512xf32>
    %swap3A_666 = arith.constant 0 : index
    %swap3A_667 = arith.constant 1 : index
    %swap3A_668 = arith.constant 336 : index
    %swap3A_669 = arith.constant 0 : index
    %swap3A_670 = vector.load %arg2[%swap3A_666, %swap3A_667, %swap3A_668, %swap3A_669] : memref<1x2x512x512xf32, #tpu.memory_space<vmem>>, vector<1x1x16x512xf32>
    %swap3A_671 = vector.shape_cast %swap3A_670 : vector<1x1x16x512xf32> to vector<16x512xf32>
    %swap3A_672 = vector.shape_cast %broadcast_in_dim3A_665 : vector<16x512xf32> to vector<1x1x16x512xf32>
    tpu.vector_store %arg2[%swap3A_666, %swap3A_667, %swap3A_668, %swap3A_669], %swap3A_672 {strides = array<i32>} : memref<1x2x512x512xf32, #tpu.memory_space<vmem>>, vector<1x1x16x512xf32>,
    %slice3A_673 = vector.extract_strided_slice %get3A_3 {offsets = [1, 704], sizes = [1, 32], strides = [1, 1]} : vector<2x1024xf32> to vector<1x32xf32>
    %dot_general3A_674 = arith.constant dense<0.000000e+00> : vector<1x512xf32>
    %dot_general3A_675 = tpu.matmul %slice3A_673, %convert_element_type3A_28, %dot_general3A_674 {dimension_numbers = #tpu.dot_dimension_numbers<[1], [0], [0], [1], [0, 0, 1, 1], [], []>, precision = #tpu.contract_precision<fp32>, transpose_lhs_hint = false} : vector<1x32xf32>, vector<32x512xf32>, vector<1x512xf32> -> vector<1x512xf32>
    %broadcast_in_dim3A_676 = vector.shape_cast %dot_general3A_675 : vector<1x512xf32> to vector<1x512xf32>
    %broadcast_in_dim3A_677 = vector.broadcast %broadcast_in_dim3A_676 : vector<1x512xf32> to vector<16x512xf32>
    %swap3A_678 = arith.constant 0 : index
    %swap3A_679 = arith.constant 1 : index
    %swap3A_680 = arith.constant 352 : index
    %swap3A_681 = arith.constant 0 : index
    %swap3A_682 = vector.load %arg2[%swap3A_678, %swap3A_679, %swap3A_680, %swap3A_681] : memref<1x2x512x512xf32, #tpu.memory_space<vmem>>, vector<1x1x16x512xf32>
    %swap3A_683 = vector.shape_cast %swap3A_682 : vector<1x1x16x512xf32> to vector<16x512xf32>
    %swap3A_684 = vector.shape_cast %broadcast_in_dim3A_677 : vector<16x512xf32> to vector<1x1x16x512xf32>
    tpu.vector_store %arg2[%swap3A_678, %swap3A_679, %swap3A_680, %swap3A_681], %swap3A_684 {strides = array<i32>} : memref<1x2x512x512xf32, #tpu.memory_space<vmem>>, vector<1x1x16x512xf32>,
    %slice3A_685 = vector.extract_strided_slice %get3A_3 {offsets = [1, 736], sizes = [1, 32], strides = [1, 1]} : vector<2x1024xf32> to vector<1x32xf32>
    %dot_general3A_686 = arith.constant dense<0.000000e+00> : vector<1x512xf32>
    %dot_general3A_687 = tpu.matmul %slice3A_685, %convert_element_type3A_28, %dot_general3A_686 {dimension_numbers = #tpu.dot_dimension_numbers<[1], [0], [0], [1], [0, 0, 1, 1], [], []>, precision = #tpu.contract_precision<fp32>, transpose_lhs_hint = false} : vector<1x32xf32>, vector<32x512xf32>, vector<1x512xf32> -> vector<1x512xf32>
    %broadcast_in_dim3A_688 = vector.shape_cast %dot_general3A_687 : vector<1x512xf32> to vector<1x512xf32>
    %broadcast_in_dim3A_689 = vector.broadcast %broadcast_in_dim3A_688 : vector<1x512xf32> to vector<16x512xf32>
    %swap3A_690 = arith.constant 0 : index
    %swap3A_691 = arith.constant 1 : index
    %swap3A_692 = arith.constant 368 : index
    %swap3A_693 = arith.constant 0 : index
    %swap3A_694 = vector.load %arg2[%swap3A_690, %swap3A_691, %swap3A_692, %swap3A_693] : memref<1x2x512x512xf32, #tpu.memory_space<vmem>>, vector<1x1x16x512xf32>
    %swap3A_695 = vector.shape_cast %swap3A_694 : vector<1x1x16x512xf32> to vector<16x512xf32>
    %swap3A_696 = vector.shape_cast %broadcast_in_dim3A_689 : vector<16x512xf32> to vector<1x1x16x512xf32>
    tpu.vector_store %arg2[%swap3A_690, %swap3A_691, %swap3A_692, %swap3A_693], %swap3A_696 {strides = array<i32>} : memref<1x2x512x512xf32, #tpu.memory_space<vmem>>, vector<1x1x16x512xf32>,
    %slice3A_697 = vector.extract_strided_slice %get3A_3 {offsets = [1, 768], sizes = [1, 32], strides = [1, 1]} : vector<2x1024xf32> to vector<1x32xf32>
    %dot_general3A_698 = arith.constant dense<0.000000e+00> : vector<1x512xf32>
    %dot_general3A_699 = tpu.matmul %slice3A_697, %convert_element_type3A_28, %dot_general3A_698 {dimension_numbers = #tpu.dot_dimension_numbers<[1], [0], [0], [1], [0, 0, 1, 1], [], []>, precision = #tpu.contract_precision<fp32>, transpose_lhs_hint = false} : vector<1x32xf32>, vector<32x512xf32>, vector<1x512xf32> -> vector<1x512xf32>
    %broadcast_in_dim3A_700 = vector.shape_cast %dot_general3A_699 : vector<1x512xf32> to vector<1x512xf32>
    %broadcast_in_dim3A_701 = vector.broadcast %broadcast_in_dim3A_700 : vector<1x512xf32> to vector<16x512xf32>
    %swap3A_702 = arith.constant 0 : index
    %swap3A_703 = arith.constant 1 : index
    %swap3A_704 = arith.constant 384 : index
    %swap3A_705 = arith.constant 0 : index
    %swap3A_706 = vector.load %arg2[%swap3A_702, %swap3A_703, %swap3A_704, %swap3A_705] : memref<1x2x512x512xf32, #tpu.memory_space<vmem>>, vector<1x1x16x512xf32>
    %swap3A_707 = vector.shape_cast %swap3A_706 : vector<1x1x16x512xf32> to vector<16x512xf32>
    %swap3A_708 = vector.shape_cast %broadcast_in_dim3A_701 : vector<16x512xf32> to vector<1x1x16x512xf32>
    tpu.vector_store %arg2[%swap3A_702, %swap3A_703, %swap3A_704, %swap3A_705], %swap3A_708 {strides = array<i32>} : memref<1x2x512x512xf32, #tpu.memory_space<vmem>>, vector<1x1x16x512xf32>,
    %slice3A_709 = vector.extract_strided_slice %get3A_3 {offsets = [1, 800], sizes = [1, 32], strides = [1, 1]} : vector<2x1024xf32> to vector<1x32xf32>
    %dot_general3A_710 = arith.constant dense<0.000000e+00> : vector<1x512xf32>
    %dot_general3A_711 = tpu.matmul %slice3A_709, %convert_element_type3A_28, %dot_general3A_710 {dimension_numbers = #tpu.dot_dimension_numbers<[1], [0], [0], [1], [0, 0, 1, 1], [], []>, precision = #tpu.contract_precision<fp32>, transpose_lhs_hint = false} : vector<1x32xf32>, vector<32x512xf32>, vector<1x512xf32> -> vector<1x512xf32>
    %broadcast_in_dim3A_712 = vector.shape_cast %dot_general3A_711 : vector<1x512xf32> to vector<1x512xf32>
    %broadcast_in_dim3A_713 = vector.broadcast %broadcast_in_dim3A_712 : vector<1x512xf32> to vector<16x512xf32>
    %swap3A_714 = arith.constant 0 : index
    %swap3A_715 = arith.constant 1 : index
    %swap3A_716 = arith.constant 400 : index
    %swap3A_717 = arith.constant 0 : index
    %swap3A_718 = vector.load %arg2[%swap3A_714, %swap3A_715, %swap3A_716, %swap3A_717] : memref<1x2x512x512xf32, #tpu.memory_space<vmem>>, vector<1x1x16x512xf32>
    %swap3A_719 = vector.shape_cast %swap3A_718 : vector<1x1x16x512xf32> to vector<16x512xf32>
    %swap3A_720 = vector.shape_cast %broadcast_in_dim3A_713 : vector<16x512xf32> to vector<1x1x16x512xf32>
    tpu.vector_store %arg2[%swap3A_714, %swap3A_715, %swap3A_716, %swap3A_717], %swap3A_720 {strides = array<i32>} : memref<1x2x512x512xf32, #tpu.memory_space<vmem>>, vector<1x1x16x512xf32>,
    %slice3A_721 = vector.extract_strided_slice %get3A_3 {offsets = [1, 832], sizes = [1, 32], strides = [1, 1]} : vector<2x1024xf32> to vector<1x32xf32>
    %dot_general3A_722 = arith.constant dense<0.000000e+00> : vector<1x512xf32>
    %dot_general3A_723 = tpu.matmul %slice3A_721, %convert_element_type3A_28, %dot_general3A_722 {dimension_numbers = #tpu.dot_dimension_numbers<[1], [0], [0], [1], [0, 0, 1, 1], [], []>, precision = #tpu.contract_precision<fp32>, transpose_lhs_hint = false} : vector<1x32xf32>, vector<32x512xf32>, vector<1x512xf32> -> vector<1x512xf32>
    %broadcast_in_dim3A_724 = vector.shape_cast %dot_general3A_723 : vector<1x512xf32> to vector<1x512xf32>
    %broadcast_in_dim3A_725 = vector.broadcast %broadcast_in_dim3A_724 : vector<1x512xf32> to vector<16x512xf32>
    %swap3A_726 = arith.constant 0 : index
    %swap3A_727 = arith.constant 1 : index
    %swap3A_728 = arith.constant 416 : index
    %swap3A_729 = arith.constant 0 : index
    %swap3A_730 = vector.load %arg2[%swap3A_726, %swap3A_727, %swap3A_728, %swap3A_729] : memref<1x2x512x512xf32, #tpu.memory_space<vmem>>, vector<1x1x16x512xf32>
    %swap3A_731 = vector.shape_cast %swap3A_730 : vector<1x1x16x512xf32> to vector<16x512xf32>
    %swap3A_732 = vector.shape_cast %broadcast_in_dim3A_725 : vector<16x512xf32> to vector<1x1x16x512xf32>
    tpu.vector_store %arg2[%swap3A_726, %swap3A_727, %swap3A_728, %swap3A_729], %swap3A_732 {strides = array<i32>} : memref<1x2x512x512xf32, #tpu.memory_space<vmem>>, vector<1x1x16x512xf32>,
    %slice3A_733 = vector.extract_strided_slice %get3A_3 {offsets = [1, 864], sizes = [1, 32], strides = [1, 1]} : vector<2x1024xf32> to vector<1x32xf32>
    %dot_general3A_734 = arith.constant dense<0.000000e+00> : vector<1x512xf32>
    %dot_general3A_735 = tpu.matmul %slice3A_733, %convert_element_type3A_28, %dot_general3A_734 {dimension_numbers = #tpu.dot_dimension_numbers<[1], [0], [0], [1], [0, 0, 1, 1], [], []>, precision = #tpu.contract_precision<fp32>, transpose_lhs_hint = false} : vector<1x32xf32>, vector<32x512xf32>, vector<1x512xf32> -> vector<1x512xf32>
    %broadcast_in_dim3A_736 = vector.shape_cast %dot_general3A_735 : vector<1x512xf32> to vector<1x512xf32>
    %broadcast_in_dim3A_737 = vector.broadcast %broadcast_in_dim3A_736 : vector<1x512xf32> to vector<16x512xf32>
    %swap3A_738 = arith.constant 0 : index
    %swap3A_739 = arith.constant 1 : index
    %swap3A_740 = arith.constant 432 : index
    %swap3A_741 = arith.constant 0 : index
    %swap3A_742 = vector.load %arg2[%swap3A_738, %swap3A_739, %swap3A_740, %swap3A_741] : memref<1x2x512x512xf32, #tpu.memory_space<vmem>>, vector<1x1x16x512xf32>
    %swap3A_743 = vector.shape_cast %swap3A_742 : vector<1x1x16x512xf32> to vector<16x512xf32>
    %swap3A_744 = vector.shape_cast %broadcast_in_dim3A_737 : vector<16x512xf32> to vector<1x1x16x512xf32>
    tpu.vector_store %arg2[%swap3A_738, %swap3A_739, %swap3A_740, %swap3A_741], %swap3A_744 {strides = array<i32>} : memref<1x2x512x512xf32, #tpu.memory_space<vmem>>, vector<1x1x16x512xf32>,
    %slice3A_745 = vector.extract_strided_slice %get3A_3 {offsets = [1, 896], sizes = [1, 32], strides = [1, 1]} : vector<2x1024xf32> to vector<1x32xf32>
    %dot_general3A_746 = arith.constant dense<0.000000e+00> : vector<1x512xf32>
    %dot_general3A_747 = tpu.matmul %slice3A_745, %convert_element_type3A_28, %dot_general3A_746 {dimension_numbers = #tpu.dot_dimension_numbers<[1], [0], [0], [1], [0, 0, 1, 1], [], []>, precision = #tpu.contract_precision<fp32>, transpose_lhs_hint = false} : vector<1x32xf32>, vector<32x512xf32>, vector<1x512xf32> -> vector<1x512xf32>
    %broadcast_in_dim3A_748 = vector.shape_cast %dot_general3A_747 : vector<1x512xf32> to vector<1x512xf32>
    %broadcast_in_dim3A_749 = vector.broadcast %broadcast_in_dim3A_748 : vector<1x512xf32> to vector<16x512xf32>
    %swap3A_750 = arith.constant 0 : index
    %swap3A_751 = arith.constant 1 : index
    %swap3A_752 = arith.constant 448 : index
    %swap3A_753 = arith.constant 0 : index
    %swap3A_754 = vector.load %arg2[%swap3A_750, %swap3A_751, %swap3A_752, %swap3A_753] : memref<1x2x512x512xf32, #tpu.memory_space<vmem>>, vector<1x1x16x512xf32>
    %swap3A_755 = vector.shape_cast %swap3A_754 : vector<1x1x16x512xf32> to vector<16x512xf32>
    %swap3A_756 = vector.shape_cast %broadcast_in_dim3A_749 : vector<16x512xf32> to vector<1x1x16x512xf32>
    tpu.vector_store %arg2[%swap3A_750, %swap3A_751, %swap3A_752, %swap3A_753], %swap3A_756 {strides = array<i32>} : memref<1x2x512x512xf32, #tpu.memory_space<vmem>>, vector<1x1x16x512xf32>,
    %slice3A_757 = vector.extract_strided_slice %get3A_3 {offsets = [1, 928], sizes = [1, 32], strides = [1, 1]} : vector<2x1024xf32> to vector<1x32xf32>
    %dot_general3A_758 = arith.constant dense<0.000000e+00> : vector<1x512xf32>
    %dot_general3A_759 = tpu.matmul %slice3A_757, %convert_element_type3A_28, %dot_general3A_758 {dimension_numbers = #tpu.dot_dimension_numbers<[1], [0], [0], [1], [0, 0, 1, 1], [], []>, precision = #tpu.contract_precision<fp32>, transpose_lhs_hint = false} : vector<1x32xf32>, vector<32x512xf32>, vector<1x512xf32> -> vector<1x512xf32>
    %broadcast_in_dim3A_760 = vector.shape_cast %dot_general3A_759 : vector<1x512xf32> to vector<1x512xf32>
    %broadcast_in_dim3A_761 = vector.broadcast %broadcast_in_dim3A_760 : vector<1x512xf32> to vector<16x512xf32>
    %swap3A_762 = arith.constant 0 : index
    %swap3A_763 = arith.constant 1 : index
    %swap3A_764 = arith.constant 464 : index
    %swap3A_765 = arith.constant 0 : index
    %swap3A_766 = vector.load %arg2[%swap3A_762, %swap3A_763, %swap3A_764, %swap3A_765] : memref<1x2x512x512xf32, #tpu.memory_space<vmem>>, vector<1x1x16x512xf32>
    %swap3A_767 = vector.shape_cast %swap3A_766 : vector<1x1x16x512xf32> to vector<16x512xf32>
    %swap3A_768 = vector.shape_cast %broadcast_in_dim3A_761 : vector<16x512xf32> to vector<1x1x16x512xf32>
    tpu.vector_store %arg2[%swap3A_762, %swap3A_763, %swap3A_764, %swap3A_765], %swap3A_768 {strides = array<i32>} : memref<1x2x512x512xf32, #tpu.memory_space<vmem>>, vector<1x1x16x512xf32>,
    %slice3A_769 = vector.extract_strided_slice %get3A_3 {offsets = [1, 960], sizes = [1, 32], strides = [1, 1]} : vector<2x1024xf32> to vector<1x32xf32>
    %dot_general3A_770 = arith.constant dense<0.000000e+00> : vector<1x512xf32>
    %dot_general3A_771 = tpu.matmul %slice3A_769, %convert_element_type3A_28, %dot_general3A_770 {dimension_numbers = #tpu.dot_dimension_numbers<[1], [0], [0], [1], [0, 0, 1, 1], [], []>, precision = #tpu.contract_precision<fp32>, transpose_lhs_hint = false} : vector<1x32xf32>, vector<32x512xf32>, vector<1x512xf32> -> vector<1x512xf32>
    %broadcast_in_dim3A_772 = vector.shape_cast %dot_general3A_771 : vector<1x512xf32> to vector<1x512xf32>
    %broadcast_in_dim3A_773 = vector.broadcast %broadcast_in_dim3A_772 : vector<1x512xf32> to vector<16x512xf32>
    %swap3A_774 = arith.constant 0 : index
    %swap3A_775 = arith.constant 1 : index
    %swap3A_776 = arith.constant 480 : index
    %swap3A_777 = arith.constant 0 : index
    %swap3A_778 = vector.load %arg2[%swap3A_774, %swap3A_775, %swap3A_776, %swap3A_777] : memref<1x2x512x512xf32, #tpu.memory_space<vmem>>, vector<1x1x16x512xf32>
    %swap3A_779 = vector.shape_cast %swap3A_778 : vector<1x1x16x512xf32> to vector<16x512xf32>
    %swap3A_780 = vector.shape_cast %broadcast_in_dim3A_773 : vector<16x512xf32> to vector<1x1x16x512xf32>
    tpu.vector_store %arg2[%swap3A_774, %swap3A_775, %swap3A_776, %swap3A_777], %swap3A_780 {strides = array<i32>} : memref<1x2x512x512xf32, #tpu.memory_space<vmem>>, vector<1x1x16x512xf32>,
    %slice3A_781 = vector.extract_strided_slice %get3A_3 {offsets = [1, 992], sizes = [1, 32], strides = [1, 1]} : vector<2x1024xf32> to vector<1x32xf32>
    %dot_general3A_782 = arith.constant dense<0.000000e+00> : vector<1x512xf32>
    %dot_general3A_783 = tpu.matmul %slice3A_781, %convert_element_type3A_28, %dot_general3A_782 {dimension_numbers = #tpu.dot_dimension_numbers<[1], [0], [0], [1], [0, 0, 1, 1], [], []>, precision = #tpu.contract_precision<fp32>, transpose_lhs_hint = false} : vector<1x32xf32>, vector<32x512xf32>, vector<1x512xf32> -> vector<1x512xf32>
    %broadcast_in_dim3A_784 = vector.shape_cast %dot_general3A_783 : vector<1x512xf32> to vector<1x512xf32>
    %broadcast_in_dim3A_785 = vector.broadcast %broadcast_in_dim3A_784 : vector<1x512xf32> to vector<16x512xf32>
    %swap3A_786 = arith.constant 0 : index
    %swap3A_787 = arith.constant 1 : index
    %swap3A_788 = arith.constant 496 : index
    %swap3A_789 = arith.constant 0 : index
    %swap3A_790 = vector.load %arg2[%swap3A_786, %swap3A_787, %swap3A_788, %swap3A_789] : memref<1x2x512x512xf32, #tpu.memory_space<vmem>>, vector<1x1x16x512xf32>
    %swap3A_791 = vector.shape_cast %swap3A_790 : vector<1x1x16x512xf32> to vector<16x512xf32>
    %swap3A_792 = vector.shape_cast %broadcast_in_dim3A_785 : vector<16x512xf32> to vector<1x1x16x512xf32>
    tpu.vector_store %arg2[%swap3A_786, %swap3A_787, %swap3A_788, %swap3A_789], %swap3A_792 {strides = array<i32>} : memref<1x2x512x512xf32, #tpu.memory_space<vmem>>, vector<1x1x16x512xf32>,
    return
  }
  func.func @transform_0(%arg0: i32) -> (i32, i32, i32) {
    %c0_i32 = arith.constant 0 : i32
    %c0_i32_0 = arith.constant 0 : i32
    %c0_i32_1 = arith.constant 0 : i32
    return %arg0, %c0_i32, %c0_i32_0 : i32, i32, i32
  }
  func.func @transform_1(%arg0: i32) -> (i32, i32, i32, i32) {
    %c0_i32 = arith.constant 0 : i32
    %c0_i32_0 = arith.constant 0 : i32
    %c0_i32_1 = arith.constant 0 : i32
    %c0_i32_2 = arith.constant 0 : i32
    return %arg0, %c0_i32, %c0_i32_0, %c0_i32_1 : i32, i32, i32, i32
  }
}

</mosaic_0001>

<sc_bundles>
// kernel: kernel.5.cloned.1.call-start
scs
__scs_entry_jumppad:
0x0: {  	(pc) =	sbr.rel $0x88, $3  }
0x1: {  	(tag) =	ssettag $0x0;
	lr =	simm.s32 $0x1  }
0x2: {  	[smem:$0x3F9C] =	sst lr;
	_ =	strace $0xD0000000  }
0x3: {  	_ = 	snop  }
0x4: {  	_ = 	snop  }
0x5: {  	_ = 	snop  }
0x6: {  	_ = 	snop  }
0x7: {  	_ = 	snop  }
__scs_overlays_trampoline_lowered:
0x8: {  	[smem:$0x3FAB] =	sst s0  }
0x9: {  	[smem:$0x3FAC] =	sst s1  }
0xa: {  	[smem:$0x3FAD] =	sst s2  }
0xb: {  	[smem:$0x3FAE] =	sst s3  }
0xc: {  	[smem:$0x3FAF] =	sst s4  }
0xd: {  	[smem:$0x3FB0] =	sst s5  }
0xe: {  	[smem:$0x3FB1] =	sst s6  }
0xf: {  	[smem:$0x3FB2] =	sst s7  }
0x10: {  	[smem:$0x3FB3] =	sst s8  }
0x11: {  	[smem:$0x3FB4] =	sst s9;
	s0 =	simm.s32 @!p0 $0x0  }
0x12: {  	s1 =	sld [smem:$0x3F9A];
	s0 =	simm.s32 @p0 $0x1  }
0x13: {  	[smem:$0x3FB5] =	sst s0;
	s0 =	simm.s32 @!p1 $0x0  }
0x14: {  	s2 =	sld [smem:$0x3F99];
	s0 =	simm.s32 @p1 $0x1  }
0x15: {  	[smem:$0x3FB6] =	sst s0;
	s0 =	simm.s32 @!p2 $0x0  }
0x16: {  	s3 =	sld [smem:$0x3FDB];
	s0 =	simm.s32 @p2 $0x1  }
0x17: {  	s4 =	simm.s32 $0x1BF5;
	[smem:$0x3FB8] =	sst s0  }
0x18: {  	s0 =	sld [smem:$0x3F9B];
	_ =	swait.ge [sflag:s4], $0x0  }
0x19: {  	s7 =	sld [smem:$0x3F9C]  }
0x1a: {  	s8 =	sadd.s32 $0xFFFFE003, lr  }
0x1b: {  	s9 =	sadd.s32 $0xFFFFFEF7, lr;
	s5 =	simm.s32 $0xFFFFFFFF;
	p2 =	slt.u32 s8, $0xFFFFF086  }
0x1c: {  	p1 =	slt.u32 s9, $0xF7A;
	s5 =	simm.s32 @!p2 $0x0  }
0x1d: {  	s5 =	simm.s32 @p1 $0x1;
	p0 =	seq.s32 s7, s2  }
0x1e: {  	s7 =	smul.u32 @!p0 $0xF7A, s2;
	p2 =	seq.s32 @!p0 s5, $0x0  }
0x1f: {  	s9 =	smul.u32 $0xF7A, s1;
	s8 =	simm.s32 @!p0 $0x1BF5;
	p2 =	por !p2, p0  }
0x20: {  	[sflag:s8] =	ssyncset.s32 @!p0 $0xFFFFF086;
	s6 =	sadd.s32 @!p0 s3, s7;
	s7 =	simm.s32 @!p0 $0x108  }
0x21: {  	s3 =	sadd.s32 s3, s9;
	s6 =	sadd.s32 @!p0 $0x88, s6;
	s7 =	simm.s32 @p2 $0x1082  }
0x22: {  	[simem:s7], [sflag:s8] =	dma.local @!p0 [hbm:s6], $0xF7A  }
0x23: {  	s9 =	sor.u32 $0xD0000000, s2;
	s6 =	simm.s32 $0x108;
	_ =	swait.ge @!p0 [sflag:s8], $0x0  }
0x24: {  	s3 =	sadd.s32 $0x88, s3;
	s6 =	simm.s32 @!p1 $0x1082;
	[sflag:s4] =	ssyncset.s32 $0xFFFFF086  }
0x25: {  	[simem:s6], [sflag:s4] =	dma.local [hbm:s3], $0xF7A  }
0x26: {  	[smem:$0x3F9C] =	sst s1;
	(tag) =	ssettag s2;
	_ =	strace s9  }
0x27: {  	s1 =	sld [smem:$0x3FAC]  }
0x28: {  	s2 =	sld [smem:$0x3FAD]  }
0x29: {  	s4 =	sld [smem:$0x3FAF]  }
0x2a: {  	p0 =	seq.s32 s5, $0x0;
	s5 =	sld [smem:$0x3FB0]  }
0x2b: {  	s6 =	sld [smem:$0x3FB1]  }
0x2c: {  	s7 =	sld [smem:$0x3FB2]  }
0x2d: {  	s3 =	simm.s32 $0x108;
	s8 =	sld [smem:$0x3FB3]  }
0x2e: {  	s3 =	simm.s32 @!p0 $0x1082;
	s9 =	sld [smem:$0x3FB4]  }
0x2f: {  	lr =	sadd.s32 s0, s3;
	s0 =	sld [smem:$0x3FAB]  }
0x30: {  	s3 =	sld [smem:$0x3FAE]  }
0x31: {  	[smem:$0x3FB7] =	sst s10  }
0x32: {  	s10 =	sld [smem:$0x3FB5];
	_ =	sdelay $0x3  }
0x33: {  	p0 =	seq.s32 s10, $0x1;
	s10 =	sld [smem:$0x3FB7];
	_ =	sdelay $0x3  }
0x34: {  	[smem:$0x3FB7] =	sst s10  }
0x35: {  	s10 =	sld [smem:$0x3FB6];
	_ =	sdelay $0x3  }
0x36: {  	p1 =	seq.s32 s10, $0x1;
	s10 =	sld [smem:$0x3FB7];
	_ =	sdelay $0x3  }
0x37: {  	[smem:$0x3FB7] =	sst s10  }
0x38: {  	s10 =	sld [smem:$0x3FB8]  }
0x39: {  	_ = 	snop;
	(pc) =	sbr.ind lr, $3  }
0x3a: {  	_ = 	snop  }
0x3b: {  	_ = 	snop  }
0x3c: {  	p2 =	seq.s32 s10, $0x1;
	s10 =	sld [smem:$0x3FB7]  }
0x3d: {  	_ =	shalt  }
0x3e: {  	_ =	shalt  }
0x3f: {  	_ =	shalt  }
0x40: {  	_ =	shalt  }
0x41: {  	_ =	shalt  }
0x42: {  	_ =	shalt  }
0x43: {  	_ =	shalt  }
0x44: {  	_ =	shalt  }
0x45: {  	_ =	shalt  }
0x46: {  	_ =	shalt  }
0x47: {  	_ =	shalt  }
0x48: {  	_ =	shalt  }
0x49: {  	_ =	shalt  }
0x4a: {  	_ =	shalt  }
0x4b: {  	_ =	shalt  }
0x4c: {  	_ =	shalt  }
0x4d: {  	_ =	shalt  }
0x4e: {  	_ =	shalt  }
0x4f: {  	_ =	shalt  }
0x50: {  	_ =	shalt  }
0x51: {  	_ =	shalt  }
0x52: {  	_ =	shalt  }
0x53: {  	_ =	shalt  }
0x54: {  	_ =	shalt  }
0x55: {  	_ =	shalt  }
0x56: {  	_ =	shalt  }
0x57: {  	_ =	shalt  }
0x58: {  	_ =	shalt  }
0x59: {  	_ =	shalt  }
0x5a: {  	_ =	shalt  }
0x5b: {  	_ =	shalt  }
0x5c: {  	_ =	shalt  }
0x5d: {  	_ =	shalt  }
0x5e: {  	_ =	shalt  }
0x5f: {  	_ =	shalt  }
0x60: {  	_ =	shalt  }
0x61: {  	_ =	shalt  }
0x62: {  	_ =	shalt  }
0x63: {  	_ =	shalt  }
0x64: {  	_ =	shalt  }
0x65: {  	_ =	shalt  }
0x66: {  	_ =	shalt  }
0x67: {  	_ =	shalt  }
0x68: {  	_ =	shalt  }
0x69: {  	_ =	shalt  }
0x6a: {  	_ =	shalt  }
0x6b: {  	_ =	shalt  }
0x6c: {  	_ =	shalt  }
0x6d: {  	_ =	shalt  }
0x6e: {  	_ =	shalt  }
0x6f: {  	_ =	shalt  }
0x70: {  	_ =	shalt  }
0x71: {  	_ =	shalt  }
0x72: {  	_ =	shalt  }
0x73: {  	_ =	shalt  }
0x74: {  	_ =	shalt  }
0x75: {  	_ =	shalt  }
0x76: {  	_ =	shalt  }
0x77: {  	_ =	shalt  }
0x78: {  	_ =	shalt  }
0x79: {  	_ =	shalt  }
0x7a: {  	_ =	shalt  }
0x7b: {  	_ =	shalt  }
0x7c: {  	_ =	shalt  }
0x7d: {  	_ =	shalt  }
0x7e: {  	_ =	shalt  }
0x7f: {  	_ =	shalt  }
0x80: {  	_ =	shalt  }
0x81: {  	_ =	shalt  }
0x82: {  	_ =	shalt  }
0x83: {  	_ =	shalt  }
0x84: {  	_ =	shalt  }
0x85: {  	_ =	shalt  }
0x86: {  	_ =	shalt  }
0x87: {  	_ =	shalt  }
.Lfunc_end0:
.L_simem_size_0:
called_computation_lowered:
.L_overlay_start_0:
0x88: {  	s2 =	sld [smem:$0x3FD9]  }
0x89: {  	s3 =	sld [smem:$0x3FFE];
	_ =	sdelay $0x1  }
0x8a: {  	s1 =	srdreg.scid  }
0x8b: {  	s0 =	sand.u32 $0x1, s1  }
0x8c: {  	s14 =	sshll.u32 s0, $0xA;
	s2 =	sadd.s32 s3, s2  }
0x8d: {  	s2 =	sadd.s32 s2, s14  }
0x8e: {  	[smem:$0x3FC3] =	sst s2  }
0x8f: {  	_ = 	snop  }
0x90: {  	s2 =	sld [smem:$0x3FD0];
	_ =	sdelay $0x2  }
0x91: {  	s15 =	simm.s32 $0xA;
	s4 =	simm.s32 $0x10  }
0x92: {  	[smem:s4], [sflag:s15] =	dma.local [hbm:s2], $0x1  }
0x93: {  	_ =	swait.eq [sflag:s15], $0x1  }
0x94: {  	[sflag:s15] =	ssyncset.done $0x0  }
0x95: {  	[sflag:s15] =	ssyncadd.s32 $0xFFFFFFFF  }
0x96: {  	s16 =	sld [smem:$0x12];
	(tm) =	ssettm $0x1  }
0x97: {  	s17 =	sld [smem:$0x3FFB];
	_ =	sdelay $0x3  }
0x98: {  	_ =	strace s17  }
0x99: {  	s3 =	sld [smem:$0x3FFC];
	_ =	sdelay $0x3  }
0x9a: {  	_ =	strace s3  }
0x9b: {  	s3 =	sld [smem:$0x3FFD];
	_ =	sdelay $0x3  }
0x9c: {  	_ =	strace s3  }
0x9d: {  	_ =	strace $0x8FFFFFFF  }
0x9e: {  	s18 =	sld [smem:$0x3FDB];
	_ =	sdelay $0x1  }
0x9f: {  	s19 =	simm.s32 $_scs_section_size  }
0xa0: {  	s5 =	simm.s32 $_size__tile_overlayer_lowered;
	s6 =	simm.s32 $_tile_overlayer_lowered  }
0xa1: {  	s22 =	simm.s32 $0x1BFF;
	s21 =	sshll.u32 s6, $0x1;
	s3 =	sadd.s32 s19, s18  }
0xa2: {  	s7 =	simm.s32 $0x0;
	s20 =	sshll.u32 s5, $0x1;
	s5 =	sadd.s32 s21, s3  }
0xa3: {  	[timem:s7], [sflag:s22] =	dma.local [hbm:s5], s20  }
0xa4: {  	_ =	swait.ge [sflag:s22], s20  }
0xa5: {  	s4 =	ssub.s32 $0x0, s20;
	[sflag:s22] =	ssyncset.done $0x0  }
0xa6: {  	[sflag:s22] =	ssyncadd.s32 s4;
	_ =	sdelay $0x1  }
0xa7: {  	s23 =	simm.s32 $0x1B8B  }
0xa8: {  	_ =	swait.ge [sflag:s23], $0x1  }
0xa9: {  	[sflag:s23] =	ssyncset.done $0x0  }
0xaa: {  	s25 =	simm.s32 $0x1B8E;
	s24 =	sld [smem:$0x3FFE];
	[sflag:s23] =	ssyncadd.s32 $0xFFFFFFFF  }
0xab: {  	s26 =	simm.s32 $execute0_lowered;
	[smem:$0x3FD2] =	sst s25  }
0xac: {  	s5 =	sshll.u32 s26, $0x1;
	_ =	strace $0x80000046;
	[dreg:$0x1] =	wrdreg $0xFFFFFFFF  }
0xad: {  	s28 =	simm.s32 $_size_execute0_lowered;
	s3 =	sadd.s32 s3, s5;
	[dreg:$0x0] =	wrdreg $0x0  }
0xae: {  	s5 =	sshll.u32 s28, $0x1;
	[dreg:$0x2] =	wrdreg s3  }
0xaf: {  	[dreg:$0x3] =	wrdreg s5  }
0xb0: {  	[dreg:$0x4] =	wrdreg $0xC0  }
0xb1: {  	_ =	task [dreg:s7], $0x5FFFF  }
0xb2: {  	[dreg:$0x1] =	wrdreg $0xFFFFFFFF  }
0xb3: {  	[dreg:$0x0] =	wrdreg $0x60  }
0xb4: {  	[dreg:$0x2] =	wrdreg s16  }
0xb5: {  	[dreg:$0x3] =	wrdreg s24  }
0xb6: {  	[dreg:$0x4] =	wrdreg $0x9  }
0xb7: {  	_ =	task.clear_ibuf [dreg:s7], $0x5FFFF;
	_ =	strace $0x90000046  }
0xb8: {  	s29 =	simm.s32 $0x9;
	_ =	strace $0x80000048  }
0xb9: {  	_ =	swait.ge [sflag:s29], $0x1  }
0xba: {  	[sflag:s29] =	ssyncadd.s32 $0xFFFFFFFF  }
0xbb: {  	_ =	strace $0x90000048  }
0xbc: {  	_ =	sfence  }
0xbd: {  	s30 =	sld [smem:$0x0];
	_ =	sdelay $0x2  }
0xbe: {  	s31 =	sshll.u32 s1, $0xD;
	s1 =	sshrl.u32 s1, $0x2  }
0xbf: {  	s3 =	sand.u32 $0x4000, s31;
	s1 =	sadd.s32 s1, s30  }
0xc0: {  	s0 =	sor.u32 s3, s0;
	s1 =	sshll.u32 s1, $0x11  }
0xc1: {  	s0 =	sor.u32 s1, s0  }
0xc2: {  	s0 =	sadd.s32 $0x8F2B, s0  }
0xc3: {  	[sflag:s0] =	ssyncadd.remote.s32 $0x1  }
0xc4: {  	_ =	sfence.sel $0xFFFF  }
0xc5: {  	[dreg:$0x0] =	wrdreg $0xFFFFFFFF;
	(pc) =	sbr.abs _section_cstart, $3  }
0xc6: {  	[dreg:$0x1] =	wrdreg $0xFFFFFFFF  }
0xc7: {  	_ =	task.clear_ibuf [dreg:s7], $0x2FFFF;
	_ =	strace $0x9FFFFFFF  }
0xc8: {  	(tm) =	ssettm $0x7FFFFFFF  }
0xc9: {  	_ =	shalt  }
tec
execute0_lowered:
.L_overlay_start_1:
0x0: {  	(tag) =	ssettag $0x1  }
0x1: {  	s7 =	rddreg [dreg:$0x0]  }
0x2: {  	s4 =	rddreg [dreg:$0x1];
	s1 =	simm.s32 $0x0  }
0x3: {  	[smem:$0x7FF] =	sst s1  }
0x4: {  	s0 =	rddreg [dreg:$0x2];
	v0 =	vimm.f32 $9.960000000e+02;
	_ =	strace $0x80000047  }
0x5: {  	(erf) = vrcp.f32 v0;
	_ =	sdelay $0x2  }
0x6: {  	s2 =	stileid.u32  }
0x7: {  	p0 =	sgt.u32 s2, $0x3  }
.Ltmp0:
0x8: {  	_ = 	snop;
	(pc) =	sbr.rel @p0 .LBB2_31-.Ltmp0, $2  }
0x9: {  	_ =	sdelay $0x2  }
0xa: {  	v0 =	vpop (erf)  }
0xb: {  	s3 =	srdreg.scid;
	s28 =	sshll.u32 s2, $0x1  }
0xc: {  	s11 =	simm.s32 $0x400;
	s13 =	simm.s32 $0xD00;
	s14 =	simm.s32 $0x1500  }
0xd: {  	s15 =	simm.s32 $0x1D00;
	s16 =	simm.s32 $0x1;
	s5 =	sand.u32 $0x1, s3  }
0xe: {  	s17 =	simm.s32 $0x0;
	s3 =	sadd.s32 $0x1000, s4;
	s6 =	sor.u32 s5, s28  }
0xf: {  	s10 =	ssub.s32 $0x2, s5;
	s8 =	smul.u32 $0x18, s6;
	s9 =	sshll.u32 s6, $0x2  }
0x10: {  	s12 =	sshll.u32 s6, $0xA;
	s30 =	sshrl.u32 s10, $0x1;
	s31 =	sshll.u32 s6, $0x7  }
0x11: {  	s9 =	sadd.s32 s9, s4;
	s29 =	sadd.s32 s12, s4;
	s7 =	sadd.s32 s7, s31  }
0x12: {  	v1 =	vlaneseq.u32;
	v2 =	vmov s12;
	s12 =	simm.s32 $0x500;
	s8 =	sadd.s32 s8, s4;
	s5 =	sadd.s32 $0x41200, s29  }
0x13: {  	vm0 =	vmmov $0xffff;
	v4 =	vshrl.u32 v1, $0x3;
	s6 =	sadd.s32 $0x43200, s9;
	s4 =	sadd.s32 $0x41000, s8;
	s8 =	ssub.s32 s10, s30  }
0x14: {  	v3 =	vand.u32 $0x7, v1;
	v5 =	vor.u32 $0x8, v1;
	v4 =	vmul.u32 $0x8, v4;
	s9 =	simm.s32 $0x2;
	s10 =	simm.s32 $0x2500;
	s8 =	smax.u32 s8, $0x1  }
.LBB2_2:
0x15: {  	s18 =	simm.s32 $0x0  }
0x16: {  	[tilespmem:s18], [sflag:$0x2] =	stream.linear.gather [hbm4b:s7+s18], $0x400, $0x38;
	[tilespmem:$0x2600] =	vst v63  }
0x17: {  	_ =	swait.ge [sflag:s9], $0x400  }
0x18: {  	[sflag:s9] =	ssyncset.done $0x0  }
0x19: {  	[sflag:s9] =	ssyncadd.s32 $0xFFFFFC00  }
0x1a: {  	[tilespmem:s10], [sflag:$0x2] =	stream.linear.gather [hbm4b:s4+s18], $0xC0, $0x38;
	[tilespmem:$0x2600] =	vst v63  }
0x1b: {  	_ =	swait.ge [sflag:s9], $0xC0  }
0x1c: {  	[sflag:s9] =	ssyncset.done $0x0  }
0x1d: {  	s19 =	simm.s32 $0x0;
	[sflag:s9] =	ssyncadd.s32 $0xFFFFFF40  }
0x1e: {  	s30 =	simm.s32 $0x10;
	v6 =	vld [tilespmem:s19+$0x0]  }
0x1f: {  	v7 =	vld [tilespmem:s30+$0x0];
	_ =	sdelay $0x3  }
0x20: {  	(xrf0) =	vadd.scan.msk.s32 $0xffff, v6  }
0x21: {  	(xrf0) =	vadd.scan.msk.s32 $0xffff, v7;
	_ =	sdelay $0x4  }
0x22: {  	s31 =	simm.s32 $0x20;
	v7, _, _ =	vpop (xrf0)  }
0x23: {  	v6 =	vld [tilespmem:s31+$0x0];
	(v2sf) =	vpush v7, $0xF;
	v7, _, _ =	vpop (xrf0)  }
0x24: {  	(v2sf) =	vpush v7, $0xF;
	_ =	sdelay $0x3  }
0x25: {  	s20 =	simm.s32 $0x30;
	(xrf0) =	vadd.scan.msk.s32 $0xffff, v6  }
0x26: {  	v6 =	vld [tilespmem:s20+$0x0];
	_ =	sdelay $0x3  }
0x27: {  	s19 =	simm.s32 $0x100  }
.LBB2_3:
0x28: {  	s20 =	sshra.s32 s19, $0x2;
	p0 =	seq.s32 s19, $0xFC0;
	s19 =	sadd.s32 $0x40, s19;
	(xrf0) =	vadd.scan.msk.s32 $0xffff, v6;
	v7, _, _ =	vpop (xrf0)  }
.Ltmp1:
0x29: {  	v6 =	vld [tilespmem:s20+$0x0];
	(v2sf) =	vpush v7, $0xF;
	(pc) =	sbr.rel @!p0 .LBB2_3-.Ltmp1, $3  }
0x2a: {  	_ =	sdelay $0x1  }
0x2b: {  	s20 =	spop (v2sf)  }
0x2c: {  	s18 =	sadd.s32 s18, s20  }
0x2d: {  	(xrf0) =	vadd.scan.msk.s32 $0xffff, v6;
	_ =	sdelay $0x4  }
0x2e: {  	v6, _, _ =	vpop (xrf0)  }
0x2f: {  	(v2sf) =	vpush v6, $0xF;
	v6, _, _ =	vpop (xrf0)  }
0x30: {  	(v2sf) =	vpush v6, $0xF;
	_ =	sdelay $0xb  }
0x31: {  	s19 =	spop (v2sf)  }
0x32: {  	s18 =	sadd.s32 s18, s19;
	s29 =	spop (v2sf)  }
0x33: {  	s18 =	sadd.s32 s18, s29;
	s30 =	spop (v2sf)  }
0x34: {  	s18 =	sadd.s32 s18, s30;
	s31 =	spop (v2sf)  }
0x35: {  	s18 =	sadd.s32 s18, s31  }
0x36: {  	v6 =	vmov s18;
	s18 =	simm.s32 $0x0  }
0x37: {  	v7 =	vld [tilespmem:s18+$0x0];
	_ =	sdelay $0x4  }
0x38: {  	(xrf0) =	vadd.scan.msk.s32 $0xffff, v7;
	_ =	sdelay $0x5  }
0x39: {  	v8 =	vor.u32 s18, v1;
	v9, _, _ =	vpop (xrf0)  }
0x3a: {  	v11 =	vadd.s32 v6, v8;
	v10 =	vadd.s32 s18, v9;
	(v2sf) =	vpush v9, $0xF  }
0x3b: {  	vm1 =	vgt.s32 v7, $0x0;
	v7 =	vsub.s32 v11, v10;
	v10 =	vadd.s32 $0xFFFFFFFF, v10  }
0x3c: {  	v7 =	vsel vm1, v10, v7  }
0x3d: {  	vm1 =	vlt.s32 v7, $0x20;
	_ =	sdelay $0x5  }
0x3e: {  	s19 =	simm.s32 $0x10;
	[tilespmem:v7+s11+$0x0] =	vst.idx.msk vm1, v8  }
0x3f: {  	s20 =	simm.s32 $0x20;
	s21 =	simm.s32 $0x10;
	v7 =	vld [tilespmem:s19+$0x0]  }
.LBB2_5:
0x40: {  	p0 =	sne.s32 s20, $0x3F0;
	_ =	sdelay $0x3  }
0x41: {  	vm1 =	vgt.s32 v7, $0x0;
	(xrf0) =	vadd.scan.msk.s32 $0xffff, v7;
	s22 =	spop (v2sf)  }
0x42: {  	s18 =	sadd.s32 s18, s22;
	_ =	sdelay $0x4  }
0x43: {  	v7 =	vor.u32 s19, v1;
	s19 =	smov.u32 s20;
	v8, _, _ =	vpop (xrf0)  }
0x44: {  	v10 =	vadd.s32 v6, v7;
	v9 =	vadd.s32 s18, v8;
	(v2sf) =	vpush v8, $0xF  }
0x45: {  	v8 =	vadd.s32 $0xFFFFFFFF, v9;
	v9 =	vsub.s32 v10, v9  }
0x46: {  	v8 =	vsel vm1, v8, v9  }
0x47: {  	vm1 =	vlt.s32 v8, $0x20;
	_ =	sdelay $0x2  }
.Ltmp2:
0x48: {  	(pc) =	sbr.rel @p0 .LBB2_5-.Ltmp2, $3  }
0x49: {  	_ =	sdelay $0x1  }
0x4a: {  	s21 =	sadd.s32 $0x10, s21;
	[tilespmem:v8+s11+$0x0] =	vst.idx.msk vm1, v7  }
0x4b: {  	s20 =	sadd.s32 $0x10, s20;
	v7 =	vld [tilespmem:s21+$0x0]  }
0x4c: {  	_ =	sdelay $0x3  }
0x4d: {  	(xrf0) =	vadd.scan.msk.s32 $0xffff, v7;
	_ =	sdelay $0x4  }
0x4e: {  	s20 =	spop (v2sf)  }
0x4f: {  	v8 =	vor.u32 s19, v1;
	s18 =	sadd.s32 s18, s20;
	v9, _, _ =	vpop (xrf0)  }
0x50: {  	v6 =	vadd.s32 v6, v8;
	v10 =	vadd.s32 s18, v9  }
0x51: {  	vm1 =	vgt.s32 v7, $0x0;
	v6 =	vsub.s32 v6, v10;
	v7 =	vadd.s32 $0xFFFFFFFF, v10  }
0x52: {  	v6 =	vsel vm1, v7, v6  }
0x53: {  	vm1 =	vlt.s32 v6, $0x20;
	_ =	sdelay $0x5  }
0x54: {  	[tilespmem:v6+s11+$0x0] =	vst.idx.msk vm1, v8  }
0x55: {  	v6 =	vld [tilespmem:$0x400];
	_ =	sdelay $0x4  }
0x56: {  	v7 =	vadd.s32 v2, v6  }
0x57: {  	v8 =	vshll.u32 v7, $0x1  }
0x58: {  	v6 =	vand.u32 $0x7, v6;
	v8 =	vand.u32 $0xFFFFFFF0, v8  }
0x59: {  	v6 =	vor.u32 v6, v8  }
0x5a: {  	v8 =	vld [tilespmem:$0x410];
	v63 =	vperm.xlane v6, v3;
	_ =	sdelay $0x1  }
0x5b: {  	v6 =	vperm.xlane v6, v5;
	v10 =	vadd.s32 v4, v63;
	_ =	sdelay $0x1  }
0x5c: {  	v6 =	vadd.s32 v4, v6  }
0x5d: {  	[tilespmem:$0x480] =	vst v7;
	v7 =	vadd.s32 v2, v8  }
0x5e: {  	s18 =	simm.s32 $0x0;
	[tilespmem:$0x490] =	vst v7  }
0x5f: {  	[tilespmem:s12], [sflag:$0x1] =	stream.indirect_vreg.gather [hbm4b:s3+s18], $0x80, v10, vm0, $0xb8;
	[tilespmem:$0x2600] =	vst v63  }
0x60: {  	_ = 	snop  }
0x61: {  	[tilespmem:s13], [sflag:$0x1] =	stream.indirect_vreg.gather [hbm4b:s3+s18], $0x80, v6, vm0, $0xb8;
	[tilespmem:$0x2600] =	vst v63  }
0x62: {  	v6 =	vld [tilespmem:$0x490]  }
0x63: {  	(v2sf) =	vpush v9, $0xF;
	_ =	sdelay $0x3  }
0x64: {  	v7 =	vshll.u32 v6, $0x1  }
0x65: {  	v6 =	vand.u32 $0x7, v6;
	v7 =	vand.u32 $0xFFFFFFF0, v7  }
0x66: {  	v6 =	vor.u32 v6, v7  }
0x67: {  	v7 =	vperm.xlane v6, v3;
	_ =	sdelay $0x1  }
0x68: {  	v6 =	vperm.xlane v6, v5;
	v7 =	vadd.s32 v4, v7;
	_ =	sdelay $0x1  }
0x69: {  	v6 =	vadd.s32 v4, v6;
	_ =	sdelay $0x2  }
0x6a: {  	[tilespmem:s14], [sflag:$0x1] =	stream.indirect_vreg.gather [hbm4b:s3+s18], $0x80, v7, vm0, $0xb8;
	[tilespmem:$0x2600] =	vst v63  }
0x6b: {  	s30 =	spop (v2sf)  }
0x6c: {  	[tilespmem:s15], [sflag:$0x1] =	stream.indirect_vreg.gather [hbm4b:s3+s18], $0x80, v6, vm0, $0xb8;
	[tilespmem:$0x2600] =	vst v63  }
0x6d: {  	_ =	swait.ge [sflag:s16], $0x2000  }
0x6e: {  	s19 =	sand.u32 $0x1800, s18;
	s31 =	sand.u32 $0x380, s18;
	[sflag:s16] =	ssyncset.done $0x0  }
0x6f: {  	s20 =	sor.u32 s31, s19;
	[sflag:s16] =	ssyncadd.s32 $0xFFFFE000  }
0x70: {  	s19 =	simm.s32 $0x100;
	v6 =	vimm.f32 $0.0e+00;
	v7 =	vld [tilespmem:s20+$0x500]  }
.LBB2_7:
0x71: {  	p0 =	sne.s32 s19, $0x1C00  }
.Ltmp3:
0x72: {  	_ = 	snop;
	(pc) =	sbr.rel @p0 .LBB2_7-.Ltmp3, $4  }
0x73: {  	s18 =	sadd.s32 $0x80, s18  }
0x74: {  	s20 =	sand.u32 $0x1800, s19;
	s21 =	sand.u32 $0x380, s18  }
0x75: {  	s20 =	sor.u32 s21, s20  }
0x76: {  	s19 =	sadd.s32 $0x100, s19;
	v6 =	vadd.f32 v7, v6;
	v7 =	vld [tilespmem:s20+$0x500]  }
0x77: {  	_ = 	snop  }
0x78: {  	v8 =	vld [tilespmem:$0x2500];
	_ =	sdelay $0x2  }
0x79: {  	v6 =	vadd.f32 v7, v6;
	_ =	sdelay $0x1  }
0x7a: {  	v6 =	vsub.f32 v8, v6;
	_ =	sdelay $0x1  }
0x7b: {  	s18 =	simm.s32 $0x0;
	v6 =	vmul.f32 v6, v0  }
0x7c: {  	s19 =	sand.u32 $0x1800, s18;
	s20 =	sand.u32 $0x380, s18  }
0x7d: {  	s20 =	sor.u32 s20, s19;
	[tilespmem:$0x1F80] =	vst v6  }
0x7e: {  	s19 =	simm.s32 $0x100;
	v6 =	vimm.f32 $0.0e+00;
	v7 =	vld [tilespmem:s20+$0x510]  }
.LBB2_9:
0x7f: {  	p0 =	sne.s32 s19, $0x1C00  }
.Ltmp4:
0x80: {  	_ = 	snop;
	(pc) =	sbr.rel @p0 .LBB2_9-.Ltmp4, $4  }
0x81: {  	s18 =	sadd.s32 $0x80, s18  }
0x82: {  	s20 =	sand.u32 $0x1800, s19;
	s21 =	sand.u32 $0x380, s18  }
0x83: {  	s20 =	sor.u32 s21, s20  }
0x84: {  	s19 =	sadd.s32 $0x100, s19;
	v6 =	vadd.f32 v7, v6;
	v7 =	vld [tilespmem:s20+$0x510]  }
0x85: {  	_ = 	snop  }
0x86: {  	v8 =	vld [tilespmem:$0x2510];
	_ =	sdelay $0x2  }
0x87: {  	v6 =	vadd.f32 v7, v6;
	_ =	sdelay $0x1  }
0x88: {  	v6 =	vsub.f32 v8, v6;
	_ =	sdelay $0x1  }
0x89: {  	s18 =	simm.s32 $0x0;
	v6 =	vmul.f32 v6, v0  }
0x8a: {  	s19 =	sand.u32 $0x1800, s18;
	s20 =	sand.u32 $0x380, s18  }
0x8b: {  	s20 =	sor.u32 s20, s19;
	[tilespmem:$0x1F90] =	vst v6  }
0x8c: {  	s19 =	simm.s32 $0x100;
	v6 =	vimm.f32 $0.0e+00;
	v7 =	vld [tilespmem:s20+$0x520]  }
.LBB2_11:
0x8d: {  	p0 =	sne.s32 s19, $0x1C00  }
.Ltmp5:
0x8e: {  	_ = 	snop;
	(pc) =	sbr.rel @p0 .LBB2_11-.Ltmp5, $4  }
0x8f: {  	s18 =	sadd.s32 $0x80, s18  }
0x90: {  	s20 =	sand.u32 $0x1800, s19;
	s21 =	sand.u32 $0x380, s18  }
0x91: {  	s20 =	sor.u32 s21, s20  }
0x92: {  	s19 =	sadd.s32 $0x100, s19;
	v6 =	vadd.f32 v7, v6;
	v7 =	vld [tilespmem:s20+$0x520]  }
0x93: {  	_ = 	snop  }
0x94: {  	v8 =	vld [tilespmem:$0x2520];
	_ =	sdelay $0x2  }
0x95: {  	v6 =	vadd.f32 v7, v6;
	_ =	sdelay $0x1  }
0x96: {  	v6 =	vsub.f32 v8, v6;
	_ =	sdelay $0x1  }
0x97: {  	s18 =	simm.s32 $0x0;
	v6 =	vmul.f32 v6, v0  }
0x98: {  	s19 =	sand.u32 $0x1800, s18;
	s20 =	sand.u32 $0x380, s18  }
0x99: {  	s20 =	sor.u32 s20, s19;
	[tilespmem:$0x1FA0] =	vst v6  }
0x9a: {  	s19 =	simm.s32 $0x100;
	v6 =	vimm.f32 $0.0e+00;
	v7 =	vld [tilespmem:s20+$0x530]  }
.LBB2_13:
0x9b: {  	p0 =	sne.s32 s19, $0x1C00  }
.Ltmp6:
0x9c: {  	_ = 	snop;
	(pc) =	sbr.rel @p0 .LBB2_13-.Ltmp6, $4  }
0x9d: {  	s18 =	sadd.s32 $0x80, s18  }
0x9e: {  	s20 =	sand.u32 $0x1800, s19;
	s21 =	sand.u32 $0x380, s18  }
0x9f: {  	s20 =	sor.u32 s21, s20  }
0xa0: {  	s19 =	sadd.s32 $0x100, s19;
	v6 =	vadd.f32 v7, v6;
	v7 =	vld [tilespmem:s20+$0x530]  }
0xa1: {  	_ = 	snop  }
0xa2: {  	v8 =	vld [tilespmem:$0x2530];
	_ =	sdelay $0x2  }
0xa3: {  	v6 =	vadd.f32 v7, v6;
	_ =	sdelay $0x1  }
0xa4: {  	v6 =	vsub.f32 v8, v6;
	_ =	sdelay $0x1  }
0xa5: {  	s18 =	simm.s32 $0x0;
	v6 =	vmul.f32 v6, v0  }
0xa6: {  	s19 =	sand.u32 $0x1800, s18;
	s20 =	sand.u32 $0x380, s18  }
0xa7: {  	s20 =	sor.u32 s20, s19;
	[tilespmem:$0x1FB0] =	vst v6  }
0xa8: {  	s19 =	simm.s32 $0x100;
	v6 =	vimm.f32 $0.0e+00;
	v7 =	vld [tilespmem:s20+$0x540]  }
.LBB2_15:
0xa9: {  	p0 =	sne.s32 s19, $0x1C00  }
.Ltmp7:
0xaa: {  	_ = 	snop;
	(pc) =	sbr.rel @p0 .LBB2_15-.Ltmp7, $4  }
0xab: {  	s18 =	sadd.s32 $0x80, s18  }
0xac: {  	s20 =	sand.u32 $0x1800, s19;
	s21 =	sand.u32 $0x380, s18  }
0xad: {  	s20 =	sor.u32 s21, s20  }
0xae: {  	s19 =	sadd.s32 $0x100, s19;
	v6 =	vadd.f32 v7, v6;
	v7 =	vld [tilespmem:s20+$0x540]  }
0xaf: {  	_ = 	snop  }
0xb0: {  	v8 =	vld [tilespmem:$0x2540];
	_ =	sdelay $0x2  }
0xb1: {  	v6 =	vadd.f32 v7, v6;
	_ =	sdelay $0x1  }
0xb2: {  	v6 =	vsub.f32 v8, v6;
	_ =	sdelay $0x1  }
0xb3: {  	s18 =	simm.s32 $0x0;
	v6 =	vmul.f32 v6, v0  }
0xb4: {  	s19 =	sand.u32 $0x1800, s18;
	s20 =	sand.u32 $0x380, s18  }
0xb5: {  	s20 =	sor.u32 s20, s19;
	[tilespmem:$0x1FC0] =	vst v6  }
0xb6: {  	s19 =	simm.s32 $0x100;
	v6 =	vimm.f32 $0.0e+00;
	v7 =	vld [tilespmem:s20+$0x550]  }
.LBB2_17:
0xb7: {  	p0 =	sne.s32 s19, $0x1C00  }
.Ltmp8:
0xb8: {  	_ = 	snop;
	(pc) =	sbr.rel @p0 .LBB2_17-.Ltmp8, $4  }
0xb9: {  	s18 =	sadd.s32 $0x80, s18  }
0xba: {  	s20 =	sand.u32 $0x1800, s19;
	s21 =	sand.u32 $0x380, s18  }
0xbb: {  	s20 =	sor.u32 s21, s20  }
0xbc: {  	s19 =	sadd.s32 $0x100, s19;
	v6 =	vadd.f32 v7, v6;
	v7 =	vld [tilespmem:s20+$0x550]  }
0xbd: {  	_ = 	snop  }
0xbe: {  	v8 =	vld [tilespmem:$0x2550];
	_ =	sdelay $0x2  }
0xbf: {  	v6 =	vadd.f32 v7, v6;
	_ =	sdelay $0x1  }
0xc0: {  	v6 =	vsub.f32 v8, v6;
	_ =	sdelay $0x1  }
0xc1: {  	s18 =	simm.s32 $0x0;
	v6 =	vmul.f32 v6, v0  }
0xc2: {  	s19 =	sand.u32 $0x1800, s18;
	s20 =	sand.u32 $0x380, s18  }
0xc3: {  	s20 =	sor.u32 s20, s19;
	[tilespmem:$0x1FD0] =	vst v6  }
0xc4: {  	s19 =	simm.s32 $0x100;
	v6 =	vimm.f32 $0.0e+00;
	v7 =	vld [tilespmem:s20+$0x560]  }
.LBB2_19:
0xc5: {  	p0 =	sne.s32 s19, $0x1C00  }
.Ltmp9:
0xc6: {  	_ = 	snop;
	(pc) =	sbr.rel @p0 .LBB2_19-.Ltmp9, $4  }
0xc7: {  	s18 =	sadd.s32 $0x80, s18  }
0xc8: {  	s20 =	sand.u32 $0x1800, s19;
	s21 =	sand.u32 $0x380, s18  }
0xc9: {  	s20 =	sor.u32 s21, s20  }
0xca: {  	s19 =	sadd.s32 $0x100, s19;
	v6 =	vadd.f32 v7, v6;
	v7 =	vld [tilespmem:s20+$0x560]  }
0xcb: {  	_ = 	snop  }
0xcc: {  	v8 =	vld [tilespmem:$0x2560];
	_ =	sdelay $0x2  }
0xcd: {  	v6 =	vadd.f32 v7, v6;
	_ =	sdelay $0x1  }
0xce: {  	v6 =	vsub.f32 v8, v6;
	_ =	sdelay $0x1  }
0xcf: {  	s18 =	simm.s32 $0x0;
	v6 =	vmul.f32 v6, v0  }
0xd0: {  	s19 =	sand.u32 $0x1800, s18;
	s20 =	sand.u32 $0x380, s18  }
0xd1: {  	s20 =	sor.u32 s20, s19;
	[tilespmem:$0x1FE0] =	vst v6  }
0xd2: {  	s19 =	simm.s32 $0x100;
	v6 =	vimm.f32 $0.0e+00;
	v7 =	vld [tilespmem:s20+$0x570]  }
.LBB2_21:
0xd3: {  	p0 =	sne.s32 s19, $0x1C00  }
.Ltmp10:
0xd4: {  	_ = 	snop;
	(pc) =	sbr.rel @p0 .LBB2_21-.Ltmp10, $4  }
0xd5: {  	s18 =	sadd.s32 $0x80, s18  }
0xd6: {  	s20 =	sand.u32 $0x1800, s19;
	s21 =	sand.u32 $0x380, s18  }
0xd7: {  	s20 =	sor.u32 s21, s20  }
0xd8: {  	s19 =	sadd.s32 $0x100, s19;
	v6 =	vadd.f32 v7, v6;
	v7 =	vld [tilespmem:s20+$0x570]  }
0xd9: {  	_ = 	snop  }
0xda: {  	v8 =	vld [tilespmem:$0x2570];
	_ =	sdelay $0x2  }
0xdb: {  	v6 =	vadd.f32 v7, v6;
	_ =	sdelay $0x1  }
0xdc: {  	v6 =	vsub.f32 v8, v6;
	_ =	sdelay $0x1  }
0xdd: {  	s18 =	simm.s32 $0x0;
	v6 =	vmul.f32 v6, v0  }
0xde: {  	s19 =	sand.u32 $0x1800, s18;
	s20 =	sand.u32 $0x380, s18  }
0xdf: {  	s20 =	sor.u32 s20, s19;
	[tilespmem:$0x1FF0] =	vst v6  }
0xe0: {  	s19 =	simm.s32 $0x100;
	v6 =	vimm.f32 $0.0e+00;
	v7 =	vld [tilespmem:s20+$0x900]  }
.LBB2_23:
0xe1: {  	p0 =	sne.s32 s19, $0x1C00  }
.Ltmp11:
0xe2: {  	_ = 	snop;
	(pc) =	sbr.rel @p0 .LBB2_23-.Ltmp11, $4  }
0xe3: {  	s18 =	sadd.s32 $0x80, s18  }
0xe4: {  	s20 =	sand.u32 $0x1800, s19;
	s21 =	sand.u32 $0x380, s18  }
0xe5: {  	s20 =	sor.u32 s21, s20  }
0xe6: {  	s19 =	sadd.s32 $0x100, s19;
	v6 =	vadd.f32 v7, v6;
	v7 =	vld [tilespmem:s20+$0x900]  }
0xe7: {  	_ = 	snop  }
0xe8: {  	v8 =	vld [tilespmem:$0x2580];
	_ =	sdelay $0x2  }
0xe9: {  	v6 =	vadd.f32 v7, v6;
	_ =	sdelay $0x1  }
0xea: {  	v6 =	vsub.f32 v8, v6;
	_ =	sdelay $0x1  }
0xeb: {  	s18 =	simm.s32 $0x0;
	v6 =	vmul.f32 v6, v0  }
0xec: {  	s19 =	sand.u32 $0x1800, s18;
	s20 =	sand.u32 $0x380, s18  }
0xed: {  	s20 =	sor.u32 s20, s19;
	[tilespmem:$0x2380] =	vst v6  }
0xee: {  	s19 =	simm.s32 $0x100;
	v6 =	vimm.f32 $0.0e+00;
	v7 =	vld [tilespmem:s20+$0x910]  }
.LBB2_25:
0xef: {  	p0 =	sne.s32 s19, $0x1C00  }
.Ltmp12:
0xf0: {  	_ = 	snop;
	(pc) =	sbr.rel @p0 .LBB2_25-.Ltmp12, $4  }
0xf1: {  	s18 =	sadd.s32 $0x80, s18  }
0xf2: {  	s20 =	sand.u32 $0x1800, s19;
	s21 =	sand.u32 $0x380, s18  }
0xf3: {  	s20 =	sor.u32 s21, s20  }
0xf4: {  	s19 =	sadd.s32 $0x100, s19;
	v6 =	vadd.f32 v7, v6;
	v7 =	vld [tilespmem:s20+$0x910]  }
0xf5: {  	_ = 	snop  }
0xf6: {  	v8 =	vld [tilespmem:$0x2590];
	_ =	sdelay $0x2  }
0xf7: {  	v6 =	vadd.f32 v7, v6;
	_ =	sdelay $0x1  }
0xf8: {  	v6 =	vsub.f32 v8, v6;
	_ =	sdelay $0x1  }
0xf9: {  	s18 =	simm.s32 $0x0;
	v6 =	vmul.f32 v6, v0  }
0xfa: {  	s19 =	sand.u32 $0x1800, s18;
	s20 =	sand.u32 $0x380, s18  }
0xfb: {  	s20 =	sor.u32 s20, s19;
	[tilespmem:$0x2390] =	vst v6  }
0xfc: {  	s19 =	simm.s32 $0x100;
	v6 =	vimm.f32 $0.0e+00;
	v7 =	vld [tilespmem:s20+$0x920]  }
.LBB2_27:
0xfd: {  	p0 =	sne.s32 s19, $0x1C00  }
.Ltmp13:
0xfe: {  	_ = 	snop;
	(pc) =	sbr.rel @p0 .LBB2_27-.Ltmp13, $4  }
0xff: {  	s18 =	sadd.s32 $0x80, s18  }
0x100: {  	s20 =	sand.u32 $0x1800, s19;
	s21 =	sand.u32 $0x380, s18  }
0x101: {  	s20 =	sor.u32 s21, s20  }
0x102: {  	s19 =	sadd.s32 $0x100, s19;
	v6 =	vadd.f32 v7, v6;
	v7 =	vld [tilespmem:s20+$0x920]  }
0x103: {  	_ = 	snop  }
0x104: {  	v8 =	vld [tilespmem:$0x25A0];
	_ =	sdelay $0x2  }
0x105: {  	v6 =	vadd.f32 v7, v6;
	_ =	sdelay $0x1  }
0x106: {  	v6 =	vsub.f32 v8, v6;
	_ =	sdelay $0x1  }
0x107: {  	s18 =	simm.s32 $0x0;
	v6 =	vmul.f32 v6, v0  }
0x108: {  	s19 =	sand.u32 $0x1800, s18;
	s20 =	sand.u32 $0x380, s18  }
0x109: {  	s20 =	sor.u32 s20, s19;
	[tilespmem:$0x23A0] =	vst v6  }
0x10a: {  	s19 =	simm.s32 $0x100;
	v6 =	vimm.f32 $0.0e+00;
	v7 =	vld [tilespmem:s20+$0x930]  }
.LBB2_29:
0x10b: {  	p0 =	sne.s32 s19, $0x1C00  }
.Ltmp14:
0x10c: {  	_ = 	snop;
	(pc) =	sbr.rel @p0 .LBB2_29-.Ltmp14, $4  }
0x10d: {  	s18 =	sadd.s32 $0x80, s18  }
0x10e: {  	s20 =	sand.u32 $0x1800, s19;
	s21 =	sand.u32 $0x380, s18  }
0x10f: {  	s20 =	sor.u32 s21, s20  }
0x110: {  	s19 =	sadd.s32 $0x100, s19;
	v6 =	vadd.f32 v7, v6;
	v7 =	vld [tilespmem:s20+$0x930]  }
0x111: {  	_ = 	snop  }
0x112: {  	v8 =	vld [tilespmem:$0x25B0];
	_ =	sdelay $0x2  }
0x113: {  	v6 =	vadd.f32 v7, v6;
	_ =	sdelay $0x1  }
0x114: {  	v6 =	vsub.f32 v8, v6;
	_ =	sdelay $0x1  }
0x115: {  	v6 =	vmul.f32 v6, v0;
	_ =	sdelay $0x1  }
0x116: {  	[tilespmem:$0x23B0] =	vst v6  }
0x117: {  	[hbm4b:s5+s1] =	stream.linear.scatter [tilespmem:s12], [sflag:$0x2], $0x2000, $0x38;
	[tilespmem:$0x2600] =	vst v63  }
0x118: {  	s17 =	sadd.s32 $0x1, s17;
	_ =	swait.ge [sflag:s9], $0x2000  }
0x119: {  	p0 =	sne.s32 s17, s8;
	[sflag:s9] =	ssyncset.done $0x0  }
.Ltmp15:
0x11a: {  	[sflag:s9] =	ssyncadd.s32 $0xFFFFE000;
	(pc) =	sbr.rel @p0 .LBB2_2-.Ltmp15, $4  }
0x11b: {  	[hbm4b:s6+s1] =	stream.linear.scatter [tilespmem:s11], [sflag:$0x2], $0x20, $0x38;
	[tilespmem:$0x2600] =	vst v63  }
0x11c: {  	_ =	swait.ge [sflag:s9], $0x20  }
0x11d: {  	[sflag:s9] =	ssyncset.done $0x0  }
0x11e: {  	[sflag:s9] =	ssyncadd.s32 $0xFFFFFFE0  }
.LBB2_31:
0x11f: {  	_ =	sfence.sel $0x180000  }
0x120: {  	[bflag:$0x0] =	sbarrier.arrive $0xFFFF  }
0x121: {  	p0 =	sne.s32 s2, $0x0;
	_ =	strace $0x90000047  }
0x122: {  	s0 =	sadd.s32 @!p0 $0x100000, s0;
	[bflag:$0x2] =	sbarrier.arrive $0xFFFF  }
0x123: {  	[sflag:s0] =	ssyncadd.tile.s32 @!p0 $0x1;
	_ =	shalt  }
.Lfunc_end2:
_tile_overlayer_lowered:
.L_overlay_start_2:
0x124: {  	(tag) =	ssettag $0x2  }
0x125: {  	s0 =	rddreg [dreg:$0x0];
	s2 =	stileid.u32  }
0x126: {  	s1 =	rddreg [dreg:$0x1];
	p0 =	sne.s32 s2, $0x0  }
0x127: {  	s3 =	rddreg [dreg:$0x2];
	[bflag:$0x3] =	sbarrier.arrive $0xFFFF;
	s2 =	simm.s32 @!p0 $0x1C02  }
0x128: {  	[timem:s3], [sflag:s2] =	dma.local @!p0 [hbm:s0], s1  }
0x129: {  	s0 =	simm.s32 @!p0 $0x2  }
0x12a: {  	_ =	swait.ge @!p0 [sflag:s0], s1  }
0x12b: {  	s1 =	ssub.s32 @!p0 $0x0, s1;
	[sflag:s0] =	ssyncset.done @!p0 $0x0  }
0x12c: {  	[sflag:s0] =	ssyncadd.s32 @!p0 s1  }
0x12d: {  	[bflag:$0x3] =	sbarrier.arrive $0xFFFF  }
0x12e: {  	_ =	shalt  }

</sc_bundles>
